<compile_context>
chip_gen: v7x
topology: tpu7x:2x2x1
jax: 0.10.2.dev20260603
libtpu: 0.0.44.dev20260713+nightly
codegen_flags: <defaults>
</compile_context>

<pallas_src>
import functools

import jax
import jax.numpy as jnp
from jax import lax
from jax.experimental import pallas as pl
from jax.experimental.pallas import tpu as pltpu
from jax.experimental.pallas import tpu_sc as plsc

NC, NS, L = 2, 16, 16
NW = NC * NS
D = 128
CHUNK = 128


def _emb_body(ids_hbm, tt_hbm, word_hbm, ttab_hbm, out_hbm,
              idx_v, tt_v, rows_v, ttab_v, gsem, wsem):
    wid = lax.axis_index("s") * NC + lax.axis_index("c")
    n_rows = idx_v.shape[0] // CHUNK
    tpw = n_rows * CHUNK
    s = ids_hbm.shape[1]
    w_per_b = s // tpw
    b = wid // w_per_b
    c0 = (wid % w_per_b) * tpw

    pltpu.sync_copy(ids_hbm.at[b, pl.ds(c0, tpw)], idx_v)
    for k in range(n_rows):
        pltpu.async_copy(word_hbm.at[idx_v.at[pl.ds(k * CHUNK, CHUNK)]],
                         rows_v.at[pl.ds(k * CHUNK, CHUNK)], gsem.at[k])

    pltpu.sync_copy(tt_hbm.at[b, pl.ds(c0, tpw)], tt_v.at[pl.ds(0, tpw)])
    pltpu.sync_copy(ttab_hbm, ttab_v)

    tt0 = [ttab_v[0, pl.ds(j * L, L)] for j in range(D // L)]
    delta = [ttab_v[1, pl.ds(j * L, L)] - tt0[j] for j in range(D // L)]

    def chunk_body(k, _):
        off = k * CHUNK
        pltpu.make_async_copy(word_hbm.at[idx_v.at[pl.ds(off, CHUNK)]],
                              rows_v.at[pl.ds(off, CHUNK)],
                              gsem.at[k]).wait()

        def grp(g, _):
            i0 = off + g * L
            ttg = tt_v[pl.ds(i0, L)].astype(jnp.float32)
            for kk in range(L):
                i = i0 + kk
                sf = ttg[kk]
                for j in range(D // L):
                    sl = pl.ds(j * L, L)
                    rows_v[i, sl] = rows_v[i, sl] + tt0[j] + sf * delta[j]
            return 0

        lax.fori_loop(0, CHUNK // L, grp, 0)
        pltpu.async_copy(rows_v.at[pl.ds(off, CHUNK)],
                         out_hbm.at[b, pl.ds(c0 + off, CHUNK)],
                         wsem)
        return 0

    lax.fori_loop(0, n_rows, chunk_body, 0)

    for k in range(n_rows):
        pltpu.make_async_copy(rows_v.at[pl.ds(k * CHUNK, CHUNK)],
                              out_hbm.at[b, pl.ds(c0 + k * CHUNK, CHUNK)],
                              wsem).wait()


@jax.jit
def _emb(ids, tt, word, ttab):
    bsz, s = ids.shape
    n = bsz * s
    n_rows_w = n // NW // CHUNK
    mesh = plsc.VectorSubcoreMesh(core_axis_name="c", subcore_axis_name="s",
                                  num_cores=NC, num_subcores=NS)
    f = pl.kernel(
        _emb_body,
        out_type=jax.ShapeDtypeStruct((bsz, s, D), jnp.float32),
        mesh=mesh,
        scratch_types=[
            pltpu.VMEM((n_rows_w * CHUNK,), jnp.int32),
            pltpu.VMEM((n_rows_w * CHUNK + L,), jnp.int32),
            pltpu.VMEM((n_rows_w * CHUNK, D), jnp.float32),
            pltpu.VMEM((2, D), jnp.float32),
            pltpu.SemaphoreType.DMA((n_rows_w,)),
            pltpu.SemaphoreType.DMA,
        ],
    )
    return f(ids, tt, word, ttab)


def kernel(input_ids, token_type_ids, word_embeddings, token_type_embeddings):
    return _emb(input_ids.astype(jnp.int32), token_type_ids.astype(jnp.int32),
                word_embeddings, token_type_embeddings)

# --- scband reference (transcript-rebuilt; emitter-appended) ---
"""Pipeline reference for scband-mega-embeddings-55327768708054 (READ-ONLY COPY).

The authoritative reference and input builder live on the scoring server;
editing this copy changes nothing except your own understanding.
"""

import jax, jax.numpy as jnp
import numpy as np

VOCAB_SIZE = 100000
HIDDEN = 128
TYPE_VOCAB = 2
B, S = 4, 4096


def setup_inputs(seed: int = 0) -> dict:
    key = jax.random.key(seed)
    k1, k2, k3, k4 = jax.random.split(key, 4)
    input_ids = jax.random.randint(k1, (B, S), 0, VOCAB_SIZE, dtype=jnp.int64 if jax.config.jax_enable_x64 else jnp.int32)
    token_type_ids = jax.random.randint(k2, (B, S), 0, TYPE_VOCAB, dtype=jnp.int64 if jax.config.jax_enable_x64 else jnp.int32)
    word_embeddings = jax.random.normal(k3, (VOCAB_SIZE, HIDDEN), dtype=jnp.float32) * 0.02
    # padding_idx row is zero-initialized in nn.Embedding with padding_idx
    word_embeddings = word_embeddings.at[1].set(0.0)
    token_type_embeddings = jax.random.normal(k4, (TYPE_VOCAB, HIDDEN), dtype=jnp.float32) * 0.02
    return {
        "input_ids": input_ids,
        "token_type_ids": token_type_ids,
        "word_embeddings": word_embeddings,
        "token_type_embeddings": token_type_embeddings,
    }


def reference(input_ids, token_type_ids, word_embeddings, token_type_embeddings):
    # inputs_embeds = self.word_embeddings(input_ids)
    inputs_embeds = jnp.take(word_embeddings, input_ids, axis=0)
    # token_type_embeddings lookup (use_token_types=True, token_type_ids provided)
    tt_embeds = jnp.take(token_type_embeddings, token_type_ids, axis=0)
    embeddings = inputs_embeds + tt_embeds
    return embeddings

if __name__ == "__main__":
    import jax
    _d = setup_inputs()
    print(jax.jit(kernel)(*tuple(_d.values())))

</pallas_src>

<mosaic_0001>
#map = affine_map<(d0, d1) -> (0, 0)>
#map1 = affine_map<(d0, d1) -> (0, 0, 0)>
module attributes {stable_mosaic.version = 14 : i64} {
  func.func @_emb_body(%arg0: i32, %arg1: i32, %arg2: memref<4x4096xi32, #tpu.memory_space<hbm>>, %arg3: memref<4x4096xi32, #tpu.memory_space<hbm>>, %arg4: memref<100000x128xf32, #tpu.memory_space<hbm>>, %arg5: memref<2x128xf32, #tpu.memory_space<hbm>>, %arg6: memref<4x4096x128xf32, #tpu.memory_space<hbm>>, %arg7: memref<512xi32, #tpu.memory_space<vmem>>, %arg8: memref<528xi32, #tpu.memory_space<vmem>>, %arg9: memref<512x128xf32, #tpu.memory_space<vmem>>, %arg10: memref<2x128xf32, #tpu.memory_space<vmem>>, %arg11: memref<4x!tpu.dma_semaphore, #tpu.memory_space<semaphore_mem>>, %arg12: memref<!tpu.dma_semaphore, #tpu.memory_space<semaphore_mem>>) attributes {dimension_semantics = [#tpu.dimension_semantics<core_parallel>, #tpu.dimension_semantics<subcore_parallel>], iteration_bounds = array<i64: 2, 16>, scalar_prefetch = 0 : i64, scratch_operands = 6 : i64, tpu.core_type = #tpu.core_type<sc_vector_subcore>, window_params = [{transform_indices = #map}, {transform_indices = #map}, {transform_indices = #map}, {transform_indices = #map}, {transform_indices = #map1}]} {
    %mul3A = arith.constant 2 : i32
    %mul3A_0 = arith.muli %arg1, %mul3A : i32
    %add3A = arith.addi %mul3A_0, %arg0 : i32
    %jit3A = arith.constant 8 : i32
    %div3A = arith.divsi %add3A, %jit3A : i32
    %sign3A = arith.constant 0 : i32
    %sign3A_1 = arith.cmpi sgt, %add3A, %sign3A : i32
    %sign3A_2 = arith.extui %sign3A_1 : i1 to i32
    %sign3A_3 = arith.constant 0 : i32
    %sign3A_4 = arith.cmpi slt, %add3A, %sign3A_3 : i32
    %sign3A_5 = arith.extui %sign3A_4 : i1 to i32
    %sign3A_6 = arith.subi %sign3A_2, %sign3A_5 : i32
    %sign3A_7 = arith.constant 0 : i32
    %sign3A_8 = arith.cmpi sgt, %jit3A, %sign3A_7 : i32
    %sign3A_9 = arith.extui %sign3A_8 : i1 to i32
    %sign3A_10 = arith.constant 0 : i32
    %sign3A_11 = arith.cmpi slt, %jit3A, %sign3A_10 : i32
    %sign3A_12 = arith.extui %sign3A_11 : i1 to i32
    %sign3A_13 = arith.subi %sign3A_9, %sign3A_12 : i32
    %ne3A = arith.cmpi ne, %sign3A_6, %sign3A_13 : i32
    %rem3A = arith.remsi %add3A, %jit3A : i32
    %ne3A_14 = arith.constant 0 : i32
    %ne3A_15 = arith.cmpi ne, %rem3A, %ne3A_14 : i32
    %and3A = arith.andi %ne3A, %ne3A_15 : i1
    %sub3A = arith.constant 1 : i32
    %sub3A_16 = arith.subi %div3A, %sub3A : i32
    %select_n3A = arith.select %and3A, %sub3A_16, %div3A : i32
    %jit3A_17 = arith.constant 8 : i32
    %eq3A = arith.constant 0 : i32
    %eq3A_18 = arith.cmpi eq, %jit3A_17, %eq3A : i32
    %jit3A_19 = arith.constant 1 : i32
    %select_n3A_20 = arith.select %eq3A_18, %jit3A_19, %jit3A_17 : i32
    %rem3A_21 = arith.remsi %add3A, %select_n3A_20 : i32
    %ne3A_22 = arith.constant 0 : i32
    %ne3A_23 = arith.cmpi ne, %rem3A_21, %ne3A_22 : i32
    %lt3A = arith.constant 0 : i32
    %lt3A_24 = arith.cmpi slt, %rem3A_21, %lt3A : i32
    %lt3A_25 = arith.constant 0 : i32
    %lt3A_26 = arith.cmpi slt, %select_n3A_20, %lt3A_25 : i32
    %ne3A_27 = arith.xori %lt3A_24, %lt3A_26 : i1
    %and3A_28 = arith.andi %ne3A_27, %ne3A_23 : i1
    %add3A_29 = arith.addi %rem3A_21, %select_n3A_20 : i32
    %select_n3A_30 = arith.select %and3A_28, %add3A_29, %rem3A_21 : i32
    %mul3A_31 = arith.constant 512 : i32
    %mul3A_32 = arith.muli %select_n3A_30, %mul3A_31 : i32
    "tpu.region"() ({
      %run_scoped3A = tpu.sem_alloc : memref<!tpu.dma_semaphore, #tpu.memory_space<semaphore_mem>>
      %dma_start3A_224 = tpu.memref_slice %arg2[%select_n3A, %mul3A_32] : memref<4x4096xi32, #tpu.memory_space<hbm>> -> memref<1x512xi32, #tpu.memory_space<hbm>>
      %dma_start3A_225 = tpu.memref_squeeze %dma_start3A_224 : memref<1x512xi32, #tpu.memory_space<hbm>> -> memref<512xi32, #tpu.memory_space<hbm>>
      %dma_start3A_226 = tpu.memref_slice %arg2[%select_n3A, %mul3A_32] : memref<4x4096xi32, #tpu.memory_space<hbm>> -> memref<1x512xi32, #tpu.memory_space<hbm>>
      %dma_start3A_227 = tpu.memref_squeeze %dma_start3A_226 : memref<1x512xi32, #tpu.memory_space<hbm>> -> memref<512xi32, #tpu.memory_space<hbm>>
      tpu.enqueue_dma source(%dma_start3A_227 : memref<512xi32, #tpu.memory_space<hbm>>) target(%arg7 : memref<512xi32, #tpu.memory_space<vmem>>) target_semaphore(%run_scoped3A : memref<!tpu.dma_semaphore, #tpu.memory_space<semaphore_mem>>)
      %dma_wait3A_228 = tpu.memref_slice %arg2[%select_n3A, %mul3A_32] : memref<4x4096xi32, #tpu.memory_space<hbm>> -> memref<1x512xi32, #tpu.memory_space<hbm>>
      %dma_wait3A_229 = tpu.memref_squeeze %dma_wait3A_228 : memref<1x512xi32, #tpu.memory_space<hbm>> -> memref<512xi32, #tpu.memory_space<hbm>>
      %dma_wait3A_230 = tpu.memref_slice %arg2[%select_n3A, %mul3A_32] : memref<4x4096xi32, #tpu.memory_space<hbm>> -> memref<1x512xi32, #tpu.memory_space<hbm>>
      %dma_wait3A_231 = tpu.memref_squeeze %dma_wait3A_230 : memref<1x512xi32, #tpu.memory_space<hbm>> -> memref<512xi32, #tpu.memory_space<hbm>>
      tpu.wait_dma2 semaphore(%run_scoped3A : memref<!tpu.dma_semaphore, #tpu.memory_space<semaphore_mem>>) src(%dma_wait3A_231 : memref<512xi32, #tpu.memory_space<hbm>>) dst(%arg7 : memref<512xi32, #tpu.memory_space<vmem>>)
      tpu.yield
    }) : () -> ()
    %dma_start3A = arith.constant 0 : i32
    %dma_start3A_33 = arith.constant 0 : i32
    %dma_start3A_34 = arith.constant 0 : i32
    %dma_start3A_35 = tpu.memref_slice %arg9[%dma_start3A_33, %dma_start3A_34] : memref<512x128xf32, #tpu.memory_space<vmem>> -> memref<128x128xf32, #tpu.memory_space<vmem>>
    %dma_start3A_36 = arith.constant 0 : i32
    %dma_start3A_37 = tpu.memref_slice %arg7[%dma_start3A_36] : memref<512xi32, #tpu.memory_space<vmem>> -> memref<128xi32, #tpu.memory_space<vmem>>
    %dma_start3A_38 = arith.constant 0 : i32
    %dma_start3A_39 = arith.constant 0 : i32
    %dma_start3A_40 = tpu.memref_slice %arg4[%dma_start3A_38, %dma_start3A_39] : memref<100000x128xf32, #tpu.memory_space<hbm>> -> memref<100000x128xf32, #tpu.memory_space<hbm>>
    %dma_start3A_41 = tpu.memref_slice %arg11[%dma_start3A] : memref<4x!tpu.dma_semaphore, #tpu.memory_space<semaphore_mem>> -> memref<1x!tpu.dma_semaphore, #tpu.memory_space<semaphore_mem>>
    %dma_start3A_42 = tpu.memref_squeeze %dma_start3A_41 : memref<1x!tpu.dma_semaphore, #tpu.memory_space<semaphore_mem>> -> memref<!tpu.dma_semaphore, #tpu.memory_space<semaphore_mem>>
    tpu.enqueue_indirect_dma source(%dma_start3A_40 : memref<100000x128xf32, #tpu.memory_space<hbm>>) target(%dma_start3A_35 : memref<128x128xf32, #tpu.memory_space<vmem>>) offsets(%dma_start3A_37 : memref<128xi32, #tpu.memory_space<vmem>>) semaphore(%dma_start3A_42 : memref<!tpu.dma_semaphore, #tpu.memory_space<semaphore_mem>>)
    %dma_start3A_43 = arith.constant 1 : i32
    %dma_start3A_44 = arith.constant 128 : i32
    %dma_start3A_45 = arith.constant 0 : i32
    %dma_start3A_46 = tpu.memref_slice %arg9[%dma_start3A_44, %dma_start3A_45] : memref<512x128xf32, #tpu.memory_space<vmem>> -> memref<128x128xf32, #tpu.memory_space<vmem>>
    %dma_start3A_47 = arith.constant 128 : i32
    %dma_start3A_48 = tpu.memref_slice %arg7[%dma_start3A_47] : memref<512xi32, #tpu.memory_space<vmem>> -> memref<128xi32, #tpu.memory_space<vmem>>
    %dma_start3A_49 = arith.constant 0 : i32
    %dma_start3A_50 = arith.constant 0 : i32
    %dma_start3A_51 = tpu.memref_slice %arg4[%dma_start3A_49, %dma_start3A_50] : memref<100000x128xf32, #tpu.memory_space<hbm>> -> memref<100000x128xf32, #tpu.memory_space<hbm>>
    %dma_start3A_52 = tpu.memref_slice %arg11[%dma_start3A_43] : memref<4x!tpu.dma_semaphore, #tpu.memory_space<semaphore_mem>> -> memref<1x!tpu.dma_semaphore, #tpu.memory_space<semaphore_mem>>
    %dma_start3A_53 = tpu.memref_squeeze %dma_start3A_52 : memref<1x!tpu.dma_semaphore, #tpu.memory_space<semaphore_mem>> -> memref<!tpu.dma_semaphore, #tpu.memory_space<semaphore_mem>>
    tpu.enqueue_indirect_dma source(%dma_start3A_51 : memref<100000x128xf32, #tpu.memory_space<hbm>>) target(%dma_start3A_46 : memref<128x128xf32, #tpu.memory_space<vmem>>) offsets(%dma_start3A_48 : memref<128xi32, #tpu.memory_space<vmem>>) semaphore(%dma_start3A_53 : memref<!tpu.dma_semaphore, #tpu.memory_space<semaphore_mem>>)
    %dma_start3A_54 = arith.constant 2 : i32
    %dma_start3A_55 = arith.constant 256 : i32
    %dma_start3A_56 = arith.constant 0 : i32
    %dma_start3A_57 = tpu.memref_slice %arg9[%dma_start3A_55, %dma_start3A_56] : memref<512x128xf32, #tpu.memory_space<vmem>> -> memref<128x128xf32, #tpu.memory_space<vmem>>
    %dma_start3A_58 = arith.constant 256 : i32
    %dma_start3A_59 = tpu.memref_slice %arg7[%dma_start3A_58] : memref<512xi32, #tpu.memory_space<vmem>> -> memref<128xi32, #tpu.memory_space<vmem>>
    %dma_start3A_60 = arith.constant 0 : i32
    %dma_start3A_61 = arith.constant 0 : i32
    %dma_start3A_62 = tpu.memref_slice %arg4[%dma_start3A_60, %dma_start3A_61] : memref<100000x128xf32, #tpu.memory_space<hbm>> -> memref<100000x128xf32, #tpu.memory_space<hbm>>
    %dma_start3A_63 = tpu.memref_slice %arg11[%dma_start3A_54] : memref<4x!tpu.dma_semaphore, #tpu.memory_space<semaphore_mem>> -> memref<1x!tpu.dma_semaphore, #tpu.memory_space<semaphore_mem>>
    %dma_start3A_64 = tpu.memref_squeeze %dma_start3A_63 : memref<1x!tpu.dma_semaphore, #tpu.memory_space<semaphore_mem>> -> memref<!tpu.dma_semaphore, #tpu.memory_space<semaphore_mem>>
    tpu.enqueue_indirect_dma source(%dma_start3A_62 : memref<100000x128xf32, #tpu.memory_space<hbm>>) target(%dma_start3A_57 : memref<128x128xf32, #tpu.memory_space<vmem>>) offsets(%dma_start3A_59 : memref<128xi32, #tpu.memory_space<vmem>>) semaphore(%dma_start3A_64 : memref<!tpu.dma_semaphore, #tpu.memory_space<semaphore_mem>>)
    %dma_start3A_65 = arith.constant 3 : i32
    %dma_start3A_66 = arith.constant 384 : i32
    %dma_start3A_67 = arith.constant 0 : i32
    %dma_start3A_68 = tpu.memref_slice %arg9[%dma_start3A_66, %dma_start3A_67] : memref<512x128xf32, #tpu.memory_space<vmem>> -> memref<128x128xf32, #tpu.memory_space<vmem>>
    %dma_start3A_69 = arith.constant 384 : i32
    %dma_start3A_70 = tpu.memref_slice %arg7[%dma_start3A_69] : memref<512xi32, #tpu.memory_space<vmem>> -> memref<128xi32, #tpu.memory_space<vmem>>
    %dma_start3A_71 = arith.constant 0 : i32
    %dma_start3A_72 = arith.constant 0 : i32
    %dma_start3A_73 = tpu.memref_slice %arg4[%dma_start3A_71, %dma_start3A_72] : memref<100000x128xf32, #tpu.memory_space<hbm>> -> memref<100000x128xf32, #tpu.memory_space<hbm>>
    %dma_start3A_74 = tpu.memref_slice %arg11[%dma_start3A_65] : memref<4x!tpu.dma_semaphore, #tpu.memory_space<semaphore_mem>> -> memref<1x!tpu.dma_semaphore, #tpu.memory_space<semaphore_mem>>
    %dma_start3A_75 = tpu.memref_squeeze %dma_start3A_74 : memref<1x!tpu.dma_semaphore, #tpu.memory_space<semaphore_mem>> -> memref<!tpu.dma_semaphore, #tpu.memory_space<semaphore_mem>>
    tpu.enqueue_indirect_dma source(%dma_start3A_73 : memref<100000x128xf32, #tpu.memory_space<hbm>>) target(%dma_start3A_68 : memref<128x128xf32, #tpu.memory_space<vmem>>) offsets(%dma_start3A_70 : memref<128xi32, #tpu.memory_space<vmem>>) semaphore(%dma_start3A_75 : memref<!tpu.dma_semaphore, #tpu.memory_space<semaphore_mem>>)
    "tpu.region"() ({
      %run_scoped3A = tpu.sem_alloc : memref<!tpu.dma_semaphore, #tpu.memory_space<semaphore_mem>>
      %dma_start3A_224 = arith.constant 0 : i32
      %dma_start3A_225 = tpu.memref_slice %arg8[%dma_start3A_224] : memref<528xi32, #tpu.memory_space<vmem>> -> memref<512xi32, #tpu.memory_space<vmem>>
      %dma_start3A_226 = tpu.memref_slice %arg3[%select_n3A, %mul3A_32] : memref<4x4096xi32, #tpu.memory_space<hbm>> -> memref<1x512xi32, #tpu.memory_space<hbm>>
      %dma_start3A_227 = tpu.memref_squeeze %dma_start3A_226 : memref<1x512xi32, #tpu.memory_space<hbm>> -> memref<512xi32, #tpu.memory_space<hbm>>
      %dma_start3A_228 = arith.constant 0 : i32
      %dma_start3A_229 = tpu.memref_slice %arg8[%dma_start3A_228] : memref<528xi32, #tpu.memory_space<vmem>> -> memref<512xi32, #tpu.memory_space<vmem>>
      %dma_start3A_230 = tpu.memref_slice %arg3[%select_n3A, %mul3A_32] : memref<4x4096xi32, #tpu.memory_space<hbm>> -> memref<1x512xi32, #tpu.memory_space<hbm>>
      %dma_start3A_231 = tpu.memref_squeeze %dma_start3A_230 : memref<1x512xi32, #tpu.memory_space<hbm>> -> memref<512xi32, #tpu.memory_space<hbm>>
      tpu.enqueue_dma source(%dma_start3A_231 : memref<512xi32, #tpu.memory_space<hbm>>) target(%dma_start3A_229 : memref<512xi32, #tpu.memory_space<vmem>>) target_semaphore(%run_scoped3A : memref<!tpu.dma_semaphore, #tpu.memory_space<semaphore_mem>>)
      %dma_wait3A_232 = arith.constant 0 : i32
      %dma_wait3A_233 = tpu.memref_slice %arg8[%dma_wait3A_232] : memref<528xi32, #tpu.memory_space<vmem>> -> memref<512xi32, #tpu.memory_space<vmem>>
      %dma_wait3A_234 = tpu.memref_slice %arg3[%select_n3A, %mul3A_32] : memref<4x4096xi32, #tpu.memory_space<hbm>> -> memref<1x512xi32, #tpu.memory_space<hbm>>
      %dma_wait3A_235 = tpu.memref_squeeze %dma_wait3A_234 : memref<1x512xi32, #tpu.memory_space<hbm>> -> memref<512xi32, #tpu.memory_space<hbm>>
      %dma_wait3A_236 = arith.constant 0 : i32
      %dma_wait3A_237 = tpu.memref_slice %arg8[%dma_wait3A_236] : memref<528xi32, #tpu.memory_space<vmem>> -> memref<512xi32, #tpu.memory_space<vmem>>
      %dma_wait3A_238 = tpu.memref_slice %arg3[%select_n3A, %mul3A_32] : memref<4x4096xi32, #tpu.memory_space<hbm>> -> memref<1x512xi32, #tpu.memory_space<hbm>>
      %dma_wait3A_239 = tpu.memref_squeeze %dma_wait3A_238 : memref<1x512xi32, #tpu.memory_space<hbm>> -> memref<512xi32, #tpu.memory_space<hbm>>
      tpu.wait_dma2 semaphore(%run_scoped3A : memref<!tpu.dma_semaphore, #tpu.memory_space<semaphore_mem>>) src(%dma_wait3A_239 : memref<512xi32, #tpu.memory_space<hbm>>) dst(%dma_wait3A_237 : memref<512xi32, #tpu.memory_space<vmem>>)
      tpu.yield
    }) : () -> ()
    "tpu.region"() ({
      %run_scoped3A = tpu.sem_alloc : memref<!tpu.dma_semaphore, #tpu.memory_space<semaphore_mem>>
      tpu.enqueue_dma source(%arg5 : memref<2x128xf32, #tpu.memory_space<hbm>>) target(%arg10 : memref<2x128xf32, #tpu.memory_space<vmem>>) target_semaphore(%run_scoped3A : memref<!tpu.dma_semaphore, #tpu.memory_space<semaphore_mem>>)
      tpu.wait_dma2 semaphore(%run_scoped3A : memref<!tpu.dma_semaphore, #tpu.memory_space<semaphore_mem>>) src(%arg5 : memref<2x128xf32, #tpu.memory_space<hbm>>) dst(%arg10 : memref<2x128xf32, #tpu.memory_space<vmem>>)
      tpu.yield
    }) : () -> ()
    %get3A = arith.constant 0 : i32
    %get3A_76 = arith.index_cast %get3A : i32 to index
    %get3A_77 = arith.constant 0 : index
    %get3A_78 = tpu.vector_load %arg10[%get3A_76, %get3A_77] {strides = array<i32>} : memref<2x128xf32, #tpu.memory_space<vmem>>, vector<1x16xf32>,
    %get3A_79 = vector.shape_cast %get3A_78 : vector<1x16xf32> to vector<16xf32>
    %get3A_80 = arith.constant 0 : i32
    %get3A_81 = arith.index_cast %get3A_80 : i32 to index
    %get3A_82 = arith.constant 16 : index
    %get3A_83 = tpu.vector_load %arg10[%get3A_81, %get3A_82] {strides = array<i32>} : memref<2x128xf32, #tpu.memory_space<vmem>>, vector<1x16xf32>,
    %get3A_84 = vector.shape_cast %get3A_83 : vector<1x16xf32> to vector<16xf32>
    %get3A_85 = arith.constant 0 : i32
    %get3A_86 = arith.index_cast %get3A_85 : i32 to index
    %get3A_87 = arith.constant 32 : index
    %get3A_88 = tpu.vector_load %arg10[%get3A_86, %get3A_87] {strides = array<i32>} : memref<2x128xf32, #tpu.memory_space<vmem>>, vector<1x16xf32>,
    %get3A_89 = vector.shape_cast %get3A_88 : vector<1x16xf32> to vector<16xf32>
    %get3A_90 = arith.constant 0 : i32
    %get3A_91 = arith.index_cast %get3A_90 : i32 to index
    %get3A_92 = arith.constant 48 : index
    %get3A_93 = tpu.vector_load %arg10[%get3A_91, %get3A_92] {strides = array<i32>} : memref<2x128xf32, #tpu.memory_space<vmem>>, vector<1x16xf32>,
    %get3A_94 = vector.shape_cast %get3A_93 : vector<1x16xf32> to vector<16xf32>
    %get3A_95 = arith.constant 0 : i32
    %get3A_96 = arith.index_cast %get3A_95 : i32 to index
    %get3A_97 = arith.constant 64 : index
    %get3A_98 = tpu.vector_load %arg10[%get3A_96, %get3A_97] {strides = array<i32>} : memref<2x128xf32, #tpu.memory_space<vmem>>, vector<1x16xf32>,
    %get3A_99 = vector.shape_cast %get3A_98 : vector<1x16xf32> to vector<16xf32>
    %get3A_100 = arith.constant 0 : i32
    %get3A_101 = arith.index_cast %get3A_100 : i32 to index
    %get3A_102 = arith.constant 80 : index
    %get3A_103 = tpu.vector_load %arg10[%get3A_101, %get3A_102] {strides = array<i32>} : memref<2x128xf32, #tpu.memory_space<vmem>>, vector<1x16xf32>,
    %get3A_104 = vector.shape_cast %get3A_103 : vector<1x16xf32> to vector<16xf32>
    %get3A_105 = arith.constant 0 : i32
    %get3A_106 = arith.index_cast %get3A_105 : i32 to index
    %get3A_107 = arith.constant 96 : index
    %get3A_108 = tpu.vector_load %arg10[%get3A_106, %get3A_107] {strides = array<i32>} : memref<2x128xf32, #tpu.memory_space<vmem>>, vector<1x16xf32>,
    %get3A_109 = vector.shape_cast %get3A_108 : vector<1x16xf32> to vector<16xf32>
    %get3A_110 = arith.constant 0 : i32
    %get3A_111 = arith.index_cast %get3A_110 : i32 to index
    %get3A_112 = arith.constant 112 : index
    %get3A_113 = tpu.vector_load %arg10[%get3A_111, %get3A_112] {strides = array<i32>} : memref<2x128xf32, #tpu.memory_space<vmem>>, vector<1x16xf32>,
    %get3A_114 = vector.shape_cast %get3A_113 : vector<1x16xf32> to vector<16xf32>
    %get3A_115 = arith.constant 1 : i32
    %get3A_116 = arith.index_cast %get3A_115 : i32 to index
    %get3A_117 = arith.constant 0 : index
    %get3A_118 = tpu.vector_load %arg10[%get3A_116, %get3A_117] {strides = array<i32>} : memref<2x128xf32, #tpu.memory_space<vmem>>, vector<1x16xf32>,
    %get3A_119 = vector.shape_cast %get3A_118 : vector<1x16xf32> to vector<16xf32>
    %sub3A_120 = arith.subf %get3A_119, %get3A_79 : vector<16xf32>
    %get3A_121 = arith.constant 1 : i32
    %get3A_122 = arith.index_cast %get3A_121 : i32 to index
    %get3A_123 = arith.constant 16 : index
    %get3A_124 = tpu.vector_load %arg10[%get3A_122, %get3A_123] {strides = array<i32>} : memref<2x128xf32, #tpu.memory_space<vmem>>, vector<1x16xf32>,
    %get3A_125 = vector.shape_cast %get3A_124 : vector<1x16xf32> to vector<16xf32>
    %sub3A_126 = arith.subf %get3A_125, %get3A_84 : vector<16xf32>
    %get3A_127 = arith.constant 1 : i32
    %get3A_128 = arith.index_cast %get3A_127 : i32 to index
    %get3A_129 = arith.constant 32 : index
    %get3A_130 = tpu.vector_load %arg10[%get3A_128, %get3A_129] {strides = array<i32>} : memref<2x128xf32, #tpu.memory_space<vmem>>, vector<1x16xf32>,
    %get3A_131 = vector.shape_cast %get3A_130 : vector<1x16xf32> to vector<16xf32>
    %sub3A_132 = arith.subf %get3A_131, %get3A_89 : vector<16xf32>
    %get3A_133 = arith.constant 1 : i32
    %get3A_134 = arith.index_cast %get3A_133 : i32 to index
    %get3A_135 = arith.constant 48 : index
    %get3A_136 = tpu.vector_load %arg10[%get3A_134, %get3A_135] {strides = array<i32>} : memref<2x128xf32, #tpu.memory_space<vmem>>, vector<1x16xf32>,
    %get3A_137 = vector.shape_cast %get3A_136 : vector<1x16xf32> to vector<16xf32>
    %sub3A_138 = arith.subf %get3A_137, %get3A_94 : vector<16xf32>
    %get3A_139 = arith.constant 1 : i32
    %get3A_140 = arith.index_cast %get3A_139 : i32 to index
    %get3A_141 = arith.constant 64 : index
    %get3A_142 = tpu.vector_load %arg10[%get3A_140, %get3A_141] {strides = array<i32>} : memref<2x128xf32, #tpu.memory_space<vmem>>, vector<1x16xf32>,
    %get3A_143 = vector.shape_cast %get3A_142 : vector<1x16xf32> to vector<16xf32>
    %sub3A_144 = arith.subf %get3A_143, %get3A_99 : vector<16xf32>
    %get3A_145 = arith.constant 1 : i32
    %get3A_146 = arith.index_cast %get3A_145 : i32 to index
    %get3A_147 = arith.constant 80 : index
    %get3A_148 = tpu.vector_load %arg10[%get3A_146, %get3A_147] {strides = array<i32>} : memref<2x128xf32, #tpu.memory_space<vmem>>, vector<1x16xf32>,
    %get3A_149 = vector.shape_cast %get3A_148 : vector<1x16xf32> to vector<16xf32>
    %sub3A_150 = arith.subf %get3A_149, %get3A_104 : vector<16xf32>
    %get3A_151 = arith.constant 1 : i32
    %get3A_152 = arith.index_cast %get3A_151 : i32 to index
    %get3A_153 = arith.constant 96 : index
    %get3A_154 = tpu.vector_load %arg10[%get3A_152, %get3A_153] {strides = array<i32>} : memref<2x128xf32, #tpu.memory_space<vmem>>, vector<1x16xf32>,
    %get3A_155 = vector.shape_cast %get3A_154 : vector<1x16xf32> to vector<16xf32>
    %sub3A_156 = arith.subf %get3A_155, %get3A_109 : vector<16xf32>
    %get3A_157 = arith.constant 1 : i32
    %get3A_158 = arith.index_cast %get3A_157 : i32 to index
    %get3A_159 = arith.constant 112 : index
    %get3A_160 = tpu.vector_load %arg10[%get3A_158, %get3A_159] {strides = array<i32>} : memref<2x128xf32, #tpu.memory_space<vmem>>, vector<1x16xf32>,
    %get3A_161 = vector.shape_cast %get3A_160 : vector<1x16xf32> to vector<16xf32>
    %sub3A_162 = arith.subf %get3A_161, %get3A_114 : vector<16xf32>
    %scan3A = arith.constant 0 : i32
    %scan3A_163 = arith.constant 0 : i32
    %scan3A_164 = arith.constant 4 : i32
    %scan3A_165 = arith.addi %scan3A_163, %scan3A_164 : i32
    %scan3A_166 = arith.constant 1 : i32
    %scan3A_167 = scf.for %scan3A_224 = %scan3A_163 to %scan3A_165 step %scan3A_166 iter_args(%scan3A_225 = %scan3A) -> (i32)  : i32 {
      %mul3A_226 = arith.constant 128 : i32
      %mul3A_227 = arith.muli %scan3A_224, %mul3A_226 : i32
      %dma_wait3A_228 = arith.constant 0 : i32
      %dma_wait3A_229 = tpu.memref_slice %arg9[%mul3A_227, %dma_wait3A_228] : memref<512x128xf32, #tpu.memory_space<vmem>> -> memref<128x128xf32, #tpu.memory_space<vmem>>
      %dma_wait3A_230 = tpu.memref_slice %arg7[%mul3A_227] : memref<512xi32, #tpu.memory_space<vmem>> -> memref<128xi32, #tpu.memory_space<vmem>>
      %dma_wait3A_231 = arith.constant 0 : i32
      %dma_wait3A_232 = arith.constant 0 : i32
      %dma_wait3A_233 = tpu.memref_slice %arg4[%dma_wait3A_231, %dma_wait3A_232] : memref<100000x128xf32, #tpu.memory_space<hbm>> -> memref<100000x128xf32, #tpu.memory_space<hbm>>
      %dma_wait3A_234 = tpu.memref_slice %arg11[%scan3A_224] : memref<4x!tpu.dma_semaphore, #tpu.memory_space<semaphore_mem>> -> memref<1x!tpu.dma_semaphore, #tpu.memory_space<semaphore_mem>>
      %dma_wait3A_235 = tpu.memref_squeeze %dma_wait3A_234 : memref<1x!tpu.dma_semaphore, #tpu.memory_space<semaphore_mem>> -> memref<!tpu.dma_semaphore, #tpu.memory_space<semaphore_mem>>
      tpu.wait_indirect_dma semaphore(%dma_wait3A_235 : memref<!tpu.dma_semaphore, #tpu.memory_space<semaphore_mem>>) src(%dma_wait3A_233 : memref<100000x128xf32, #tpu.memory_space<hbm>>) dst(%dma_wait3A_229 : memref<128x128xf32, #tpu.memory_space<vmem>>)
      %scan3A_236 = arith.constant 0 : i32
      %scan3A_237 = arith.constant 0 : i32
      %scan3A_238 = arith.constant 8 : i32
      %scan3A_239 = arith.addi %scan3A_237, %scan3A_238 : i32
      %scan3A_240 = arith.constant 1 : i32
      %scan3A_241 = scf.for %scan3A_255 = %scan3A_237 to %scan3A_239 step %scan3A_240 iter_args(%scan3A_256 = %scan3A_236) -> (i32)  : i32 {
        %mul3A_257 = arith.constant 16 : i32
        %mul3A_258 = arith.muli %scan3A_255, %mul3A_257 : i32
        %add3A_259 = arith.addi %mul3A_227, %mul3A_258 : i32
        %get3A_260 = arith.index_cast %add3A_259 : i32 to index
        %get3A_261 = tpu.vector_load %arg8[%get3A_260] {strides = array<i32>} : memref<528xi32, #tpu.memory_space<vmem>>, vector<16xi32>,
        %get3A_262 = vector.shape_cast %get3A_261 : vector<16xi32> to vector<16xi32>
        %convert_element_type3A = arith.sitofp %get3A_262 : vector<16xi32> to vector<16xf32>
        %add3A_263 = arith.constant 0 : i32
        %add3A_264 = arith.addi %add3A_259, %add3A_263 : i32
        %slice3A = vector.extract_strided_slice %convert_element_type3A {offsets = [0], sizes = [1], strides = [1]} : vector<16xf32> to vector<1xf32>
        %squeeze3A = vector.extract %slice3A[0] : f32 from vector<1xf32>
        %get3A_265 = arith.index_cast %add3A_264 : i32 to index
        %get3A_266 = arith.constant 0 : index
        %get3A_267 = tpu.vector_load %arg9[%get3A_265, %get3A_266] {strides = array<i32>} : memref<512x128xf32, #tpu.memory_space<vmem>>, vector<1x16xf32>,
        %get3A_268 = vector.shape_cast %get3A_267 : vector<1x16xf32> to vector<16xf32>
        %add3A_269 = arith.addf %get3A_268, %get3A_79 : vector<16xf32>
        %mul3A_270 = vector.broadcast %squeeze3A : f32 to vector<16xf32>
        %mul3A_271 = arith.mulf %mul3A_270, %sub3A_120 : vector<16xf32>
        %add3A_272 = arith.addf %add3A_269, %mul3A_271 : vector<16xf32>
        %swap3A = arith.index_cast %add3A_264 : i32 to index
        %swap3A_273 = arith.constant 0 : index
        %swap3A_274 = tpu.vector_load %arg9[%swap3A, %swap3A_273] {strides = array<i32>} : memref<512x128xf32, #tpu.memory_space<vmem>>, vector<1x16xf32>,
        %swap3A_275 = vector.shape_cast %swap3A_274 : vector<1x16xf32> to vector<16xf32>
        %swap3A_276 = vector.shape_cast %add3A_272 : vector<16xf32> to vector<1x16xf32>
        tpu.vector_store %arg9[%swap3A, %swap3A_273], %swap3A_276 {strides = array<i32>} : memref<512x128xf32, #tpu.memory_space<vmem>>, vector<1x16xf32>,
        %get3A_277 = arith.index_cast %add3A_264 : i32 to index
        %get3A_278 = arith.constant 16 : index
        %get3A_279 = tpu.vector_load %arg9[%get3A_277, %get3A_278] {strides = array<i32>} : memref<512x128xf32, #tpu.memory_space<vmem>>, vector<1x16xf32>,
        %get3A_280 = vector.shape_cast %get3A_279 : vector<1x16xf32> to vector<16xf32>
        %add3A_281 = arith.addf %get3A_280, %get3A_84 : vector<16xf32>
        %mul3A_282 = vector.broadcast %squeeze3A : f32 to vector<16xf32>
        %mul3A_283 = arith.mulf %mul3A_282, %sub3A_126 : vector<16xf32>
        %add3A_284 = arith.addf %add3A_281, %mul3A_283 : vector<16xf32>
        %swap3A_285 = arith.index_cast %add3A_264 : i32 to index
        %swap3A_286 = arith.constant 16 : index
        %swap3A_287 = tpu.vector_load %arg9[%swap3A_285, %swap3A_286] {strides = array<i32>} : memref<512x128xf32, #tpu.memory_space<vmem>>, vector<1x16xf32>,
        %swap3A_288 = vector.shape_cast %swap3A_287 : vector<1x16xf32> to vector<16xf32>
        %swap3A_289 = vector.shape_cast %add3A_284 : vector<16xf32> to vector<1x16xf32>
        tpu.vector_store %arg9[%swap3A_285, %swap3A_286], %swap3A_289 {strides = array<i32>} : memref<512x128xf32, #tpu.memory_space<vmem>>, vector<1x16xf32>,
        %get3A_290 = arith.index_cast %add3A_264 : i32 to index
        %get3A_291 = arith.constant 32 : index
        %get3A_292 = tpu.vector_load %arg9[%get3A_290, %get3A_291] {strides = array<i32>} : memref<512x128xf32, #tpu.memory_space<vmem>>, vector<1x16xf32>,
        %get3A_293 = vector.shape_cast %get3A_292 : vector<1x16xf32> to vector<16xf32>
        %add3A_294 = arith.addf %get3A_293, %get3A_89 : vector<16xf32>
        %mul3A_295 = vector.broadcast %squeeze3A : f32 to vector<16xf32>
        %mul3A_296 = arith.mulf %mul3A_295, %sub3A_132 : vector<16xf32>
        %add3A_297 = arith.addf %add3A_294, %mul3A_296 : vector<16xf32>
        %swap3A_298 = arith.index_cast %add3A_264 : i32 to index
        %swap3A_299 = arith.constant 32 : index
        %swap3A_300 = tpu.vector_load %arg9[%swap3A_298, %swap3A_299] {strides = array<i32>} : memref<512x128xf32, #tpu.memory_space<vmem>>, vector<1x16xf32>,
        %swap3A_301 = vector.shape_cast %swap3A_300 : vector<1x16xf32> to vector<16xf32>
        %swap3A_302 = vector.shape_cast %add3A_297 : vector<16xf32> to vector<1x16xf32>
        tpu.vector_store %arg9[%swap3A_298, %swap3A_299], %swap3A_302 {strides = array<i32>} : memref<512x128xf32, #tpu.memory_space<vmem>>, vector<1x16xf32>,
        %get3A_303 = arith.index_cast %add3A_264 : i32 to index
        %get3A_304 = arith.constant 48 : index
        %get3A_305 = tpu.vector_load %arg9[%get3A_303, %get3A_304] {strides = array<i32>} : memref<512x128xf32, #tpu.memory_space<vmem>>, vector<1x16xf32>,
        %get3A_306 = vector.shape_cast %get3A_305 : vector<1x16xf32> to vector<16xf32>
        %add3A_307 = arith.addf %get3A_306, %get3A_94 : vector<16xf32>
        %mul3A_308 = vector.broadcast %squeeze3A : f32 to vector<16xf32>
        %mul3A_309 = arith.mulf %mul3A_308, %sub3A_138 : vector<16xf32>
        %add3A_310 = arith.addf %add3A_307, %mul3A_309 : vector<16xf32>
        %swap3A_311 = arith.index_cast %add3A_264 : i32 to index
        %swap3A_312 = arith.constant 48 : index
        %swap3A_313 = tpu.vector_load %arg9[%swap3A_311, %swap3A_312] {strides = array<i32>} : memref<512x128xf32, #tpu.memory_space<vmem>>, vector<1x16xf32>,
        %swap3A_314 = vector.shape_cast %swap3A_313 : vector<1x16xf32> to vector<16xf32>
        %swap3A_315 = vector.shape_cast %add3A_310 : vector<16xf32> to vector<1x16xf32>
        tpu.vector_store %arg9[%swap3A_311, %swap3A_312], %swap3A_315 {strides = array<i32>} : memref<512x128xf32, #tpu.memory_space<vmem>>, vector<1x16xf32>,
        %get3A_316 = arith.index_cast %add3A_264 : i32 to index
        %get3A_317 = arith.constant 64 : index
        %get3A_318 = tpu.vector_load %arg9[%get3A_316, %get3A_317] {strides = array<i32>} : memref<512x128xf32, #tpu.memory_space<vmem>>, vector<1x16xf32>,
        %get3A_319 = vector.shape_cast %get3A_318 : vector<1x16xf32> to vector<16xf32>
        %add3A_320 = arith.addf %get3A_319, %get3A_99 : vector<16xf32>
        %mul3A_321 = vector.broadcast %squeeze3A : f32 to vector<16xf32>
        %mul3A_322 = arith.mulf %mul3A_321, %sub3A_144 : vector<16xf32>
        %add3A_323 = arith.addf %add3A_320, %mul3A_322 : vector<16xf32>
        %swap3A_324 = arith.index_cast %add3A_264 : i32 to index
        %swap3A_325 = arith.constant 64 : index
        %swap3A_326 = tpu.vector_load %arg9[%swap3A_324, %swap3A_325] {strides = array<i32>} : memref<512x128xf32, #tpu.memory_space<vmem>>, vector<1x16xf32>,
        %swap3A_327 = vector.shape_cast %swap3A_326 : vector<1x16xf32> to vector<16xf32>
        %swap3A_328 = vector.shape_cast %add3A_323 : vector<16xf32> to vector<1x16xf32>
        tpu.vector_store %arg9[%swap3A_324, %swap3A_325], %swap3A_328 {strides = array<i32>} : memref<512x128xf32, #tpu.memory_space<vmem>>, vector<1x16xf32>,
        %get3A_329 = arith.index_cast %add3A_264 : i32 to index
        %get3A_330 = arith.constant 80 : index
        %get3A_331 = tpu.vector_load %arg9[%get3A_329, %get3A_330] {strides = array<i32>} : memref<512x128xf32, #tpu.memory_space<vmem>>, vector<1x16xf32>,
        %get3A_332 = vector.shape_cast %get3A_331 : vector<1x16xf32> to vector<16xf32>
        %add3A_333 = arith.addf %get3A_332, %get3A_104 : vector<16xf32>
        %mul3A_334 = vector.broadcast %squeeze3A : f32 to vector<16xf32>
        %mul3A_335 = arith.mulf %mul3A_334, %sub3A_150 : vector<16xf32>
        %add3A_336 = arith.addf %add3A_333, %mul3A_335 : vector<16xf32>
        %swap3A_337 = arith.index_cast %add3A_264 : i32 to index
        %swap3A_338 = arith.constant 80 : index
        %swap3A_339 = tpu.vector_load %arg9[%swap3A_337, %swap3A_338] {strides = array<i32>} : memref<512x128xf32, #tpu.memory_space<vmem>>, vector<1x16xf32>,
        %swap3A_340 = vector.shape_cast %swap3A_339 : vector<1x16xf32> to vector<16xf32>
        %swap3A_341 = vector.shape_cast %add3A_336 : vector<16xf32> to vector<1x16xf32>
        tpu.vector_store %arg9[%swap3A_337, %swap3A_338], %swap3A_341 {strides = array<i32>} : memref<512x128xf32, #tpu.memory_space<vmem>>, vector<1x16xf32>,
        %get3A_342 = arith.index_cast %add3A_264 : i32 to index
        %get3A_343 = arith.constant 96 : index
        %get3A_344 = tpu.vector_load %arg9[%get3A_342, %get3A_343] {strides = array<i32>} : memref<512x128xf32, #tpu.memory_space<vmem>>, vector<1x16xf32>,
        %get3A_345 = vector.shape_cast %get3A_344 : vector<1x16xf32> to vector<16xf32>
        %add3A_346 = arith.addf %get3A_345, %get3A_109 : vector<16xf32>
        %mul3A_347 = vector.broadcast %squeeze3A : f32 to vector<16xf32>
        %mul3A_348 = arith.mulf %mul3A_347, %sub3A_156 : vector<16xf32>
        %add3A_349 = arith.addf %add3A_346, %mul3A_348 : vector<16xf32>
        %swap3A_350 = arith.index_cast %add3A_264 : i32 to index
        %swap3A_351 = arith.constant 96 : index
        %swap3A_352 = tpu.vector_load %arg9[%swap3A_350, %swap3A_351] {strides = array<i32>} : memref<512x128xf32, #tpu.memory_space<vmem>>, vector<1x16xf32>,
        %swap3A_353 = vector.shape_cast %swap3A_352 : vector<1x16xf32> to vector<16xf32>
        %swap3A_354 = vector.shape_cast %add3A_349 : vector<16xf32> to vector<1x16xf32>
        tpu.vector_store %arg9[%swap3A_350, %swap3A_351], %swap3A_354 {strides = array<i32>} : memref<512x128xf32, #tpu.memory_space<vmem>>, vector<1x16xf32>,
        %get3A_355 = arith.index_cast %add3A_264 : i32 to index
        %get3A_356 = arith.constant 112 : index
        %get3A_357 = tpu.vector_load %arg9[%get3A_355, %get3A_356] {strides = array<i32>} : memref<512x128xf32, #tpu.memory_space<vmem>>, vector<1x16xf32>,
        %get3A_358 = vector.shape_cast %get3A_357 : vector<1x16xf32> to vector<16xf32>
        %add3A_359 = arith.addf %get3A_358, %get3A_114 : vector<16xf32>
        %mul3A_360 = vector.broadcast %squeeze3A : f32 to vector<16xf32>
        %mul3A_361 = arith.mulf %mul3A_360, %sub3A_162 : vector<16xf32>
        %add3A_362 = arith.addf %add3A_359, %mul3A_361 : vector<16xf32>
        %swap3A_363 = arith.index_cast %add3A_264 : i32 to index
        %swap3A_364 = arith.constant 112 : index
        %swap3A_365 = tpu.vector_load %arg9[%swap3A_363, %swap3A_364] {strides = array<i32>} : memref<512x128xf32, #tpu.memory_space<vmem>>, vector<1x16xf32>,
        %swap3A_366 = vector.shape_cast %swap3A_365 : vector<1x16xf32> to vector<16xf32>
        %swap3A_367 = vector.shape_cast %add3A_362 : vector<16xf32> to vector<1x16xf32>
        tpu.vector_store %arg9[%swap3A_363, %swap3A_364], %swap3A_367 {strides = array<i32>} : memref<512x128xf32, #tpu.memory_space<vmem>>, vector<1x16xf32>,
        %add3A_368 = arith.constant 1 : i32
        %add3A_369 = arith.addi %add3A_259, %add3A_368 : i32
        %slice3A_370 = vector.extract_strided_slice %convert_element_type3A {offsets = [1], sizes = [1], strides = [1]} : vector<16xf32> to vector<1xf32>
        %squeeze3A_371 = vector.extract %slice3A_370[0] : f32 from vector<1xf32>
        %get3A_372 = arith.index_cast %add3A_369 : i32 to index
        %get3A_373 = arith.constant 0 : index
        %get3A_374 = tpu.vector_load %arg9[%get3A_372, %get3A_373] {strides = array<i32>} : memref<512x128xf32, #tpu.memory_space<vmem>>, vector<1x16xf32>,
        %get3A_375 = vector.shape_cast %get3A_374 : vector<1x16xf32> to vector<16xf32>
        %add3A_376 = arith.addf %get3A_375, %get3A_79 : vector<16xf32>
        %mul3A_377 = vector.broadcast %squeeze3A_371 : f32 to vector<16xf32>
        %mul3A_378 = arith.mulf %mul3A_377, %sub3A_120 : vector<16xf32>
        %add3A_379 = arith.addf %add3A_376, %mul3A_378 : vector<16xf32>
        %swap3A_380 = arith.index_cast %add3A_369 : i32 to index
        %swap3A_381 = arith.constant 0 : index
        %swap3A_382 = tpu.vector_load %arg9[%swap3A_380, %swap3A_381] {strides = array<i32>} : memref<512x128xf32, #tpu.memory_space<vmem>>, vector<1x16xf32>,
        %swap3A_383 = vector.shape_cast %swap3A_382 : vector<1x16xf32> to vector<16xf32>
        %swap3A_384 = vector.shape_cast %add3A_379 : vector<16xf32> to vector<1x16xf32>
        tpu.vector_store %arg9[%swap3A_380, %swap3A_381], %swap3A_384 {strides = array<i32>} : memref<512x128xf32, #tpu.memory_space<vmem>>, vector<1x16xf32>,
        %get3A_385 = arith.index_cast %add3A_369 : i32 to index
        %get3A_386 = arith.constant 16 : index
        %get3A_387 = tpu.vector_load %arg9[%get3A_385, %get3A_386] {strides = array<i32>} : memref<512x128xf32, #tpu.memory_space<vmem>>, vector<1x16xf32>,
        %get3A_388 = vector.shape_cast %get3A_387 : vector<1x16xf32> to vector<16xf32>
        %add3A_389 = arith.addf %get3A_388, %get3A_84 : vector<16xf32>
        %mul3A_390 = vector.broadcast %squeeze3A_371 : f32 to vector<16xf32>
        %mul3A_391 = arith.mulf %mul3A_390, %sub3A_126 : vector<16xf32>
        %add3A_392 = arith.addf %add3A_389, %mul3A_391 : vector<16xf32>
        %swap3A_393 = arith.index_cast %add3A_369 : i32 to index
        %swap3A_394 = arith.constant 16 : index
        %swap3A_395 = tpu.vector_load %arg9[%swap3A_393, %swap3A_394] {strides = array<i32>} : memref<512x128xf32, #tpu.memory_space<vmem>>, vector<1x16xf32>,
        %swap3A_396 = vector.shape_cast %swap3A_395 : vector<1x16xf32> to vector<16xf32>
        %swap3A_397 = vector.shape_cast %add3A_392 : vector<16xf32> to vector<1x16xf32>
        tpu.vector_store %arg9[%swap3A_393, %swap3A_394], %swap3A_397 {strides = array<i32>} : memref<512x128xf32, #tpu.memory_space<vmem>>, vector<1x16xf32>,
        %get3A_398 = arith.index_cast %add3A_369 : i32 to index
        %get3A_399 = arith.constant 32 : index
        %get3A_400 = tpu.vector_load %arg9[%get3A_398, %get3A_399] {strides = array<i32>} : memref<512x128xf32, #tpu.memory_space<vmem>>, vector<1x16xf32>,
        %get3A_401 = vector.shape_cast %get3A_400 : vector<1x16xf32> to vector<16xf32>
        %add3A_402 = arith.addf %get3A_401, %get3A_89 : vector<16xf32>
        %mul3A_403 = vector.broadcast %squeeze3A_371 : f32 to vector<16xf32>
        %mul3A_404 = arith.mulf %mul3A_403, %sub3A_132 : vector<16xf32>
        %add3A_405 = arith.addf %add3A_402, %mul3A_404 : vector<16xf32>
        %swap3A_406 = arith.index_cast %add3A_369 : i32 to index
        %swap3A_407 = arith.constant 32 : index
        %swap3A_408 = tpu.vector_load %arg9[%swap3A_406, %swap3A_407] {strides = array<i32>} : memref<512x128xf32, #tpu.memory_space<vmem>>, vector<1x16xf32>,
        %swap3A_409 = vector.shape_cast %swap3A_408 : vector<1x16xf32> to vector<16xf32>
        %swap3A_410 = vector.shape_cast %add3A_405 : vector<16xf32> to vector<1x16xf32>
        tpu.vector_store %arg9[%swap3A_406, %swap3A_407], %swap3A_410 {strides = array<i32>} : memref<512x128xf32, #tpu.memory_space<vmem>>, vector<1x16xf32>,
        %get3A_411 = arith.index_cast %add3A_369 : i32 to index
        %get3A_412 = arith.constant 48 : index
        %get3A_413 = tpu.vector_load %arg9[%get3A_411, %get3A_412] {strides = array<i32>} : memref<512x128xf32, #tpu.memory_space<vmem>>, vector<1x16xf32>,
        %get3A_414 = vector.shape_cast %get3A_413 : vector<1x16xf32> to vector<16xf32>
        %add3A_415 = arith.addf %get3A_414, %get3A_94 : vector<16xf32>
        %mul3A_416 = vector.broadcast %squeeze3A_371 : f32 to vector<16xf32>
        %mul3A_417 = arith.mulf %mul3A_416, %sub3A_138 : vector<16xf32>
        %add3A_418 = arith.addf %add3A_415, %mul3A_417 : vector<16xf32>
        %swap3A_419 = arith.index_cast %add3A_369 : i32 to index
        %swap3A_420 = arith.constant 48 : index
        %swap3A_421 = tpu.vector_load %arg9[%swap3A_419, %swap3A_420] {strides = array<i32>} : memref<512x128xf32, #tpu.memory_space<vmem>>, vector<1x16xf32>,
        %swap3A_422 = vector.shape_cast %swap3A_421 : vector<1x16xf32> to vector<16xf32>
        %swap3A_423 = vector.shape_cast %add3A_418 : vector<16xf32> to vector<1x16xf32>
        tpu.vector_store %arg9[%swap3A_419, %swap3A_420], %swap3A_423 {strides = array<i32>} : memref<512x128xf32, #tpu.memory_space<vmem>>, vector<1x16xf32>,
        %get3A_424 = arith.index_cast %add3A_369 : i32 to index
        %get3A_425 = arith.constant 64 : index
        %get3A_426 = tpu.vector_load %arg9[%get3A_424, %get3A_425] {strides = array<i32>} : memref<512x128xf32, #tpu.memory_space<vmem>>, vector<1x16xf32>,
        %get3A_427 = vector.shape_cast %get3A_426 : vector<1x16xf32> to vector<16xf32>
        %add3A_428 = arith.addf %get3A_427, %get3A_99 : vector<16xf32>
        %mul3A_429 = vector.broadcast %squeeze3A_371 : f32 to vector<16xf32>
        %mul3A_430 = arith.mulf %mul3A_429, %sub3A_144 : vector<16xf32>
        %add3A_431 = arith.addf %add3A_428, %mul3A_430 : vector<16xf32>
        %swap3A_432 = arith.index_cast %add3A_369 : i32 to index
        %swap3A_433 = arith.constant 64 : index
        %swap3A_434 = tpu.vector_load %arg9[%swap3A_432, %swap3A_433] {strides = array<i32>} : memref<512x128xf32, #tpu.memory_space<vmem>>, vector<1x16xf32>,
        %swap3A_435 = vector.shape_cast %swap3A_434 : vector<1x16xf32> to vector<16xf32>
        %swap3A_436 = vector.shape_cast %add3A_431 : vector<16xf32> to vector<1x16xf32>
        tpu.vector_store %arg9[%swap3A_432, %swap3A_433], %swap3A_436 {strides = array<i32>} : memref<512x128xf32, #tpu.memory_space<vmem>>, vector<1x16xf32>,
        %get3A_437 = arith.index_cast %add3A_369 : i32 to index
        %get3A_438 = arith.constant 80 : index
        %get3A_439 = tpu.vector_load %arg9[%get3A_437, %get3A_438] {strides = array<i32>} : memref<512x128xf32, #tpu.memory_space<vmem>>, vector<1x16xf32>,
        %get3A_440 = vector.shape_cast %get3A_439 : vector<1x16xf32> to vector<16xf32>
        %add3A_441 = arith.addf %get3A_440, %get3A_104 : vector<16xf32>
        %mul3A_442 = vector.broadcast %squeeze3A_371 : f32 to vector<16xf32>
        %mul3A_443 = arith.mulf %mul3A_442, %sub3A_150 : vector<16xf32>
        %add3A_444 = arith.addf %add3A_441, %mul3A_443 : vector<16xf32>
        %swap3A_445 = arith.index_cast %add3A_369 : i32 to index
        %swap3A_446 = arith.constant 80 : index
        %swap3A_447 = tpu.vector_load %arg9[%swap3A_445, %swap3A_446] {strides = array<i32>} : memref<512x128xf32, #tpu.memory_space<vmem>>, vector<1x16xf32>,
        %swap3A_448 = vector.shape_cast %swap3A_447 : vector<1x16xf32> to vector<16xf32>
        %swap3A_449 = vector.shape_cast %add3A_444 : vector<16xf32> to vector<1x16xf32>
        tpu.vector_store %arg9[%swap3A_445, %swap3A_446], %swap3A_449 {strides = array<i32>} : memref<512x128xf32, #tpu.memory_space<vmem>>, vector<1x16xf32>,
        %get3A_450 = arith.index_cast %add3A_369 : i32 to index
        %get3A_451 = arith.constant 96 : index
        %get3A_452 = tpu.vector_load %arg9[%get3A_450, %get3A_451] {strides = array<i32>} : memref<512x128xf32, #tpu.memory_space<vmem>>, vector<1x16xf32>,
        %get3A_453 = vector.shape_cast %get3A_452 : vector<1x16xf32> to vector<16xf32>
        %add3A_454 = arith.addf %get3A_453, %get3A_109 : vector<16xf32>
        %mul3A_455 = vector.broadcast %squeeze3A_371 : f32 to vector<16xf32>
        %mul3A_456 = arith.mulf %mul3A_455, %sub3A_156 : vector<16xf32>
        %add3A_457 = arith.addf %add3A_454, %mul3A_456 : vector<16xf32>
        %swap3A_458 = arith.index_cast %add3A_369 : i32 to index
        %swap3A_459 = arith.constant 96 : index
        %swap3A_460 = tpu.vector_load %arg9[%swap3A_458, %swap3A_459] {strides = array<i32>} : memref<512x128xf32, #tpu.memory_space<vmem>>, vector<1x16xf32>,
        %swap3A_461 = vector.shape_cast %swap3A_460 : vector<1x16xf32> to vector<16xf32>
        %swap3A_462 = vector.shape_cast %add3A_457 : vector<16xf32> to vector<1x16xf32>
        tpu.vector_store %arg9[%swap3A_458, %swap3A_459], %swap3A_462 {strides = array<i32>} : memref<512x128xf32, #tpu.memory_space<vmem>>, vector<1x16xf32>,
        %get3A_463 = arith.index_cast %add3A_369 : i32 to index
        %get3A_464 = arith.constant 112 : index
        %get3A_465 = tpu.vector_load %arg9[%get3A_463, %get3A_464] {strides = array<i32>} : memref<512x128xf32, #tpu.memory_space<vmem>>, vector<1x16xf32>,
        %get3A_466 = vector.shape_cast %get3A_465 : vector<1x16xf32> to vector<16xf32>
        %add3A_467 = arith.addf %get3A_466, %get3A_114 : vector<16xf32>
        %mul3A_468 = vector.broadcast %squeeze3A_371 : f32 to vector<16xf32>
        %mul3A_469 = arith.mulf %mul3A_468, %sub3A_162 : vector<16xf32>
        %add3A_470 = arith.addf %add3A_467, %mul3A_469 : vector<16xf32>
        %swap3A_471 = arith.index_cast %add3A_369 : i32 to index
        %swap3A_472 = arith.constant 112 : index
        %swap3A_473 = tpu.vector_load %arg9[%swap3A_471, %swap3A_472] {strides = array<i32>} : memref<512x128xf32, #tpu.memory_space<vmem>>, vector<1x16xf32>,
        %swap3A_474 = vector.shape_cast %swap3A_473 : vector<1x16xf32> to vector<16xf32>
        %swap3A_475 = vector.shape_cast %add3A_470 : vector<16xf32> to vector<1x16xf32>
        tpu.vector_store %arg9[%swap3A_471, %swap3A_472], %swap3A_475 {strides = array<i32>} : memref<512x128xf32, #tpu.memory_space<vmem>>, vector<1x16xf32>,
        %add3A_476 = arith.constant 2 : i32
        %add3A_477 = arith.addi %add3A_259, %add3A_476 : i32
        %slice3A_478 = vector.extract_strided_slice %convert_element_type3A {offsets = [2], sizes = [1], strides = [1]} : vector<16xf32> to vector<1xf32>
        %squeeze3A_479 = vector.extract %slice3A_478[0] : f32 from vector<1xf32>
        %get3A_480 = arith.index_cast %add3A_477 : i32 to index
        %get3A_481 = arith.constant 0 : index
        %get3A_482 = tpu.vector_load %arg9[%get3A_480, %get3A_481] {strides = array<i32>} : memref<512x128xf32, #tpu.memory_space<vmem>>, vector<1x16xf32>,
        %get3A_483 = vector.shape_cast %get3A_482 : vector<1x16xf32> to vector<16xf32>
        %add3A_484 = arith.addf %get3A_483, %get3A_79 : vector<16xf32>
        %mul3A_485 = vector.broadcast %squeeze3A_479 : f32 to vector<16xf32>
        %mul3A_486 = arith.mulf %mul3A_485, %sub3A_120 : vector<16xf32>
        %add3A_487 = arith.addf %add3A_484, %mul3A_486 : vector<16xf32>
        %swap3A_488 = arith.index_cast %add3A_477 : i32 to index
        %swap3A_489 = arith.constant 0 : index
        %swap3A_490 = tpu.vector_load %arg9[%swap3A_488, %swap3A_489] {strides = array<i32>} : memref<512x128xf32, #tpu.memory_space<vmem>>, vector<1x16xf32>,
        %swap3A_491 = vector.shape_cast %swap3A_490 : vector<1x16xf32> to vector<16xf32>
        %swap3A_492 = vector.shape_cast %add3A_487 : vector<16xf32> to vector<1x16xf32>
        tpu.vector_store %arg9[%swap3A_488, %swap3A_489], %swap3A_492 {strides = array<i32>} : memref<512x128xf32, #tpu.memory_space<vmem>>, vector<1x16xf32>,
        %get3A_493 = arith.index_cast %add3A_477 : i32 to index
        %get3A_494 = arith.constant 16 : index
        %get3A_495 = tpu.vector_load %arg9[%get3A_493, %get3A_494] {strides = array<i32>} : memref<512x128xf32, #tpu.memory_space<vmem>>, vector<1x16xf32>,
        %get3A_496 = vector.shape_cast %get3A_495 : vector<1x16xf32> to vector<16xf32>
        %add3A_497 = arith.addf %get3A_496, %get3A_84 : vector<16xf32>
        %mul3A_498 = vector.broadcast %squeeze3A_479 : f32 to vector<16xf32>
        %mul3A_499 = arith.mulf %mul3A_498, %sub3A_126 : vector<16xf32>
        %add3A_500 = arith.addf %add3A_497, %mul3A_499 : vector<16xf32>
        %swap3A_501 = arith.index_cast %add3A_477 : i32 to index
        %swap3A_502 = arith.constant 16 : index
        %swap3A_503 = tpu.vector_load %arg9[%swap3A_501, %swap3A_502] {strides = array<i32>} : memref<512x128xf32, #tpu.memory_space<vmem>>, vector<1x16xf32>,
        %swap3A_504 = vector.shape_cast %swap3A_503 : vector<1x16xf32> to vector<16xf32>
        %swap3A_505 = vector.shape_cast %add3A_500 : vector<16xf32> to vector<1x16xf32>
        tpu.vector_store %arg9[%swap3A_501, %swap3A_502], %swap3A_505 {strides = array<i32>} : memref<512x128xf32, #tpu.memory_space<vmem>>, vector<1x16xf32>,
        %get3A_506 = arith.index_cast %add3A_477 : i32 to index
        %get3A_507 = arith.constant 32 : index
        %get3A_508 = tpu.vector_load %arg9[%get3A_506, %get3A_507] {strides = array<i32>} : memref<512x128xf32, #tpu.memory_space<vmem>>, vector<1x16xf32>,
        %get3A_509 = vector.shape_cast %get3A_508 : vector<1x16xf32> to vector<16xf32>
        %add3A_510 = arith.addf %get3A_509, %get3A_89 : vector<16xf32>
        %mul3A_511 = vector.broadcast %squeeze3A_479 : f32 to vector<16xf32>
        %mul3A_512 = arith.mulf %mul3A_511, %sub3A_132 : vector<16xf32>
        %add3A_513 = arith.addf %add3A_510, %mul3A_512 : vector<16xf32>
        %swap3A_514 = arith.index_cast %add3A_477 : i32 to index
        %swap3A_515 = arith.constant 32 : index
        %swap3A_516 = tpu.vector_load %arg9[%swap3A_514, %swap3A_515] {strides = array<i32>} : memref<512x128xf32, #tpu.memory_space<vmem>>, vector<1x16xf32>,
        %swap3A_517 = vector.shape_cast %swap3A_516 : vector<1x16xf32> to vector<16xf32>
        %swap3A_518 = vector.shape_cast %add3A_513 : vector<16xf32> to vector<1x16xf32>
        tpu.vector_store %arg9[%swap3A_514, %swap3A_515], %swap3A_518 {strides = array<i32>} : memref<512x128xf32, #tpu.memory_space<vmem>>, vector<1x16xf32>,
        %get3A_519 = arith.index_cast %add3A_477 : i32 to index
        %get3A_520 = arith.constant 48 : index
        %get3A_521 = tpu.vector_load %arg9[%get3A_519, %get3A_520] {strides = array<i32>} : memref<512x128xf32, #tpu.memory_space<vmem>>, vector<1x16xf32>,
        %get3A_522 = vector.shape_cast %get3A_521 : vector<1x16xf32> to vector<16xf32>
        %add3A_523 = arith.addf %get3A_522, %get3A_94 : vector<16xf32>
        %mul3A_524 = vector.broadcast %squeeze3A_479 : f32 to vector<16xf32>
        %mul3A_525 = arith.mulf %mul3A_524, %sub3A_138 : vector<16xf32>
        %add3A_526 = arith.addf %add3A_523, %mul3A_525 : vector<16xf32>
        %swap3A_527 = arith.index_cast %add3A_477 : i32 to index
        %swap3A_528 = arith.constant 48 : index
        %swap3A_529 = tpu.vector_load %arg9[%swap3A_527, %swap3A_528] {strides = array<i32>} : memref<512x128xf32, #tpu.memory_space<vmem>>, vector<1x16xf32>,
        %swap3A_530 = vector.shape_cast %swap3A_529 : vector<1x16xf32> to vector<16xf32>
        %swap3A_531 = vector.shape_cast %add3A_526 : vector<16xf32> to vector<1x16xf32>
        tpu.vector_store %arg9[%swap3A_527, %swap3A_528], %swap3A_531 {strides = array<i32>} : memref<512x128xf32, #tpu.memory_space<vmem>>, vector<1x16xf32>,
        %get3A_532 = arith.index_cast %add3A_477 : i32 to index
        %get3A_533 = arith.constant 64 : index
        %get3A_534 = tpu.vector_load %arg9[%get3A_532, %get3A_533] {strides = array<i32>} : memref<512x128xf32, #tpu.memory_space<vmem>>, vector<1x16xf32>,
        %get3A_535 = vector.shape_cast %get3A_534 : vector<1x16xf32> to vector<16xf32>
        %add3A_536 = arith.addf %get3A_535, %get3A_99 : vector<16xf32>
        %mul3A_537 = vector.broadcast %squeeze3A_479 : f32 to vector<16xf32>
        %mul3A_538 = arith.mulf %mul3A_537, %sub3A_144 : vector<16xf32>
        %add3A_539 = arith.addf %add3A_536, %mul3A_538 : vector<16xf32>
        %swap3A_540 = arith.index_cast %add3A_477 : i32 to index
        %swap3A_541 = arith.constant 64 : index
        %swap3A_542 = tpu.vector_load %arg9[%swap3A_540, %swap3A_541] {strides = array<i32>} : memref<512x128xf32, #tpu.memory_space<vmem>>, vector<1x16xf32>,
        %swap3A_543 = vector.shape_cast %swap3A_542 : vector<1x16xf32> to vector<16xf32>
        %swap3A_544 = vector.shape_cast %add3A_539 : vector<16xf32> to vector<1x16xf32>
        tpu.vector_store %arg9[%swap3A_540, %swap3A_541], %swap3A_544 {strides = array<i32>} : memref<512x128xf32, #tpu.memory_space<vmem>>, vector<1x16xf32>,
        %get3A_545 = arith.index_cast %add3A_477 : i32 to index
        %get3A_546 = arith.constant 80 : index
        %get3A_547 = tpu.vector_load %arg9[%get3A_545, %get3A_546] {strides = array<i32>} : memref<512x128xf32, #tpu.memory_space<vmem>>, vector<1x16xf32>,
        %get3A_548 = vector.shape_cast %get3A_547 : vector<1x16xf32> to vector<16xf32>
        %add3A_549 = arith.addf %get3A_548, %get3A_104 : vector<16xf32>
        %mul3A_550 = vector.broadcast %squeeze3A_479 : f32 to vector<16xf32>
        %mul3A_551 = arith.mulf %mul3A_550, %sub3A_150 : vector<16xf32>
        %add3A_552 = arith.addf %add3A_549, %mul3A_551 : vector<16xf32>
        %swap3A_553 = arith.index_cast %add3A_477 : i32 to index
        %swap3A_554 = arith.constant 80 : index
        %swap3A_555 = tpu.vector_load %arg9[%swap3A_553, %swap3A_554] {strides = array<i32>} : memref<512x128xf32, #tpu.memory_space<vmem>>, vector<1x16xf32>,
        %swap3A_556 = vector.shape_cast %swap3A_555 : vector<1x16xf32> to vector<16xf32>
        %swap3A_557 = vector.shape_cast %add3A_552 : vector<16xf32> to vector<1x16xf32>
        tpu.vector_store %arg9[%swap3A_553, %swap3A_554], %swap3A_557 {strides = array<i32>} : memref<512x128xf32, #tpu.memory_space<vmem>>, vector<1x16xf32>,
        %get3A_558 = arith.index_cast %add3A_477 : i32 to index
        %get3A_559 = arith.constant 96 : index
        %get3A_560 = tpu.vector_load %arg9[%get3A_558, %get3A_559] {strides = array<i32>} : memref<512x128xf32, #tpu.memory_space<vmem>>, vector<1x16xf32>,
        %get3A_561 = vector.shape_cast %get3A_560 : vector<1x16xf32> to vector<16xf32>
        %add3A_562 = arith.addf %get3A_561, %get3A_109 : vector<16xf32>
        %mul3A_563 = vector.broadcast %squeeze3A_479 : f32 to vector<16xf32>
        %mul3A_564 = arith.mulf %mul3A_563, %sub3A_156 : vector<16xf32>
        %add3A_565 = arith.addf %add3A_562, %mul3A_564 : vector<16xf32>
        %swap3A_566 = arith.index_cast %add3A_477 : i32 to index
        %swap3A_567 = arith.constant 96 : index
        %swap3A_568 = tpu.vector_load %arg9[%swap3A_566, %swap3A_567] {strides = array<i32>} : memref<512x128xf32, #tpu.memory_space<vmem>>, vector<1x16xf32>,
        %swap3A_569 = vector.shape_cast %swap3A_568 : vector<1x16xf32> to vector<16xf32>
        %swap3A_570 = vector.shape_cast %add3A_565 : vector<16xf32> to vector<1x16xf32>
        tpu.vector_store %arg9[%swap3A_566, %swap3A_567], %swap3A_570 {strides = array<i32>} : memref<512x128xf32, #tpu.memory_space<vmem>>, vector<1x16xf32>,
        %get3A_571 = arith.index_cast %add3A_477 : i32 to index
        %get3A_572 = arith.constant 112 : index
        %get3A_573 = tpu.vector_load %arg9[%get3A_571, %get3A_572] {strides = array<i32>} : memref<512x128xf32, #tpu.memory_space<vmem>>, vector<1x16xf32>,
        %get3A_574 = vector.shape_cast %get3A_573 : vector<1x16xf32> to vector<16xf32>
        %add3A_575 = arith.addf %get3A_574, %get3A_114 : vector<16xf32>
        %mul3A_576 = vector.broadcast %squeeze3A_479 : f32 to vector<16xf32>
        %mul3A_577 = arith.mulf %mul3A_576, %sub3A_162 : vector<16xf32>
        %add3A_578 = arith.addf %add3A_575, %mul3A_577 : vector<16xf32>
        %swap3A_579 = arith.index_cast %add3A_477 : i32 to index
        %swap3A_580 = arith.constant 112 : index
        %swap3A_581 = tpu.vector_load %arg9[%swap3A_579, %swap3A_580] {strides = array<i32>} : memref<512x128xf32, #tpu.memory_space<vmem>>, vector<1x16xf32>,
        %swap3A_582 = vector.shape_cast %swap3A_581 : vector<1x16xf32> to vector<16xf32>
        %swap3A_583 = vector.shape_cast %add3A_578 : vector<16xf32> to vector<1x16xf32>
        tpu.vector_store %arg9[%swap3A_579, %swap3A_580], %swap3A_583 {strides = array<i32>} : memref<512x128xf32, #tpu.memory_space<vmem>>, vector<1x16xf32>,
        %add3A_584 = arith.constant 3 : i32
        %add3A_585 = arith.addi %add3A_259, %add3A_584 : i32
        %slice3A_586 = vector.extract_strided_slice %convert_element_type3A {offsets = [3], sizes = [1], strides = [1]} : vector<16xf32> to vector<1xf32>
        %squeeze3A_587 = vector.extract %slice3A_586[0] : f32 from vector<1xf32>
        %get3A_588 = arith.index_cast %add3A_585 : i32 to index
        %get3A_589 = arith.constant 0 : index
        %get3A_590 = tpu.vector_load %arg9[%get3A_588, %get3A_589] {strides = array<i32>} : memref<512x128xf32, #tpu.memory_space<vmem>>, vector<1x16xf32>,
        %get3A_591 = vector.shape_cast %get3A_590 : vector<1x16xf32> to vector<16xf32>
        %add3A_592 = arith.addf %get3A_591, %get3A_79 : vector<16xf32>
        %mul3A_593 = vector.broadcast %squeeze3A_587 : f32 to vector<16xf32>
        %mul3A_594 = arith.mulf %mul3A_593, %sub3A_120 : vector<16xf32>
        %add3A_595 = arith.addf %add3A_592, %mul3A_594 : vector<16xf32>
        %swap3A_596 = arith.index_cast %add3A_585 : i32 to index
        %swap3A_597 = arith.constant 0 : index
        %swap3A_598 = tpu.vector_load %arg9[%swap3A_596, %swap3A_597] {strides = array<i32>} : memref<512x128xf32, #tpu.memory_space<vmem>>, vector<1x16xf32>,
        %swap3A_599 = vector.shape_cast %swap3A_598 : vector<1x16xf32> to vector<16xf32>
        %swap3A_600 = vector.shape_cast %add3A_595 : vector<16xf32> to vector<1x16xf32>
        tpu.vector_store %arg9[%swap3A_596, %swap3A_597], %swap3A_600 {strides = array<i32>} : memref<512x128xf32, #tpu.memory_space<vmem>>, vector<1x16xf32>,
        %get3A_601 = arith.index_cast %add3A_585 : i32 to index
        %get3A_602 = arith.constant 16 : index
        %get3A_603 = tpu.vector_load %arg9[%get3A_601, %get3A_602] {strides = array<i32>} : memref<512x128xf32, #tpu.memory_space<vmem>>, vector<1x16xf32>,
        %get3A_604 = vector.shape_cast %get3A_603 : vector<1x16xf32> to vector<16xf32>
        %add3A_605 = arith.addf %get3A_604, %get3A_84 : vector<16xf32>
        %mul3A_606 = vector.broadcast %squeeze3A_587 : f32 to vector<16xf32>
        %mul3A_607 = arith.mulf %mul3A_606, %sub3A_126 : vector<16xf32>
        %add3A_608 = arith.addf %add3A_605, %mul3A_607 : vector<16xf32>
        %swap3A_609 = arith.index_cast %add3A_585 : i32 to index
        %swap3A_610 = arith.constant 16 : index
        %swap3A_611 = tpu.vector_load %arg9[%swap3A_609, %swap3A_610] {strides = array<i32>} : memref<512x128xf32, #tpu.memory_space<vmem>>, vector<1x16xf32>,
        %swap3A_612 = vector.shape_cast %swap3A_611 : vector<1x16xf32> to vector<16xf32>
        %swap3A_613 = vector.shape_cast %add3A_608 : vector<16xf32> to vector<1x16xf32>
        tpu.vector_store %arg9[%swap3A_609, %swap3A_610], %swap3A_613 {strides = array<i32>} : memref<512x128xf32, #tpu.memory_space<vmem>>, vector<1x16xf32>,
        %get3A_614 = arith.index_cast %add3A_585 : i32 to index
        %get3A_615 = arith.constant 32 : index
        %get3A_616 = tpu.vector_load %arg9[%get3A_614, %get3A_615] {strides = array<i32>} : memref<512x128xf32, #tpu.memory_space<vmem>>, vector<1x16xf32>,
        %get3A_617 = vector.shape_cast %get3A_616 : vector<1x16xf32> to vector<16xf32>
        %add3A_618 = arith.addf %get3A_617, %get3A_89 : vector<16xf32>
        %mul3A_619 = vector.broadcast %squeeze3A_587 : f32 to vector<16xf32>
        %mul3A_620 = arith.mulf %mul3A_619, %sub3A_132 : vector<16xf32>
        %add3A_621 = arith.addf %add3A_618, %mul3A_620 : vector<16xf32>
        %swap3A_622 = arith.index_cast %add3A_585 : i32 to index
        %swap3A_623 = arith.constant 32 : index
        %swap3A_624 = tpu.vector_load %arg9[%swap3A_622, %swap3A_623] {strides = array<i32>} : memref<512x128xf32, #tpu.memory_space<vmem>>, vector<1x16xf32>,
        %swap3A_625 = vector.shape_cast %swap3A_624 : vector<1x16xf32> to vector<16xf32>
        %swap3A_626 = vector.shape_cast %add3A_621 : vector<16xf32> to vector<1x16xf32>
        tpu.vector_store %arg9[%swap3A_622, %swap3A_623], %swap3A_626 {strides = array<i32>} : memref<512x128xf32, #tpu.memory_space<vmem>>, vector<1x16xf32>,
        %get3A_627 = arith.index_cast %add3A_585 : i32 to index
        %get3A_628 = arith.constant 48 : index
        %get3A_629 = tpu.vector_load %arg9[%get3A_627, %get3A_628] {strides = array<i32>} : memref<512x128xf32, #tpu.memory_space<vmem>>, vector<1x16xf32>,
        %get3A_630 = vector.shape_cast %get3A_629 : vector<1x16xf32> to vector<16xf32>
        %add3A_631 = arith.addf %get3A_630, %get3A_94 : vector<16xf32>
        %mul3A_632 = vector.broadcast %squeeze3A_587 : f32 to vector<16xf32>
        %mul3A_633 = arith.mulf %mul3A_632, %sub3A_138 : vector<16xf32>
        %add3A_634 = arith.addf %add3A_631, %mul3A_633 : vector<16xf32>
        %swap3A_635 = arith.index_cast %add3A_585 : i32 to index
        %swap3A_636 = arith.constant 48 : index
        %swap3A_637 = tpu.vector_load %arg9[%swap3A_635, %swap3A_636] {strides = array<i32>} : memref<512x128xf32, #tpu.memory_space<vmem>>, vector<1x16xf32>,
        %swap3A_638 = vector.shape_cast %swap3A_637 : vector<1x16xf32> to vector<16xf32>
        %swap3A_639 = vector.shape_cast %add3A_634 : vector<16xf32> to vector<1x16xf32>
        tpu.vector_store %arg9[%swap3A_635, %swap3A_636], %swap3A_639 {strides = array<i32>} : memref<512x128xf32, #tpu.memory_space<vmem>>, vector<1x16xf32>,
        %get3A_640 = arith.index_cast %add3A_585 : i32 to index
        %get3A_641 = arith.constant 64 : index
        %get3A_642 = tpu.vector_load %arg9[%get3A_640, %get3A_641] {strides = array<i32>} : memref<512x128xf32, #tpu.memory_space<vmem>>, vector<1x16xf32>,
        %get3A_643 = vector.shape_cast %get3A_642 : vector<1x16xf32> to vector<16xf32>
        %add3A_644 = arith.addf %get3A_643, %get3A_99 : vector<16xf32>
        %mul3A_645 = vector.broadcast %squeeze3A_587 : f32 to vector<16xf32>
        %mul3A_646 = arith.mulf %mul3A_645, %sub3A_144 : vector<16xf32>
        %add3A_647 = arith.addf %add3A_644, %mul3A_646 : vector<16xf32>
        %swap3A_648 = arith.index_cast %add3A_585 : i32 to index
        %swap3A_649 = arith.constant 64 : index
        %swap3A_650 = tpu.vector_load %arg9[%swap3A_648, %swap3A_649] {strides = array<i32>} : memref<512x128xf32, #tpu.memory_space<vmem>>, vector<1x16xf32>,
        %swap3A_651 = vector.shape_cast %swap3A_650 : vector<1x16xf32> to vector<16xf32>
        %swap3A_652 = vector.shape_cast %add3A_647 : vector<16xf32> to vector<1x16xf32>
        tpu.vector_store %arg9[%swap3A_648, %swap3A_649], %swap3A_652 {strides = array<i32>} : memref<512x128xf32, #tpu.memory_space<vmem>>, vector<1x16xf32>,
        %get3A_653 = arith.index_cast %add3A_585 : i32 to index
        %get3A_654 = arith.constant 80 : index
        %get3A_655 = tpu.vector_load %arg9[%get3A_653, %get3A_654] {strides = array<i32>} : memref<512x128xf32, #tpu.memory_space<vmem>>, vector<1x16xf32>,
        %get3A_656 = vector.shape_cast %get3A_655 : vector<1x16xf32> to vector<16xf32>
        %add3A_657 = arith.addf %get3A_656, %get3A_104 : vector<16xf32>
        %mul3A_658 = vector.broadcast %squeeze3A_587 : f32 to vector<16xf32>
        %mul3A_659 = arith.mulf %mul3A_658, %sub3A_150 : vector<16xf32>
        %add3A_660 = arith.addf %add3A_657, %mul3A_659 : vector<16xf32>
        %swap3A_661 = arith.index_cast %add3A_585 : i32 to index
        %swap3A_662 = arith.constant 80 : index
        %swap3A_663 = tpu.vector_load %arg9[%swap3A_661, %swap3A_662] {strides = array<i32>} : memref<512x128xf32, #tpu.memory_space<vmem>>, vector<1x16xf32>,
        %swap3A_664 = vector.shape_cast %swap3A_663 : vector<1x16xf32> to vector<16xf32>
        %swap3A_665 = vector.shape_cast %add3A_660 : vector<16xf32> to vector<1x16xf32>
        tpu.vector_store %arg9[%swap3A_661, %swap3A_662], %swap3A_665 {strides = array<i32>} : memref<512x128xf32, #tpu.memory_space<vmem>>, vector<1x16xf32>,
        %get3A_666 = arith.index_cast %add3A_585 : i32 to index
        %get3A_667 = arith.constant 96 : index
        %get3A_668 = tpu.vector_load %arg9[%get3A_666, %get3A_667] {strides = array<i32>} : memref<512x128xf32, #tpu.memory_space<vmem>>, vector<1x16xf32>,
        %get3A_669 = vector.shape_cast %get3A_668 : vector<1x16xf32> to vector<16xf32>
        %add3A_670 = arith.addf %get3A_669, %get3A_109 : vector<16xf32>
        %mul3A_671 = vector.broadcast %squeeze3A_587 : f32 to vector<16xf32>
        %mul3A_672 = arith.mulf %mul3A_671, %sub3A_156 : vector<16xf32>
        %add3A_673 = arith.addf %add3A_670, %mul3A_672 : vector<16xf32>
        %swap3A_674 = arith.index_cast %add3A_585 : i32 to index
        %swap3A_675 = arith.constant 96 : index
        %swap3A_676 = tpu.vector_load %arg9[%swap3A_674, %swap3A_675] {strides = array<i32>} : memref<512x128xf32, #tpu.memory_space<vmem>>, vector<1x16xf32>,
        %swap3A_677 = vector.shape_cast %swap3A_676 : vector<1x16xf32> to vector<16xf32>
        %swap3A_678 = vector.shape_cast %add3A_673 : vector<16xf32> to vector<1x16xf32>
        tpu.vector_store %arg9[%swap3A_674, %swap3A_675], %swap3A_678 {strides = array<i32>} : memref<512x128xf32, #tpu.memory_space<vmem>>, vector<1x16xf32>,
        %get3A_679 = arith.index_cast %add3A_585 : i32 to index
        %get3A_680 = arith.constant 112 : index
        %get3A_681 = tpu.vector_load %arg9[%get3A_679, %get3A_680] {strides = array<i32>} : memref<512x128xf32, #tpu.memory_space<vmem>>, vector<1x16xf32>,
        %get3A_682 = vector.shape_cast %get3A_681 : vector<1x16xf32> to vector<16xf32>
        %add3A_683 = arith.addf %get3A_682, %get3A_114 : vector<16xf32>
        %mul3A_684 = vector.broadcast %squeeze3A_587 : f32 to vector<16xf32>
        %mul3A_685 = arith.mulf %mul3A_684, %sub3A_162 : vector<16xf32>
        %add3A_686 = arith.addf %add3A_683, %mul3A_685 : vector<16xf32>
        %swap3A_687 = arith.index_cast %add3A_585 : i32 to index
        %swap3A_688 = arith.constant 112 : index
        %swap3A_689 = tpu.vector_load %arg9[%swap3A_687, %swap3A_688] {strides = array<i32>} : memref<512x128xf32, #tpu.memory_space<vmem>>, vector<1x16xf32>,
        %swap3A_690 = vector.shape_cast %swap3A_689 : vector<1x16xf32> to vector<16xf32>
        %swap3A_691 = vector.shape_cast %add3A_686 : vector<16xf32> to vector<1x16xf32>
        tpu.vector_store %arg9[%swap3A_687, %swap3A_688], %swap3A_691 {strides = array<i32>} : memref<512x128xf32, #tpu.memory_space<vmem>>, vector<1x16xf32>,
        %add3A_692 = arith.constant 4 : i32
        %add3A_693 = arith.addi %add3A_259, %add3A_692 : i32
        %slice3A_694 = vector.extract_strided_slice %convert_element_type3A {offsets = [4], sizes = [1], strides = [1]} : vector<16xf32> to vector<1xf32>
        %squeeze3A_695 = vector.extract %slice3A_694[0] : f32 from vector<1xf32>
        %get3A_696 = arith.index_cast %add3A_693 : i32 to index
        %get3A_697 = arith.constant 0 : index
        %get3A_698 = tpu.vector_load %arg9[%get3A_696, %get3A_697] {strides = array<i32>} : memref<512x128xf32, #tpu.memory_space<vmem>>, vector<1x16xf32>,
        %get3A_699 = vector.shape_cast %get3A_698 : vector<1x16xf32> to vector<16xf32>
        %add3A_700 = arith.addf %get3A_699, %get3A_79 : vector<16xf32>
        %mul3A_701 = vector.broadcast %squeeze3A_695 : f32 to vector<16xf32>
        %mul3A_702 = arith.mulf %mul3A_701, %sub3A_120 : vector<16xf32>
        %add3A_703 = arith.addf %add3A_700, %mul3A_702 : vector<16xf32>
        %swap3A_704 = arith.index_cast %add3A_693 : i32 to index
        %swap3A_705 = arith.constant 0 : index
        %swap3A_706 = tpu.vector_load %arg9[%swap3A_704, %swap3A_705] {strides = array<i32>} : memref<512x128xf32, #tpu.memory_space<vmem>>, vector<1x16xf32>,
        %swap3A_707 = vector.shape_cast %swap3A_706 : vector<1x16xf32> to vector<16xf32>
        %swap3A_708 = vector.shape_cast %add3A_703 : vector<16xf32> to vector<1x16xf32>
        tpu.vector_store %arg9[%swap3A_704, %swap3A_705], %swap3A_708 {strides = array<i32>} : memref<512x128xf32, #tpu.memory_space<vmem>>, vector<1x16xf32>,
        %get3A_709 = arith.index_cast %add3A_693 : i32 to index
        %get3A_710 = arith.constant 16 : index
        %get3A_711 = tpu.vector_load %arg9[%get3A_709, %get3A_710] {strides = array<i32>} : memref<512x128xf32, #tpu.memory_space<vmem>>, vector<1x16xf32>,
        %get3A_712 = vector.shape_cast %get3A_711 : vector<1x16xf32> to vector<16xf32>
        %add3A_713 = arith.addf %get3A_712, %get3A_84 : vector<16xf32>
        %mul3A_714 = vector.broadcast %squeeze3A_695 : f32 to vector<16xf32>
        %mul3A_715 = arith.mulf %mul3A_714, %sub3A_126 : vector<16xf32>
        %add3A_716 = arith.addf %add3A_713, %mul3A_715 : vector<16xf32>
        %swap3A_717 = arith.index_cast %add3A_693 : i32 to index
        %swap3A_718 = arith.constant 16 : index
        %swap3A_719 = tpu.vector_load %arg9[%swap3A_717, %swap3A_718] {strides = array<i32>} : memref<512x128xf32, #tpu.memory_space<vmem>>, vector<1x16xf32>,
        %swap3A_720 = vector.shape_cast %swap3A_719 : vector<1x16xf32> to vector<16xf32>
        %swap3A_721 = vector.shape_cast %add3A_716 : vector<16xf32> to vector<1x16xf32>
        tpu.vector_store %arg9[%swap3A_717, %swap3A_718], %swap3A_721 {strides = array<i32>} : memref<512x128xf32, #tpu.memory_space<vmem>>, vector<1x16xf32>,
        %get3A_722 = arith.index_cast %add3A_693 : i32 to index
        %get3A_723 = arith.constant 32 : index
        %get3A_724 = tpu.vector_load %arg9[%get3A_722, %get3A_723] {strides = array<i32>} : memref<512x128xf32, #tpu.memory_space<vmem>>, vector<1x16xf32>,
        %get3A_725 = vector.shape_cast %get3A_724 : vector<1x16xf32> to vector<16xf32>
        %add3A_726 = arith.addf %get3A_725, %get3A_89 : vector<16xf32>
        %mul3A_727 = vector.broadcast %squeeze3A_695 : f32 to vector<16xf32>
        %mul3A_728 = arith.mulf %mul3A_727, %sub3A_132 : vector<16xf32>
        %add3A_729 = arith.addf %add3A_726, %mul3A_728 : vector<16xf32>
        %swap3A_730 = arith.index_cast %add3A_693 : i32 to index
        %swap3A_731 = arith.constant 32 : index
        %swap3A_732 = tpu.vector_load %arg9[%swap3A_730, %swap3A_731] {strides = array<i32>} : memref<512x128xf32, #tpu.memory_space<vmem>>, vector<1x16xf32>,
        %swap3A_733 = vector.shape_cast %swap3A_732 : vector<1x16xf32> to vector<16xf32>
        %swap3A_734 = vector.shape_cast %add3A_729 : vector<16xf32> to vector<1x16xf32>
        tpu.vector_store %arg9[%swap3A_730, %swap3A_731], %swap3A_734 {strides = array<i32>} : memref<512x128xf32, #tpu.memory_space<vmem>>, vector<1x16xf32>,
        %get3A_735 = arith.index_cast %add3A_693 : i32 to index
        %get3A_736 = arith.constant 48 : index
        %get3A_737 = tpu.vector_load %arg9[%get3A_735, %get3A_736] {strides = array<i32>} : memref<512x128xf32, #tpu.memory_space<vmem>>, vector<1x16xf32>,
        %get3A_738 = vector.shape_cast %get3A_737 : vector<1x16xf32> to vector<16xf32>
        %add3A_739 = arith.addf %get3A_738, %get3A_94 : vector<16xf32>
        %mul3A_740 = vector.broadcast %squeeze3A_695 : f32 to vector<16xf32>
        %mul3A_741 = arith.mulf %mul3A_740, %sub3A_138 : vector<16xf32>
        %add3A_742 = arith.addf %add3A_739, %mul3A_741 : vector<16xf32>
        %swap3A_743 = arith.index_cast %add3A_693 : i32 to index
        %swap3A_744 = arith.constant 48 : index
        %swap3A_745 = tpu.vector_load %arg9[%swap3A_743, %swap3A_744] {strides = array<i32>} : memref<512x128xf32, #tpu.memory_space<vmem>>, vector<1x16xf32>,
        %swap3A_746 = vector.shape_cast %swap3A_745 : vector<1x16xf32> to vector<16xf32>
        %swap3A_747 = vector.shape_cast %add3A_742 : vector<16xf32> to vector<1x16xf32>
        tpu.vector_store %arg9[%swap3A_743, %swap3A_744], %swap3A_747 {strides = array<i32>} : memref<512x128xf32, #tpu.memory_space<vmem>>, vector<1x16xf32>,
        %get3A_748 = arith.index_cast %add3A_693 : i32 to index
        %get3A_749 = arith.constant 64 : index
        %get3A_750 = tpu.vector_load %arg9[%get3A_748, %get3A_749] {strides = array<i32>} : memref<512x128xf32, #tpu.memory_space<vmem>>, vector<1x16xf32>,
        %get3A_751 = vector.shape_cast %get3A_750 : vector<1x16xf32> to vector<16xf32>
        %add3A_752 = arith.addf %get3A_751, %get3A_99 : vector<16xf32>
        %mul3A_753 = vector.broadcast %squeeze3A_695 : f32 to vector<16xf32>
        %mul3A_754 = arith.mulf %mul3A_753, %sub3A_144 : vector<16xf32>
        %add3A_755 = arith.addf %add3A_752, %mul3A_754 : vector<16xf32>
        %swap3A_756 = arith.index_cast %add3A_693 : i32 to index
        %swap3A_757 = arith.constant 64 : index
        %swap3A_758 = tpu.vector_load %arg9[%swap3A_756, %swap3A_757] {strides = array<i32>} : memref<512x128xf32, #tpu.memory_space<vmem>>, vector<1x16xf32>,
        %swap3A_759 = vector.shape_cast %swap3A_758 : vector<1x16xf32> to vector<16xf32>
        %swap3A_760 = vector.shape_cast %add3A_755 : vector<16xf32> to vector<1x16xf32>
        tpu.vector_store %arg9[%swap3A_756, %swap3A_757], %swap3A_760 {strides = array<i32>} : memref<512x128xf32, #tpu.memory_space<vmem>>, vector<1x16xf32>,
        %get3A_761 = arith.index_cast %add3A_693 : i32 to index
        %get3A_762 = arith.constant 80 : index
        %get3A_763 = tpu.vector_load %arg9[%get3A_761, %get3A_762] {strides = array<i32>} : memref<512x128xf32, #tpu.memory_space<vmem>>, vector<1x16xf32>,
        %get3A_764 = vector.shape_cast %get3A_763 : vector<1x16xf32> to vector<16xf32>
        %add3A_765 = arith.addf %get3A_764, %get3A_104 : vector<16xf32>
        %mul3A_766 = vector.broadcast %squeeze3A_695 : f32 to vector<16xf32>
        %mul3A_767 = arith.mulf %mul3A_766, %sub3A_150 : vector<16xf32>
        %add3A_768 = arith.addf %add3A_765, %mul3A_767 : vector<16xf32>
        %swap3A_769 = arith.index_cast %add3A_693 : i32 to index
        %swap3A_770 = arith.constant 80 : index
        %swap3A_771 = tpu.vector_load %arg9[%swap3A_769, %swap3A_770] {strides = array<i32>} : memref<512x128xf32, #tpu.memory_space<vmem>>, vector<1x16xf32>,
        %swap3A_772 = vector.shape_cast %swap3A_771 : vector<1x16xf32> to vector<16xf32>
        %swap3A_773 = vector.shape_cast %add3A_768 : vector<16xf32> to vector<1x16xf32>
        tpu.vector_store %arg9[%swap3A_769, %swap3A_770], %swap3A_773 {strides = array<i32>} : memref<512x128xf32, #tpu.memory_space<vmem>>, vector<1x16xf32>,
        %get3A_774 = arith.index_cast %add3A_693 : i32 to index
        %get3A_775 = arith.constant 96 : index
        %get3A_776 = tpu.vector_load %arg9[%get3A_774, %get3A_775] {strides = array<i32>} : memref<512x128xf32, #tpu.memory_space<vmem>>, vector<1x16xf32>,
        %get3A_777 = vector.shape_cast %get3A_776 : vector<1x16xf32> to vector<16xf32>
        %add3A_778 = arith.addf %get3A_777, %get3A_109 : vector<16xf32>
        %mul3A_779 = vector.broadcast %squeeze3A_695 : f32 to vector<16xf32>
        %mul3A_780 = arith.mulf %mul3A_779, %sub3A_156 : vector<16xf32>
        %add3A_781 = arith.addf %add3A_778, %mul3A_780 : vector<16xf32>
        %swap3A_782 = arith.index_cast %add3A_693 : i32 to index
        %swap3A_783 = arith.constant 96 : index
        %swap3A_784 = tpu.vector_load %arg9[%swap3A_782, %swap3A_783] {strides = array<i32>} : memref<512x128xf32, #tpu.memory_space<vmem>>, vector<1x16xf32>,
        %swap3A_785 = vector.shape_cast %swap3A_784 : vector<1x16xf32> to vector<16xf32>
        %swap3A_786 = vector.shape_cast %add3A_781 : vector<16xf32> to vector<1x16xf32>
        tpu.vector_store %arg9[%swap3A_782, %swap3A_783], %swap3A_786 {strides = array<i32>} : memref<512x128xf32, #tpu.memory_space<vmem>>, vector<1x16xf32>,
        %get3A_787 = arith.index_cast %add3A_693 : i32 to index
        %get3A_788 = arith.constant 112 : index
        %get3A_789 = tpu.vector_load %arg9[%get3A_787, %get3A_788] {strides = array<i32>} : memref<512x128xf32, #tpu.memory_space<vmem>>, vector<1x16xf32>,
        %get3A_790 = vector.shape_cast %get3A_789 : vector<1x16xf32> to vector<16xf32>
        %add3A_791 = arith.addf %get3A_790, %get3A_114 : vector<16xf32>
        %mul3A_792 = vector.broadcast %squeeze3A_695 : f32 to vector<16xf32>
        %mul3A_793 = arith.mulf %mul3A_792, %sub3A_162 : vector<16xf32>
        %add3A_794 = arith.addf %add3A_791, %mul3A_793 : vector<16xf32>
        %swap3A_795 = arith.index_cast %add3A_693 : i32 to index
        %swap3A_796 = arith.constant 112 : index
        %swap3A_797 = tpu.vector_load %arg9[%swap3A_795, %swap3A_796] {strides = array<i32>} : memref<512x128xf32, #tpu.memory_space<vmem>>, vector<1x16xf32>,
        %swap3A_798 = vector.shape_cast %swap3A_797 : vector<1x16xf32> to vector<16xf32>
        %swap3A_799 = vector.shape_cast %add3A_794 : vector<16xf32> to vector<1x16xf32>
        tpu.vector_store %arg9[%swap3A_795, %swap3A_796], %swap3A_799 {strides = array<i32>} : memref<512x128xf32, #tpu.memory_space<vmem>>, vector<1x16xf32>,
        %add3A_800 = arith.constant 5 : i32
        %add3A_801 = arith.addi %add3A_259, %add3A_800 : i32
        %slice3A_802 = vector.extract_strided_slice %convert_element_type3A {offsets = [5], sizes = [1], strides = [1]} : vector<16xf32> to vector<1xf32>
        %squeeze3A_803 = vector.extract %slice3A_802[0] : f32 from vector<1xf32>
        %get3A_804 = arith.index_cast %add3A_801 : i32 to index
        %get3A_805 = arith.constant 0 : index
        %get3A_806 = tpu.vector_load %arg9[%get3A_804, %get3A_805] {strides = array<i32>} : memref<512x128xf32, #tpu.memory_space<vmem>>, vector<1x16xf32>,
        %get3A_807 = vector.shape_cast %get3A_806 : vector<1x16xf32> to vector<16xf32>
        %add3A_808 = arith.addf %get3A_807, %get3A_79 : vector<16xf32>
        %mul3A_809 = vector.broadcast %squeeze3A_803 : f32 to vector<16xf32>
        %mul3A_810 = arith.mulf %mul3A_809, %sub3A_120 : vector<16xf32>
        %add3A_811 = arith.addf %add3A_808, %mul3A_810 : vector<16xf32>
        %swap3A_812 = arith.index_cast %add3A_801 : i32 to index
        %swap3A_813 = arith.constant 0 : index
        %swap3A_814 = tpu.vector_load %arg9[%swap3A_812, %swap3A_813] {strides = array<i32>} : memref<512x128xf32, #tpu.memory_space<vmem>>, vector<1x16xf32>,
        %swap3A_815 = vector.shape_cast %swap3A_814 : vector<1x16xf32> to vector<16xf32>
        %swap3A_816 = vector.shape_cast %add3A_811 : vector<16xf32> to vector<1x16xf32>
        tpu.vector_store %arg9[%swap3A_812, %swap3A_813], %swap3A_816 {strides = array<i32>} : memref<512x128xf32, #tpu.memory_space<vmem>>, vector<1x16xf32>,
        %get3A_817 = arith.index_cast %add3A_801 : i32 to index
        %get3A_818 = arith.constant 16 : index
        %get3A_819 = tpu.vector_load %arg9[%get3A_817, %get3A_818] {strides = array<i32>} : memref<512x128xf32, #tpu.memory_space<vmem>>, vector<1x16xf32>,
        %get3A_820 = vector.shape_cast %get3A_819 : vector<1x16xf32> to vector<16xf32>
        %add3A_821 = arith.addf %get3A_820, %get3A_84 : vector<16xf32>
        %mul3A_822 = vector.broadcast %squeeze3A_803 : f32 to vector<16xf32>
        %mul3A_823 = arith.mulf %mul3A_822, %sub3A_126 : vector<16xf32>
        %add3A_824 = arith.addf %add3A_821, %mul3A_823 : vector<16xf32>
        %swap3A_825 = arith.index_cast %add3A_801 : i32 to index
        %swap3A_826 = arith.constant 16 : index
        %swap3A_827 = tpu.vector_load %arg9[%swap3A_825, %swap3A_826] {strides = array<i32>} : memref<512x128xf32, #tpu.memory_space<vmem>>, vector<1x16xf32>,
        %swap3A_828 = vector.shape_cast %swap3A_827 : vector<1x16xf32> to vector<16xf32>
        %swap3A_829 = vector.shape_cast %add3A_824 : vector<16xf32> to vector<1x16xf32>
        tpu.vector_store %arg9[%swap3A_825, %swap3A_826], %swap3A_829 {strides = array<i32>} : memref<512x128xf32, #tpu.memory_space<vmem>>, vector<1x16xf32>,
        %get3A_830 = arith.index_cast %add3A_801 : i32 to index
        %get3A_831 = arith.constant 32 : index
        %get3A_832 = tpu.vector_load %arg9[%get3A_830, %get3A_831] {strides = array<i32>} : memref<512x128xf32, #tpu.memory_space<vmem>>, vector<1x16xf32>,
        %get3A_833 = vector.shape_cast %get3A_832 : vector<1x16xf32> to vector<16xf32>
        %add3A_834 = arith.addf %get3A_833, %get3A_89 : vector<16xf32>
        %mul3A_835 = vector.broadcast %squeeze3A_803 : f32 to vector<16xf32>
        %mul3A_836 = arith.mulf %mul3A_835, %sub3A_132 : vector<16xf32>
        %add3A_837 = arith.addf %add3A_834, %mul3A_836 : vector<16xf32>
        %swap3A_838 = arith.index_cast %add3A_801 : i32 to index
        %swap3A_839 = arith.constant 32 : index
        %swap3A_840 = tpu.vector_load %arg9[%swap3A_838, %swap3A_839] {strides = array<i32>} : memref<512x128xf32, #tpu.memory_space<vmem>>, vector<1x16xf32>,
        %swap3A_841 = vector.shape_cast %swap3A_840 : vector<1x16xf32> to vector<16xf32>
        %swap3A_842 = vector.shape_cast %add3A_837 : vector<16xf32> to vector<1x16xf32>
        tpu.vector_store %arg9[%swap3A_838, %swap3A_839], %swap3A_842 {strides = array<i32>} : memref<512x128xf32, #tpu.memory_space<vmem>>, vector<1x16xf32>,
        %get3A_843 = arith.index_cast %add3A_801 : i32 to index
        %get3A_844 = arith.constant 48 : index
        %get3A_845 = tpu.vector_load %arg9[%get3A_843, %get3A_844] {strides = array<i32>} : memref<512x128xf32, #tpu.memory_space<vmem>>, vector<1x16xf32>,
        %get3A_846 = vector.shape_cast %get3A_845 : vector<1x16xf32> to vector<16xf32>
        %add3A_847 = arith.addf %get3A_846, %get3A_94 : vector<16xf32>
        %mul3A_848 = vector.broadcast %squeeze3A_803 : f32 to vector<16xf32>
        %mul3A_849 = arith.mulf %mul3A_848, %sub3A_138 : vector<16xf32>
        %add3A_850 = arith.addf %add3A_847, %mul3A_849 : vector<16xf32>
        %swap3A_851 = arith.index_cast %add3A_801 : i32 to index
        %swap3A_852 = arith.constant 48 : index
        %swap3A_853 = tpu.vector_load %arg9[%swap3A_851, %swap3A_852] {strides = array<i32>} : memref<512x128xf32, #tpu.memory_space<vmem>>, vector<1x16xf32>,
        %swap3A_854 = vector.shape_cast %swap3A_853 : vector<1x16xf32> to vector<16xf32>
        %swap3A_855 = vector.shape_cast %add3A_850 : vector<16xf32> to vector<1x16xf32>
        tpu.vector_store %arg9[%swap3A_851, %swap3A_852], %swap3A_855 {strides = array<i32>} : memref<512x128xf32, #tpu.memory_space<vmem>>, vector<1x16xf32>,
        %get3A_856 = arith.index_cast %add3A_801 : i32 to index
        %get3A_857 = arith.constant 64 : index
        %get3A_858 = tpu.vector_load %arg9[%get3A_856, %get3A_857] {strides = array<i32>} : memref<512x128xf32, #tpu.memory_space<vmem>>, vector<1x16xf32>,
        %get3A_859 = vector.shape_cast %get3A_858 : vector<1x16xf32> to vector<16xf32>
        %add3A_860 = arith.addf %get3A_859, %get3A_99 : vector<16xf32>
        %mul3A_861 = vector.broadcast %squeeze3A_803 : f32 to vector<16xf32>
        %mul3A_862 = arith.mulf %mul3A_861, %sub3A_144 : vector<16xf32>
        %add3A_863 = arith.addf %add3A_860, %mul3A_862 : vector<16xf32>
        %swap3A_864 = arith.index_cast %add3A_801 : i32 to index
        %swap3A_865 = arith.constant 64 : index
        %swap3A_866 = tpu.vector_load %arg9[%swap3A_864, %swap3A_865] {strides = array<i32>} : memref<512x128xf32, #tpu.memory_space<vmem>>, vector<1x16xf32>,
        %swap3A_867 = vector.shape_cast %swap3A_866 : vector<1x16xf32> to vector<16xf32>
        %swap3A_868 = vector.shape_cast %add3A_863 : vector<16xf32> to vector<1x16xf32>
        tpu.vector_store %arg9[%swap3A_864, %swap3A_865], %swap3A_868 {strides = array<i32>} : memref<512x128xf32, #tpu.memory_space<vmem>>, vector<1x16xf32>,
        %get3A_869 = arith.index_cast %add3A_801 : i32 to index
        %get3A_870 = arith.constant 80 : index
        %get3A_871 = tpu.vector_load %arg9[%get3A_869, %get3A_870] {strides = array<i32>} : memref<512x128xf32, #tpu.memory_space<vmem>>, vector<1x16xf32>,
        %get3A_872 = vector.shape_cast %get3A_871 : vector<1x16xf32> to vector<16xf32>
        %add3A_873 = arith.addf %get3A_872, %get3A_104 : vector<16xf32>
        %mul3A_874 = vector.broadcast %squeeze3A_803 : f32 to vector<16xf32>
        %mul3A_875 = arith.mulf %mul3A_874, %sub3A_150 : vector<16xf32>
        %add3A_876 = arith.addf %add3A_873, %mul3A_875 : vector<16xf32>
        %swap3A_877 = arith.index_cast %add3A_801 : i32 to index
        %swap3A_878 = arith.constant 80 : index
        %swap3A_879 = tpu.vector_load %arg9[%swap3A_877, %swap3A_878] {strides = array<i32>} : memref<512x128xf32, #tpu.memory_space<vmem>>, vector<1x16xf32>,
        %swap3A_880 = vector.shape_cast %swap3A_879 : vector<1x16xf32> to vector<16xf32>
        %swap3A_881 = vector.shape_cast %add3A_876 : vector<16xf32> to vector<1x16xf32>
        tpu.vector_store %arg9[%swap3A_877, %swap3A_878], %swap3A_881 {strides = array<i32>} : memref<512x128xf32, #tpu.memory_space<vmem>>, vector<1x16xf32>,
        %get3A_882 = arith.index_cast %add3A_801 : i32 to index
        %get3A_883 = arith.constant 96 : index
        %get3A_884 = tpu.vector_load %arg9[%get3A_882, %get3A_883] {strides = array<i32>} : memref<512x128xf32, #tpu.memory_space<vmem>>, vector<1x16xf32>,
        %get3A_885 = vector.shape_cast %get3A_884 : vector<1x16xf32> to vector<16xf32>
        %add3A_886 = arith.addf %get3A_885, %get3A_109 : vector<16xf32>
        %mul3A_887 = vector.broadcast %squeeze3A_803 : f32 to vector<16xf32>
        %mul3A_888 = arith.mulf %mul3A_887, %sub3A_156 : vector<16xf32>
        %add3A_889 = arith.addf %add3A_886, %mul3A_888 : vector<16xf32>
        %swap3A_890 = arith.index_cast %add3A_801 : i32 to index
        %swap3A_891 = arith.constant 96 : index
        %swap3A_892 = tpu.vector_load %arg9[%swap3A_890, %swap3A_891] {strides = array<i32>} : memref<512x128xf32, #tpu.memory_space<vmem>>, vector<1x16xf32>,
        %swap3A_893 = vector.shape_cast %swap3A_892 : vector<1x16xf32> to vector<16xf32>
        %swap3A_894 = vector.shape_cast %add3A_889 : vector<16xf32> to vector<1x16xf32>
        tpu.vector_store %arg9[%swap3A_890, %swap3A_891], %swap3A_894 {strides = array<i32>} : memref<512x128xf32, #tpu.memory_space<vmem>>, vector<1x16xf32>,
        %get3A_895 = arith.index_cast %add3A_801 : i32 to index
        %get3A_896 = arith.constant 112 : index
        %get3A_897 = tpu.vector_load %arg9[%get3A_895, %get3A_896] {strides = array<i32>} : memref<512x128xf32, #tpu.memory_space<vmem>>, vector<1x16xf32>,
        %get3A_898 = vector.shape_cast %get3A_897 : vector<1x16xf32> to vector<16xf32>
        %add3A_899 = arith.addf %get3A_898, %get3A_114 : vector<16xf32>
        %mul3A_900 = vector.broadcast %squeeze3A_803 : f32 to vector<16xf32>
        %mul3A_901 = arith.mulf %mul3A_900, %sub3A_162 : vector<16xf32>
        %add3A_902 = arith.addf %add3A_899, %mul3A_901 : vector<16xf32>
        %swap3A_903 = arith.index_cast %add3A_801 : i32 to index
        %swap3A_904 = arith.constant 112 : index
        %swap3A_905 = tpu.vector_load %arg9[%swap3A_903, %swap3A_904] {strides = array<i32>} : memref<512x128xf32, #tpu.memory_space<vmem>>, vector<1x16xf32>,
        %swap3A_906 = vector.shape_cast %swap3A_905 : vector<1x16xf32> to vector<16xf32>
        %swap3A_907 = vector.shape_cast %add3A_902 : vector<16xf32> to vector<1x16xf32>
        tpu.vector_store %arg9[%swap3A_903, %swap3A_904], %swap3A_907 {strides = array<i32>} : memref<512x128xf32, #tpu.memory_space<vmem>>, vector<1x16xf32>,
        %add3A_908 = arith.constant 6 : i32
        %add3A_909 = arith.addi %add3A_259, %add3A_908 : i32
        %slice3A_910 = vector.extract_strided_slice %convert_element_type3A {offsets = [6], sizes = [1], strides = [1]} : vector<16xf32> to vector<1xf32>
        %squeeze3A_911 = vector.extract %slice3A_910[0] : f32 from vector<1xf32>
        %get3A_912 = arith.index_cast %add3A_909 : i32 to index
        %get3A_913 = arith.constant 0 : index
        %get3A_914 = tpu.vector_load %arg9[%get3A_912, %get3A_913] {strides = array<i32>} : memref<512x128xf32, #tpu.memory_space<vmem>>, vector<1x16xf32>,
        %get3A_915 = vector.shape_cast %get3A_914 : vector<1x16xf32> to vector<16xf32>
        %add3A_916 = arith.addf %get3A_915, %get3A_79 : vector<16xf32>
        %mul3A_917 = vector.broadcast %squeeze3A_911 : f32 to vector<16xf32>
        %mul3A_918 = arith.mulf %mul3A_917, %sub3A_120 : vector<16xf32>
        %add3A_919 = arith.addf %add3A_916, %mul3A_918 : vector<16xf32>
        %swap3A_920 = arith.index_cast %add3A_909 : i32 to index
        %swap3A_921 = arith.constant 0 : index
        %swap3A_922 = tpu.vector_load %arg9[%swap3A_920, %swap3A_921] {strides = array<i32>} : memref<512x128xf32, #tpu.memory_space<vmem>>, vector<1x16xf32>,
        %swap3A_923 = vector.shape_cast %swap3A_922 : vector<1x16xf32> to vector<16xf32>
        %swap3A_924 = vector.shape_cast %add3A_919 : vector<16xf32> to vector<1x16xf32>
        tpu.vector_store %arg9[%swap3A_920, %swap3A_921], %swap3A_924 {strides = array<i32>} : memref<512x128xf32, #tpu.memory_space<vmem>>, vector<1x16xf32>,
        %get3A_925 = arith.index_cast %add3A_909 : i32 to index
        %get3A_926 = arith.constant 16 : index
        %get3A_927 = tpu.vector_load %arg9[%get3A_925, %get3A_926] {strides = array<i32>} : memref<512x128xf32, #tpu.memory_space<vmem>>, vector<1x16xf32>,
        %get3A_928 = vector.shape_cast %get3A_927 : vector<1x16xf32> to vector<16xf32>
        %add3A_929 = arith.addf %get3A_928, %get3A_84 : vector<16xf32>
        %mul3A_930 = vector.broadcast %squeeze3A_911 : f32 to vector<16xf32>
        %mul3A_931 = arith.mulf %mul3A_930, %sub3A_126 : vector<16xf32>
        %add3A_932 = arith.addf %add3A_929, %mul3A_931 : vector<16xf32>
        %swap3A_933 = arith.index_cast %add3A_909 : i32 to index
        %swap3A_934 = arith.constant 16 : index
        %swap3A_935 = tpu.vector_load %arg9[%swap3A_933, %swap3A_934] {strides = array<i32>} : memref<512x128xf32, #tpu.memory_space<vmem>>, vector<1x16xf32>,
        %swap3A_936 = vector.shape_cast %swap3A_935 : vector<1x16xf32> to vector<16xf32>
        %swap3A_937 = vector.shape_cast %add3A_932 : vector<16xf32> to vector<1x16xf32>
        tpu.vector_store %arg9[%swap3A_933, %swap3A_934], %swap3A_937 {strides = array<i32>} : memref<512x128xf32, #tpu.memory_space<vmem>>, vector<1x16xf32>,
        %get3A_938 = arith.index_cast %add3A_909 : i32 to index
        %get3A_939 = arith.constant 32 : index
        %get3A_940 = tpu.vector_load %arg9[%get3A_938, %get3A_939] {strides = array<i32>} : memref<512x128xf32, #tpu.memory_space<vmem>>, vector<1x16xf32>,
        %get3A_941 = vector.shape_cast %get3A_940 : vector<1x16xf32> to vector<16xf32>
        %add3A_942 = arith.addf %get3A_941, %get3A_89 : vector<16xf32>
        %mul3A_943 = vector.broadcast %squeeze3A_911 : f32 to vector<16xf32>
        %mul3A_944 = arith.mulf %mul3A_943, %sub3A_132 : vector<16xf32>
        %add3A_945 = arith.addf %add3A_942, %mul3A_944 : vector<16xf32>
        %swap3A_946 = arith.index_cast %add3A_909 : i32 to index
        %swap3A_947 = arith.constant 32 : index
        %swap3A_948 = tpu.vector_load %arg9[%swap3A_946, %swap3A_947] {strides = array<i32>} : memref<512x128xf32, #tpu.memory_space<vmem>>, vector<1x16xf32>,
        %swap3A_949 = vector.shape_cast %swap3A_948 : vector<1x16xf32> to vector<16xf32>
        %swap3A_950 = vector.shape_cast %add3A_945 : vector<16xf32> to vector<1x16xf32>
        tpu.vector_store %arg9[%swap3A_946, %swap3A_947], %swap3A_950 {strides = array<i32>} : memref<512x128xf32, #tpu.memory_space<vmem>>, vector<1x16xf32>,
        %get3A_951 = arith.index_cast %add3A_909 : i32 to index
        %get3A_952 = arith.constant 48 : index
        %get3A_953 = tpu.vector_load %arg9[%get3A_951, %get3A_952] {strides = array<i32>} : memref<512x128xf32, #tpu.memory_space<vmem>>, vector<1x16xf32>,
        %get3A_954 = vector.shape_cast %get3A_953 : vector<1x16xf32> to vector<16xf32>
        %add3A_955 = arith.addf %get3A_954, %get3A_94 : vector<16xf32>
        %mul3A_956 = vector.broadcast %squeeze3A_911 : f32 to vector<16xf32>
        %mul3A_957 = arith.mulf %mul3A_956, %sub3A_138 : vector<16xf32>
        %add3A_958 = arith.addf %add3A_955, %mul3A_957 : vector<16xf32>
        %swap3A_959 = arith.index_cast %add3A_909 : i32 to index
        %swap3A_960 = arith.constant 48 : index
        %swap3A_961 = tpu.vector_load %arg9[%swap3A_959, %swap3A_960] {strides = array<i32>} : memref<512x128xf32, #tpu.memory_space<vmem>>, vector<1x16xf32>,
        %swap3A_962 = vector.shape_cast %swap3A_961 : vector<1x16xf32> to vector<16xf32>
        %swap3A_963 = vector.shape_cast %add3A_958 : vector<16xf32> to vector<1x16xf32>
        tpu.vector_store %arg9[%swap3A_959, %swap3A_960], %swap3A_963 {strides = array<i32>} : memref<512x128xf32, #tpu.memory_space<vmem>>, vector<1x16xf32>,
        %get3A_964 = arith.index_cast %add3A_909 : i32 to index
        %get3A_965 = arith.constant 64 : index
        %get3A_966 = tpu.vector_load %arg9[%get3A_964, %get3A_965] {strides = array<i32>} : memref<512x128xf32, #tpu.memory_space<vmem>>, vector<1x16xf32>,
        %get3A_967 = vector.shape_cast %get3A_966 : vector<1x16xf32> to vector<16xf32>
        %add3A_968 = arith.addf %get3A_967, %get3A_99 : vector<16xf32>
        %mul3A_969 = vector.broadcast %squeeze3A_911 : f32 to vector<16xf32>
        %mul3A_970 = arith.mulf %mul3A_969, %sub3A_144 : vector<16xf32>
        %add3A_971 = arith.addf %add3A_968, %mul3A_970 : vector<16xf32>
        %swap3A_972 = arith.index_cast %add3A_909 : i32 to index
        %swap3A_973 = arith.constant 64 : index
        %swap3A_974 = tpu.vector_load %arg9[%swap3A_972, %swap3A_973] {strides = array<i32>} : memref<512x128xf32, #tpu.memory_space<vmem>>, vector<1x16xf32>,
        %swap3A_975 = vector.shape_cast %swap3A_974 : vector<1x16xf32> to vector<16xf32>
        %swap3A_976 = vector.shape_cast %add3A_971 : vector<16xf32> to vector<1x16xf32>
        tpu.vector_store %arg9[%swap3A_972, %swap3A_973], %swap3A_976 {strides = array<i32>} : memref<512x128xf32, #tpu.memory_space<vmem>>, vector<1x16xf32>,
        %get3A_977 = arith.index_cast %add3A_909 : i32 to index
        %get3A_978 = arith.constant 80 : index
        %get3A_979 = tpu.vector_load %arg9[%get3A_977, %get3A_978] {strides = array<i32>} : memref<512x128xf32, #tpu.memory_space<vmem>>, vector<1x16xf32>,
        %get3A_980 = vector.shape_cast %get3A_979 : vector<1x16xf32> to vector<16xf32>
        %add3A_981 = arith.addf %get3A_980, %get3A_104 : vector<16xf32>
        %mul3A_982 = vector.broadcast %squeeze3A_911 : f32 to vector<16xf32>
        %mul3A_983 = arith.mulf %mul3A_982, %sub3A_150 : vector<16xf32>
        %add3A_984 = arith.addf %add3A_981, %mul3A_983 : vector<16xf32>
        %swap3A_985 = arith.index_cast %add3A_909 : i32 to index
        %swap3A_986 = arith.constant 80 : index
        %swap3A_987 = tpu.vector_load %arg9[%swap3A_985, %swap3A_986] {strides = array<i32>} : memref<512x128xf32, #tpu.memory_space<vmem>>, vector<1x16xf32>,
        %swap3A_988 = vector.shape_cast %swap3A_987 : vector<1x16xf32> to vector<16xf32>
        %swap3A_989 = vector.shape_cast %add3A_984 : vector<16xf32> to vector<1x16xf32>
        tpu.vector_store %arg9[%swap3A_985, %swap3A_986], %swap3A_989 {strides = array<i32>} : memref<512x128xf32, #tpu.memory_space<vmem>>, vector<1x16xf32>,
        %get3A_990 = arith.index_cast %add3A_909 : i32 to index
        %get3A_991 = arith.constant 96 : index
        %get3A_992 = tpu.vector_load %arg9[%get3A_990, %get3A_991] {strides = array<i32>} : memref<512x128xf32, #tpu.memory_space<vmem>>, vector<1x16xf32>,
        %get3A_993 = vector.shape_cast %get3A_992 : vector<1x16xf32> to vector<16xf32>
        %add3A_994 = arith.addf %get3A_993, %get3A_109 : vector<16xf32>
        %mul3A_995 = vector.broadcast %squeeze3A_911 : f32 to vector<16xf32>
        %mul3A_996 = arith.mulf %mul3A_995, %sub3A_156 : vector<16xf32>
        %add3A_997 = arith.addf %add3A_994, %mul3A_996 : vector<16xf32>
        %swap3A_998 = arith.index_cast %add3A_909 : i32 to index
        %swap3A_999 = arith.constant 96 : index
        %swap3A_1000 = tpu.vector_load %arg9[%swap3A_998, %swap3A_999] {strides = array<i32>} : memref<512x128xf32, #tpu.memory_space<vmem>>, vector<1x16xf32>,
        %swap3A_1001 = vector.shape_cast %swap3A_1000 : vector<1x16xf32> to vector<16xf32>
        %swap3A_1002 = vector.shape_cast %add3A_997 : vector<16xf32> to vector<1x16xf32>
        tpu.vector_store %arg9[%swap3A_998, %swap3A_999], %swap3A_1002 {strides = array<i32>} : memref<512x128xf32, #tpu.memory_space<vmem>>, vector<1x16xf32>,
        %get3A_1003 = arith.index_cast %add3A_909 : i32 to index
        %get3A_1004 = arith.constant 112 : index
        %get3A_1005 = tpu.vector_load %arg9[%get3A_1003, %get3A_1004] {strides = array<i32>} : memref<512x128xf32, #tpu.memory_space<vmem>>, vector<1x16xf32>,
        %get3A_1006 = vector.shape_cast %get3A_1005 : vector<1x16xf32> to vector<16xf32>
        %add3A_1007 = arith.addf %get3A_1006, %get3A_114 : vector<16xf32>
        %mul3A_1008 = vector.broadcast %squeeze3A_911 : f32 to vector<16xf32>
        %mul3A_1009 = arith.mulf %mul3A_1008, %sub3A_162 : vector<16xf32>
        %add3A_1010 = arith.addf %add3A_1007, %mul3A_1009 : vector<16xf32>
        %swap3A_1011 = arith.index_cast %add3A_909 : i32 to index
        %swap3A_1012 = arith.constant 112 : index
        %swap3A_1013 = tpu.vector_load %arg9[%swap3A_1011, %swap3A_1012] {strides = array<i32>} : memref<512x128xf32, #tpu.memory_space<vmem>>, vector<1x16xf32>,
        %swap3A_1014 = vector.shape_cast %swap3A_1013 : vector<1x16xf32> to vector<16xf32>
        %swap3A_1015 = vector.shape_cast %add3A_1010 : vector<16xf32> to vector<1x16xf32>
        tpu.vector_store %arg9[%swap3A_1011, %swap3A_1012], %swap3A_1015 {strides = array<i32>} : memref<512x128xf32, #tpu.memory_space<vmem>>, vector<1x16xf32>,
        %add3A_1016 = arith.constant 7 : i32
        %add3A_1017 = arith.addi %add3A_259, %add3A_1016 : i32
        %slice3A_1018 = vector.extract_strided_slice %convert_element_type3A {offsets = [7], sizes = [1], strides = [1]} : vector<16xf32> to vector<1xf32>
        %squeeze3A_1019 = vector.extract %slice3A_1018[0] : f32 from vector<1xf32>
        %get3A_1020 = arith.index_cast %add3A_1017 : i32 to index
        %get3A_1021 = arith.constant 0 : index
        %get3A_1022 = tpu.vector_load %arg9[%get3A_1020, %get3A_1021] {strides = array<i32>} : memref<512x128xf32, #tpu.memory_space<vmem>>, vector<1x16xf32>,
        %get3A_1023 = vector.shape_cast %get3A_1022 : vector<1x16xf32> to vector<16xf32>
        %add3A_1024 = arith.addf %get3A_1023, %get3A_79 : vector<16xf32>
        %mul3A_1025 = vector.broadcast %squeeze3A_1019 : f32 to vector<16xf32>
        %mul3A_1026 = arith.mulf %mul3A_1025, %sub3A_120 : vector<16xf32>
        %add3A_1027 = arith.addf %add3A_1024, %mul3A_1026 : vector<16xf32>
        %swap3A_1028 = arith.index_cast %add3A_1017 : i32 to index
        %swap3A_1029 = arith.constant 0 : index
        %swap3A_1030 = tpu.vector_load %arg9[%swap3A_1028, %swap3A_1029] {strides = array<i32>} : memref<512x128xf32, #tpu.memory_space<vmem>>, vector<1x16xf32>,
        %swap3A_1031 = vector.shape_cast %swap3A_1030 : vector<1x16xf32> to vector<16xf32>
        %swap3A_1032 = vector.shape_cast %add3A_1027 : vector<16xf32> to vector<1x16xf32>
        tpu.vector_store %arg9[%swap3A_1028, %swap3A_1029], %swap3A_1032 {strides = array<i32>} : memref<512x128xf32, #tpu.memory_space<vmem>>, vector<1x16xf32>,
        %get3A_1033 = arith.index_cast %add3A_1017 : i32 to index
        %get3A_1034 = arith.constant 16 : index
        %get3A_1035 = tpu.vector_load %arg9[%get3A_1033, %get3A_1034] {strides = array<i32>} : memref<512x128xf32, #tpu.memory_space<vmem>>, vector<1x16xf32>,
        %get3A_1036 = vector.shape_cast %get3A_1035 : vector<1x16xf32> to vector<16xf32>
        %add3A_1037 = arith.addf %get3A_1036, %get3A_84 : vector<16xf32>
        %mul3A_1038 = vector.broadcast %squeeze3A_1019 : f32 to vector<16xf32>
        %mul3A_1039 = arith.mulf %mul3A_1038, %sub3A_126 : vector<16xf32>
        %add3A_1040 = arith.addf %add3A_1037, %mul3A_1039 : vector<16xf32>
        %swap3A_1041 = arith.index_cast %add3A_1017 : i32 to index
        %swap3A_1042 = arith.constant 16 : index
        %swap3A_1043 = tpu.vector_load %arg9[%swap3A_1041, %swap3A_1042] {strides = array<i32>} : memref<512x128xf32, #tpu.memory_space<vmem>>, vector<1x16xf32>,
        %swap3A_1044 = vector.shape_cast %swap3A_1043 : vector<1x16xf32> to vector<16xf32>
        %swap3A_1045 = vector.shape_cast %add3A_1040 : vector<16xf32> to vector<1x16xf32>
        tpu.vector_store %arg9[%swap3A_1041, %swap3A_1042], %swap3A_1045 {strides = array<i32>} : memref<512x128xf32, #tpu.memory_space<vmem>>, vector<1x16xf32>,
        %get3A_1046 = arith.index_cast %add3A_1017 : i32 to index
        %get3A_1047 = arith.constant 32 : index
        %get3A_1048 = tpu.vector_load %arg9[%get3A_1046, %get3A_1047] {strides = array<i32>} : memref<512x128xf32, #tpu.memory_space<vmem>>, vector<1x16xf32>,
        %get3A_1049 = vector.shape_cast %get3A_1048 : vector<1x16xf32> to vector<16xf32>
        %add3A_1050 = arith.addf %get3A_1049, %get3A_89 : vector<16xf32>
        %mul3A_1051 = vector.broadcast %squeeze3A_1019 : f32 to vector<16xf32>
        %mul3A_1052 = arith.mulf %mul3A_1051, %sub3A_132 : vector<16xf32>
        %add3A_1053 = arith.addf %add3A_1050, %mul3A_1052 : vector<16xf32>
        %swap3A_1054 = arith.index_cast %add3A_1017 : i32 to index
        %swap3A_1055 = arith.constant 32 : index
        %swap3A_1056 = tpu.vector_load %arg9[%swap3A_1054, %swap3A_1055] {strides = array<i32>} : memref<512x128xf32, #tpu.memory_space<vmem>>, vector<1x16xf32>,
        %swap3A_1057 = vector.shape_cast %swap3A_1056 : vector<1x16xf32> to vector<16xf32>
        %swap3A_1058 = vector.shape_cast %add3A_1053 : vector<16xf32> to vector<1x16xf32>
        tpu.vector_store %arg9[%swap3A_1054, %swap3A_1055], %swap3A_1058 {strides = array<i32>} : memref<512x128xf32, #tpu.memory_space<vmem>>, vector<1x16xf32>,
        %get3A_1059 = arith.index_cast %add3A_1017 : i32 to index
        %get3A_1060 = arith.constant 48 : index
        %get3A_1061 = tpu.vector_load %arg9[%get3A_1059, %get3A_1060] {strides = array<i32>} : memref<512x128xf32, #tpu.memory_space<vmem>>, vector<1x16xf32>,
        %get3A_1062 = vector.shape_cast %get3A_1061 : vector<1x16xf32> to vector<16xf32>
        %add3A_1063 = arith.addf %get3A_1062, %get3A_94 : vector<16xf32>
        %mul3A_1064 = vector.broadcast %squeeze3A_1019 : f32 to vector<16xf32>
        %mul3A_1065 = arith.mulf %mul3A_1064, %sub3A_138 : vector<16xf32>
        %add3A_1066 = arith.addf %add3A_1063, %mul3A_1065 : vector<16xf32>
        %swap3A_1067 = arith.index_cast %add3A_1017 : i32 to index
        %swap3A_1068 = arith.constant 48 : index
        %swap3A_1069 = tpu.vector_load %arg9[%swap3A_1067, %swap3A_1068] {strides = array<i32>} : memref<512x128xf32, #tpu.memory_space<vmem>>, vector<1x16xf32>,
        %swap3A_1070 = vector.shape_cast %swap3A_1069 : vector<1x16xf32> to vector<16xf32>
        %swap3A_1071 = vector.shape_cast %add3A_1066 : vector<16xf32> to vector<1x16xf32>
        tpu.vector_store %arg9[%swap3A_1067, %swap3A_1068], %swap3A_1071 {strides = array<i32>} : memref<512x128xf32, #tpu.memory_space<vmem>>, vector<1x16xf32>,
        %get3A_1072 = arith.index_cast %add3A_1017 : i32 to index
        %get3A_1073 = arith.constant 64 : index
        %get3A_1074 = tpu.vector_load %arg9[%get3A_1072, %get3A_1073] {strides = array<i32>} : memref<512x128xf32, #tpu.memory_space<vmem>>, vector<1x16xf32>,
        %get3A_1075 = vector.shape_cast %get3A_1074 : vector<1x16xf32> to vector<16xf32>
        %add3A_1076 = arith.addf %get3A_1075, %get3A_99 : vector<16xf32>
        %mul3A_1077 = vector.broadcast %squeeze3A_1019 : f32 to vector<16xf32>
        %mul3A_1078 = arith.mulf %mul3A_1077, %sub3A_144 : vector<16xf32>
        %add3A_1079 = arith.addf %add3A_1076, %mul3A_1078 : vector<16xf32>
        %swap3A_1080 = arith.index_cast %add3A_1017 : i32 to index
        %swap3A_1081 = arith.constant 64 : index
        %swap3A_1082 = tpu.vector_load %arg9[%swap3A_1080, %swap3A_1081] {strides = array<i32>} : memref<512x128xf32, #tpu.memory_space<vmem>>, vector<1x16xf32>,
        %swap3A_1083 = vector.shape_cast %swap3A_1082 : vector<1x16xf32> to vector<16xf32>
        %swap3A_1084 = vector.shape_cast %add3A_1079 : vector<16xf32> to vector<1x16xf32>
        tpu.vector_store %arg9[%swap3A_1080, %swap3A_1081], %swap3A_1084 {strides = array<i32>} : memref<512x128xf32, #tpu.memory_space<vmem>>, vector<1x16xf32>,
        %get3A_1085 = arith.index_cast %add3A_1017 : i32 to index
        %get3A_1086 = arith.constant 80 : index
        %get3A_1087 = tpu.vector_load %arg9[%get3A_1085, %get3A_1086] {strides = array<i32>} : memref<512x128xf32, #tpu.memory_space<vmem>>, vector<1x16xf32>,
        %get3A_1088 = vector.shape_cast %get3A_1087 : vector<1x16xf32> to vector<16xf32>
        %add3A_1089 = arith.addf %get3A_1088, %get3A_104 : vector<16xf32>
        %mul3A_1090 = vector.broadcast %squeeze3A_1019 : f32 to vector<16xf32>
        %mul3A_1091 = arith.mulf %mul3A_1090, %sub3A_150 : vector<16xf32>
        %add3A_1092 = arith.addf %add3A_1089, %mul3A_1091 : vector<16xf32>
        %swap3A_1093 = arith.index_cast %add3A_1017 : i32 to index
        %swap3A_1094 = arith.constant 80 : index
        %swap3A_1095 = tpu.vector_load %arg9[%swap3A_1093, %swap3A_1094] {strides = array<i32>} : memref<512x128xf32, #tpu.memory_space<vmem>>, vector<1x16xf32>,
        %swap3A_1096 = vector.shape_cast %swap3A_1095 : vector<1x16xf32> to vector<16xf32>
        %swap3A_1097 = vector.shape_cast %add3A_1092 : vector<16xf32> to vector<1x16xf32>
        tpu.vector_store %arg9[%swap3A_1093, %swap3A_1094], %swap3A_1097 {strides = array<i32>} : memref<512x128xf32, #tpu.memory_space<vmem>>, vector<1x16xf32>,
        %get3A_1098 = arith.index_cast %add3A_1017 : i32 to index
        %get3A_1099 = arith.constant 96 : index
        %get3A_1100 = tpu.vector_load %arg9[%get3A_1098, %get3A_1099] {strides = array<i32>} : memref<512x128xf32, #tpu.memory_space<vmem>>, vector<1x16xf32>,
        %get3A_1101 = vector.shape_cast %get3A_1100 : vector<1x16xf32> to vector<16xf32>
        %add3A_1102 = arith.addf %get3A_1101, %get3A_109 : vector<16xf32>
        %mul3A_1103 = vector.broadcast %squeeze3A_1019 : f32 to vector<16xf32>
        %mul3A_1104 = arith.mulf %mul3A_1103, %sub3A_156 : vector<16xf32>
        %add3A_1105 = arith.addf %add3A_1102, %mul3A_1104 : vector<16xf32>
        %swap3A_1106 = arith.index_cast %add3A_1017 : i32 to index
        %swap3A_1107 = arith.constant 96 : index
        %swap3A_1108 = tpu.vector_load %arg9[%swap3A_1106, %swap3A_1107] {strides = array<i32>} : memref<512x128xf32, #tpu.memory_space<vmem>>, vector<1x16xf32>,
        %swap3A_1109 = vector.shape_cast %swap3A_1108 : vector<1x16xf32> to vector<16xf32>
        %swap3A_1110 = vector.shape_cast %add3A_1105 : vector<16xf32> to vector<1x16xf32>
        tpu.vector_store %arg9[%swap3A_1106, %swap3A_1107], %swap3A_1110 {strides = array<i32>} : memref<512x128xf32, #tpu.memory_space<vmem>>, vector<1x16xf32>,
        %get3A_1111 = arith.index_cast %add3A_1017 : i32 to index
        %get3A_1112 = arith.constant 112 : index
        %get3A_1113 = tpu.vector_load %arg9[%get3A_1111, %get3A_1112] {strides = array<i32>} : memref<512x128xf32, #tpu.memory_space<vmem>>, vector<1x16xf32>,
        %get3A_1114 = vector.shape_cast %get3A_1113 : vector<1x16xf32> to vector<16xf32>
        %add3A_1115 = arith.addf %get3A_1114, %get3A_114 : vector<16xf32>
        %mul3A_1116 = vector.broadcast %squeeze3A_1019 : f32 to vector<16xf32>
        %mul3A_1117 = arith.mulf %mul3A_1116, %sub3A_162 : vector<16xf32>
        %add3A_1118 = arith.addf %add3A_1115, %mul3A_1117 : vector<16xf32>
        %swap3A_1119 = arith.index_cast %add3A_1017 : i32 to index
        %swap3A_1120 = arith.constant 112 : index
        %swap3A_1121 = tpu.vector_load %arg9[%swap3A_1119, %swap3A_1120] {strides = array<i32>} : memref<512x128xf32, #tpu.memory_space<vmem>>, vector<1x16xf32>,
        %swap3A_1122 = vector.shape_cast %swap3A_1121 : vector<1x16xf32> to vector<16xf32>
        %swap3A_1123 = vector.shape_cast %add3A_1118 : vector<16xf32> to vector<1x16xf32>
        tpu.vector_store %arg9[%swap3A_1119, %swap3A_1120], %swap3A_1123 {strides = array<i32>} : memref<512x128xf32, #tpu.memory_space<vmem>>, vector<1x16xf32>,
        %add3A_1124 = arith.constant 8 : i32
        %add3A_1125 = arith.addi %add3A_259, %add3A_1124 : i32
        %slice3A_1126 = vector.extract_strided_slice %convert_element_type3A {offsets = [8], sizes = [1], strides = [1]} : vector<16xf32> to vector<1xf32>
        %squeeze3A_1127 = vector.extract %slice3A_1126[0] : f32 from vector<1xf32>
        %get3A_1128 = arith.index_cast %add3A_1125 : i32 to index
        %get3A_1129 = arith.constant 0 : index
        %get3A_1130 = tpu.vector_load %arg9[%get3A_1128, %get3A_1129] {strides = array<i32>} : memref<512x128xf32, #tpu.memory_space<vmem>>, vector<1x16xf32>,
        %get3A_1131 = vector.shape_cast %get3A_1130 : vector<1x16xf32> to vector<16xf32>
        %add3A_1132 = arith.addf %get3A_1131, %get3A_79 : vector<16xf32>
        %mul3A_1133 = vector.broadcast %squeeze3A_1127 : f32 to vector<16xf32>
        %mul3A_1134 = arith.mulf %mul3A_1133, %sub3A_120 : vector<16xf32>
        %add3A_1135 = arith.addf %add3A_1132, %mul3A_1134 : vector<16xf32>
        %swap3A_1136 = arith.index_cast %add3A_1125 : i32 to index
        %swap3A_1137 = arith.constant 0 : index
        %swap3A_1138 = tpu.vector_load %arg9[%swap3A_1136, %swap3A_1137] {strides = array<i32>} : memref<512x128xf32, #tpu.memory_space<vmem>>, vector<1x16xf32>,
        %swap3A_1139 = vector.shape_cast %swap3A_1138 : vector<1x16xf32> to vector<16xf32>
        %swap3A_1140 = vector.shape_cast %add3A_1135 : vector<16xf32> to vector<1x16xf32>
        tpu.vector_store %arg9[%swap3A_1136, %swap3A_1137], %swap3A_1140 {strides = array<i32>} : memref<512x128xf32, #tpu.memory_space<vmem>>, vector<1x16xf32>,
        %get3A_1141 = arith.index_cast %add3A_1125 : i32 to index
        %get3A_1142 = arith.constant 16 : index
        %get3A_1143 = tpu.vector_load %arg9[%get3A_1141, %get3A_1142] {strides = array<i32>} : memref<512x128xf32, #tpu.memory_space<vmem>>, vector<1x16xf32>,
        %get3A_1144 = vector.shape_cast %get3A_1143 : vector<1x16xf32> to vector<16xf32>
        %add3A_1145 = arith.addf %get3A_1144, %get3A_84 : vector<16xf32>
        %mul3A_1146 = vector.broadcast %squeeze3A_1127 : f32 to vector<16xf32>
        %mul3A_1147 = arith.mulf %mul3A_1146, %sub3A_126 : vector<16xf32>
        %add3A_1148 = arith.addf %add3A_1145, %mul3A_1147 : vector<16xf32>
        %swap3A_1149 = arith.index_cast %add3A_1125 : i32 to index
        %swap3A_1150 = arith.constant 16 : index
        %swap3A_1151 = tpu.vector_load %arg9[%swap3A_1149, %swap3A_1150] {strides = array<i32>} : memref<512x128xf32, #tpu.memory_space<vmem>>, vector<1x16xf32>,
        %swap3A_1152 = vector.shape_cast %swap3A_1151 : vector<1x16xf32> to vector<16xf32>
        %swap3A_1153 = vector.shape_cast %add3A_1148 : vector<16xf32> to vector<1x16xf32>
        tpu.vector_store %arg9[%swap3A_1149, %swap3A_1150], %swap3A_1153 {strides = array<i32>} : memref<512x128xf32, #tpu.memory_space<vmem>>, vector<1x16xf32>,
        %get3A_1154 = arith.index_cast %add3A_1125 : i32 to index
        %get3A_1155 = arith.constant 32 : index
        %get3A_1156 = tpu.vector_load %arg9[%get3A_1154, %get3A_1155] {strides = array<i32>} : memref<512x128xf32, #tpu.memory_space<vmem>>, vector<1x16xf32>,
        %get3A_1157 = vector.shape_cast %get3A_1156 : vector<1x16xf32> to vector<16xf32>
        %add3A_1158 = arith.addf %get3A_1157, %get3A_89 : vector<16xf32>
        %mul3A_1159 = vector.broadcast %squeeze3A_1127 : f32 to vector<16xf32>
        %mul3A_1160 = arith.mulf %mul3A_1159, %sub3A_132 : vector<16xf32>
        %add3A_1161 = arith.addf %add3A_1158, %mul3A_1160 : vector<16xf32>
        %swap3A_1162 = arith.index_cast %add3A_1125 : i32 to index
        %swap3A_1163 = arith.constant 32 : index
        %swap3A_1164 = tpu.vector_load %arg9[%swap3A_1162, %swap3A_1163] {strides = array<i32>} : memref<512x128xf32, #tpu.memory_space<vmem>>, vector<1x16xf32>,
        %swap3A_1165 = vector.shape_cast %swap3A_1164 : vector<1x16xf32> to vector<16xf32>
        %swap3A_1166 = vector.shape_cast %add3A_1161 : vector<16xf32> to vector<1x16xf32>
        tpu.vector_store %arg9[%swap3A_1162, %swap3A_1163], %swap3A_1166 {strides = array<i32>} : memref<512x128xf32, #tpu.memory_space<vmem>>, vector<1x16xf32>,
        %get3A_1167 = arith.index_cast %add3A_1125 : i32 to index
        %get3A_1168 = arith.constant 48 : index
        %get3A_1169 = tpu.vector_load %arg9[%get3A_1167, %get3A_1168] {strides = array<i32>} : memref<512x128xf32, #tpu.memory_space<vmem>>, vector<1x16xf32>,
        %get3A_1170 = vector.shape_cast %get3A_1169 : vector<1x16xf32> to vector<16xf32>
        %add3A_1171 = arith.addf %get3A_1170, %get3A_94 : vector<16xf32>
        %mul3A_1172 = vector.broadcast %squeeze3A_1127 : f32 to vector<16xf32>
        %mul3A_1173 = arith.mulf %mul3A_1172, %sub3A_138 : vector<16xf32>
        %add3A_1174 = arith.addf %add3A_1171, %mul3A_1173 : vector<16xf32>
        %swap3A_1175 = arith.index_cast %add3A_1125 : i32 to index
        %swap3A_1176 = arith.constant 48 : index
        %swap3A_1177 = tpu.vector_load %arg9[%swap3A_1175, %swap3A_1176] {strides = array<i32>} : memref<512x128xf32, #tpu.memory_space<vmem>>, vector<1x16xf32>,
        %swap3A_1178 = vector.shape_cast %swap3A_1177 : vector<1x16xf32> to vector<16xf32>
        %swap3A_1179 = vector.shape_cast %add3A_1174 : vector<16xf32> to vector<1x16xf32>
        tpu.vector_store %arg9[%swap3A_1175, %swap3A_1176], %swap3A_1179 {strides = array<i32>} : memref<512x128xf32, #tpu.memory_space<vmem>>, vector<1x16xf32>,
        %get3A_1180 = arith.index_cast %add3A_1125 : i32 to index
        %get3A_1181 = arith.constant 64 : index
        %get3A_1182 = tpu.vector_load %arg9[%get3A_1180, %get3A_1181] {strides = array<i32>} : memref<512x128xf32, #tpu.memory_space<vmem>>, vector<1x16xf32>,
        %get3A_1183 = vector.shape_cast %get3A_1182 : vector<1x16xf32> to vector<16xf32>
        %add3A_1184 = arith.addf %get3A_1183, %get3A_99 : vector<16xf32>
        %mul3A_1185 = vector.broadcast %squeeze3A_1127 : f32 to vector<16xf32>
        %mul3A_1186 = arith.mulf %mul3A_1185, %sub3A_144 : vector<16xf32>
        %add3A_1187 = arith.addf %add3A_1184, %mul3A_1186 : vector<16xf32>
        %swap3A_1188 = arith.index_cast %add3A_1125 : i32 to index
        %swap3A_1189 = arith.constant 64 : index
        %swap3A_1190 = tpu.vector_load %arg9[%swap3A_1188, %swap3A_1189] {strides = array<i32>} : memref<512x128xf32, #tpu.memory_space<vmem>>, vector<1x16xf32>,
        %swap3A_1191 = vector.shape_cast %swap3A_1190 : vector<1x16xf32> to vector<16xf32>
        %swap3A_1192 = vector.shape_cast %add3A_1187 : vector<16xf32> to vector<1x16xf32>
        tpu.vector_store %arg9[%swap3A_1188, %swap3A_1189], %swap3A_1192 {strides = array<i32>} : memref<512x128xf32, #tpu.memory_space<vmem>>, vector<1x16xf32>,
        %get3A_1193 = arith.index_cast %add3A_1125 : i32 to index
        %get3A_1194 = arith.constant 80 : index
        %get3A_1195 = tpu.vector_load %arg9[%get3A_1193, %get3A_1194] {strides = array<i32>} : memref<512x128xf32, #tpu.memory_space<vmem>>, vector<1x16xf32>,
        %get3A_1196 = vector.shape_cast %get3A_1195 : vector<1x16xf32> to vector<16xf32>
        %add3A_1197 = arith.addf %get3A_1196, %get3A_104 : vector<16xf32>
        %mul3A_1198 = vector.broadcast %squeeze3A_1127 : f32 to vector<16xf32>
        %mul3A_1199 = arith.mulf %mul3A_1198, %sub3A_150 : vector<16xf32>
        %add3A_1200 = arith.addf %add3A_1197, %mul3A_1199 : vector<16xf32>
        %swap3A_1201 = arith.index_cast %add3A_1125 : i32 to index
        %swap3A_1202 = arith.constant 80 : index
        %swap3A_1203 = tpu.vector_load %arg9[%swap3A_1201, %swap3A_1202] {strides = array<i32>} : memref<512x128xf32, #tpu.memory_space<vmem>>, vector<1x16xf32>,
        %swap3A_1204 = vector.shape_cast %swap3A_1203 : vector<1x16xf32> to vector<16xf32>
        %swap3A_1205 = vector.shape_cast %add3A_1200 : vector<16xf32> to vector<1x16xf32>
        tpu.vector_store %arg9[%swap3A_1201, %swap3A_1202], %swap3A_1205 {strides = array<i32>} : memref<512x128xf32, #tpu.memory_space<vmem>>, vector<1x16xf32>,
        %get3A_1206 = arith.index_cast %add3A_1125 : i32 to index
        %get3A_1207 = arith.constant 96 : index
        %get3A_1208 = tpu.vector_load %arg9[%get3A_1206, %get3A_1207] {strides = array<i32>} : memref<512x128xf32, #tpu.memory_space<vmem>>, vector<1x16xf32>,
        %get3A_1209 = vector.shape_cast %get3A_1208 : vector<1x16xf32> to vector<16xf32>
        %add3A_1210 = arith.addf %get3A_1209, %get3A_109 : vector<16xf32>
        %mul3A_1211 = vector.broadcast %squeeze3A_1127 : f32 to vector<16xf32>
        %mul3A_1212 = arith.mulf %mul3A_1211, %sub3A_156 : vector<16xf32>
        %add3A_1213 = arith.addf %add3A_1210, %mul3A_1212 : vector<16xf32>
        %swap3A_1214 = arith.index_cast %add3A_1125 : i32 to index
        %swap3A_1215 = arith.constant 96 : index
        %swap3A_1216 = tpu.vector_load %arg9[%swap3A_1214, %swap3A_1215] {strides = array<i32>} : memref<512x128xf32, #tpu.memory_space<vmem>>, vector<1x16xf32>,
        %swap3A_1217 = vector.shape_cast %swap3A_1216 : vector<1x16xf32> to vector<16xf32>
        %swap3A_1218 = vector.shape_cast %add3A_1213 : vector<16xf32> to vector<1x16xf32>
        tpu.vector_store %arg9[%swap3A_1214, %swap3A_1215], %swap3A_1218 {strides = array<i32>} : memref<512x128xf32, #tpu.memory_space<vmem>>, vector<1x16xf32>,
        %get3A_1219 = arith.index_cast %add3A_1125 : i32 to index
        %get3A_1220 = arith.constant 112 : index
        %get3A_1221 = tpu.vector_load %arg9[%get3A_1219, %get3A_1220] {strides = array<i32>} : memref<512x128xf32, #tpu.memory_space<vmem>>, vector<1x16xf32>,
        %get3A_1222 = vector.shape_cast %get3A_1221 : vector<1x16xf32> to vector<16xf32>
        %add3A_1223 = arith.addf %get3A_1222, %get3A_114 : vector<16xf32>
        %mul3A_1224 = vector.broadcast %squeeze3A_1127 : f32 to vector<16xf32>
        %mul3A_1225 = arith.mulf %mul3A_1224, %sub3A_162 : vector<16xf32>
        %add3A_1226 = arith.addf %add3A_1223, %mul3A_1225 : vector<16xf32>
        %swap3A_1227 = arith.index_cast %add3A_1125 : i32 to index
        %swap3A_1228 = arith.constant 112 : index
        %swap3A_1229 = tpu.vector_load %arg9[%swap3A_1227, %swap3A_1228] {strides = array<i32>} : memref<512x128xf32, #tpu.memory_space<vmem>>, vector<1x16xf32>,
        %swap3A_1230 = vector.shape_cast %swap3A_1229 : vector<1x16xf32> to vector<16xf32>
        %swap3A_1231 = vector.shape_cast %add3A_1226 : vector<16xf32> to vector<1x16xf32>
        tpu.vector_store %arg9[%swap3A_1227, %swap3A_1228], %swap3A_1231 {strides = array<i32>} : memref<512x128xf32, #tpu.memory_space<vmem>>, vector<1x16xf32>,
        %add3A_1232 = arith.constant 9 : i32
        %add3A_1233 = arith.addi %add3A_259, %add3A_1232 : i32
        %slice3A_1234 = vector.extract_strided_slice %convert_element_type3A {offsets = [9], sizes = [1], strides = [1]} : vector<16xf32> to vector<1xf32>
        %squeeze3A_1235 = vector.extract %slice3A_1234[0] : f32 from vector<1xf32>
        %get3A_1236 = arith.index_cast %add3A_1233 : i32 to index
        %get3A_1237 = arith.constant 0 : index
        %get3A_1238 = tpu.vector_load %arg9[%get3A_1236, %get3A_1237] {strides = array<i32>} : memref<512x128xf32, #tpu.memory_space<vmem>>, vector<1x16xf32>,
        %get3A_1239 = vector.shape_cast %get3A_1238 : vector<1x16xf32> to vector<16xf32>
        %add3A_1240 = arith.addf %get3A_1239, %get3A_79 : vector<16xf32>
        %mul3A_1241 = vector.broadcast %squeeze3A_1235 : f32 to vector<16xf32>
        %mul3A_1242 = arith.mulf %mul3A_1241, %sub3A_120 : vector<16xf32>
        %add3A_1243 = arith.addf %add3A_1240, %mul3A_1242 : vector<16xf32>
        %swap3A_1244 = arith.index_cast %add3A_1233 : i32 to index
        %swap3A_1245 = arith.constant 0 : index
        %swap3A_1246 = tpu.vector_load %arg9[%swap3A_1244, %swap3A_1245] {strides = array<i32>} : memref<512x128xf32, #tpu.memory_space<vmem>>, vector<1x16xf32>,
        %swap3A_1247 = vector.shape_cast %swap3A_1246 : vector<1x16xf32> to vector<16xf32>
        %swap3A_1248 = vector.shape_cast %add3A_1243 : vector<16xf32> to vector<1x16xf32>
        tpu.vector_store %arg9[%swap3A_1244, %swap3A_1245], %swap3A_1248 {strides = array<i32>} : memref<512x128xf32, #tpu.memory_space<vmem>>, vector<1x16xf32>,
        %get3A_1249 = arith.index_cast %add3A_1233 : i32 to index
        %get3A_1250 = arith.constant 16 : index
        %get3A_1251 = tpu.vector_load %arg9[%get3A_1249, %get3A_1250] {strides = array<i32>} : memref<512x128xf32, #tpu.memory_space<vmem>>, vector<1x16xf32>,
        %get3A_1252 = vector.shape_cast %get3A_1251 : vector<1x16xf32> to vector<16xf32>
        %add3A_1253 = arith.addf %get3A_1252, %get3A_84 : vector<16xf32>
        %mul3A_1254 = vector.broadcast %squeeze3A_1235 : f32 to vector<16xf32>
        %mul3A_1255 = arith.mulf %mul3A_1254, %sub3A_126 : vector<16xf32>
        %add3A_1256 = arith.addf %add3A_1253, %mul3A_1255 : vector<16xf32>
        %swap3A_1257 = arith.index_cast %add3A_1233 : i32 to index
        %swap3A_1258 = arith.constant 16 : index
        %swap3A_1259 = tpu.vector_load %arg9[%swap3A_1257, %swap3A_1258] {strides = array<i32>} : memref<512x128xf32, #tpu.memory_space<vmem>>, vector<1x16xf32>,
        %swap3A_1260 = vector.shape_cast %swap3A_1259 : vector<1x16xf32> to vector<16xf32>
        %swap3A_1261 = vector.shape_cast %add3A_1256 : vector<16xf32> to vector<1x16xf32>
        tpu.vector_store %arg9[%swap3A_1257, %swap3A_1258], %swap3A_1261 {strides = array<i32>} : memref<512x128xf32, #tpu.memory_space<vmem>>, vector<1x16xf32>,
        %get3A_1262 = arith.index_cast %add3A_1233 : i32 to index
        %get3A_1263 = arith.constant 32 : index
        %get3A_1264 = tpu.vector_load %arg9[%get3A_1262, %get3A_1263] {strides = array<i32>} : memref<512x128xf32, #tpu.memory_space<vmem>>, vector<1x16xf32>,
        %get3A_1265 = vector.shape_cast %get3A_1264 : vector<1x16xf32> to vector<16xf32>
        %add3A_1266 = arith.addf %get3A_1265, %get3A_89 : vector<16xf32>
        %mul3A_1267 = vector.broadcast %squeeze3A_1235 : f32 to vector<16xf32>
        %mul3A_1268 = arith.mulf %mul3A_1267, %sub3A_132 : vector<16xf32>
        %add3A_1269 = arith.addf %add3A_1266, %mul3A_1268 : vector<16xf32>
        %swap3A_1270 = arith.index_cast %add3A_1233 : i32 to index
        %swap3A_1271 = arith.constant 32 : index
        %swap3A_1272 = tpu.vector_load %arg9[%swap3A_1270, %swap3A_1271] {strides = array<i32>} : memref<512x128xf32, #tpu.memory_space<vmem>>, vector<1x16xf32>,
        %swap3A_1273 = vector.shape_cast %swap3A_1272 : vector<1x16xf32> to vector<16xf32>
        %swap3A_1274 = vector.shape_cast %add3A_1269 : vector<16xf32> to vector<1x16xf32>
        tpu.vector_store %arg9[%swap3A_1270, %swap3A_1271], %swap3A_1274 {strides = array<i32>} : memref<512x128xf32, #tpu.memory_space<vmem>>, vector<1x16xf32>,
        %get3A_1275 = arith.index_cast %add3A_1233 : i32 to index
        %get3A_1276 = arith.constant 48 : index
        %get3A_1277 = tpu.vector_load %arg9[%get3A_1275, %get3A_1276] {strides = array<i32>} : memref<512x128xf32, #tpu.memory_space<vmem>>, vector<1x16xf32>,
        %get3A_1278 = vector.shape_cast %get3A_1277 : vector<1x16xf32> to vector<16xf32>
        %add3A_1279 = arith.addf %get3A_1278, %get3A_94 : vector<16xf32>
        %mul3A_1280 = vector.broadcast %squeeze3A_1235 : f32 to vector<16xf32>
        %mul3A_1281 = arith.mulf %mul3A_1280, %sub3A_138 : vector<16xf32>
        %add3A_1282 = arith.addf %add3A_1279, %mul3A_1281 : vector<16xf32>
        %swap3A_1283 = arith.index_cast %add3A_1233 : i32 to index
        %swap3A_1284 = arith.constant 48 : index
        %swap3A_1285 = tpu.vector_load %arg9[%swap3A_1283, %swap3A_1284] {strides = array<i32>} : memref<512x128xf32, #tpu.memory_space<vmem>>, vector<1x16xf32>,
        %swap3A_1286 = vector.shape_cast %swap3A_1285 : vector<1x16xf32> to vector<16xf32>
        %swap3A_1287 = vector.shape_cast %add3A_1282 : vector<16xf32> to vector<1x16xf32>
        tpu.vector_store %arg9[%swap3A_1283, %swap3A_1284], %swap3A_1287 {strides = array<i32>} : memref<512x128xf32, #tpu.memory_space<vmem>>, vector<1x16xf32>,
        %get3A_1288 = arith.index_cast %add3A_1233 : i32 to index
        %get3A_1289 = arith.constant 64 : index
        %get3A_1290 = tpu.vector_load %arg9[%get3A_1288, %get3A_1289] {strides = array<i32>} : memref<512x128xf32, #tpu.memory_space<vmem>>, vector<1x16xf32>,
        %get3A_1291 = vector.shape_cast %get3A_1290 : vector<1x16xf32> to vector<16xf32>
        %add3A_1292 = arith.addf %get3A_1291, %get3A_99 : vector<16xf32>
        %mul3A_1293 = vector.broadcast %squeeze3A_1235 : f32 to vector<16xf32>
        %mul3A_1294 = arith.mulf %mul3A_1293, %sub3A_144 : vector<16xf32>
        %add3A_1295 = arith.addf %add3A_1292, %mul3A_1294 : vector<16xf32>
        %swap3A_1296 = arith.index_cast %add3A_1233 : i32 to index
        %swap3A_1297 = arith.constant 64 : index
        %swap3A_1298 = tpu.vector_load %arg9[%swap3A_1296, %swap3A_1297] {strides = array<i32>} : memref<512x128xf32, #tpu.memory_space<vmem>>, vector<1x16xf32>,
        %swap3A_1299 = vector.shape_cast %swap3A_1298 : vector<1x16xf32> to vector<16xf32>
        %swap3A_1300 = vector.shape_cast %add3A_1295 : vector<16xf32> to vector<1x16xf32>
        tpu.vector_store %arg9[%swap3A_1296, %swap3A_1297], %swap3A_1300 {strides = array<i32>} : memref<512x128xf32, #tpu.memory_space<vmem>>, vector<1x16xf32>,
        %get3A_1301 = arith.index_cast %add3A_1233 : i32 to index
        %get3A_1302 = arith.constant 80 : index
        %get3A_1303 = tpu.vector_load %arg9[%get3A_1301, %get3A_1302] {strides = array<i32>} : memref<512x128xf32, #tpu.memory_space<vmem>>, vector<1x16xf32>,
        %get3A_1304 = vector.shape_cast %get3A_1303 : vector<1x16xf32> to vector<16xf32>
        %add3A_1305 = arith.addf %get3A_1304, %get3A_104 : vector<16xf32>
        %mul3A_1306 = vector.broadcast %squeeze3A_1235 : f32 to vector<16xf32>
        %mul3A_1307 = arith.mulf %mul3A_1306, %sub3A_150 : vector<16xf32>
        %add3A_1308 = arith.addf %add3A_1305, %mul3A_1307 : vector<16xf32>
        %swap3A_1309 = arith.index_cast %add3A_1233 : i32 to index
        %swap3A_1310 = arith.constant 80 : index
        %swap3A_1311 = tpu.vector_load %arg9[%swap3A_1309, %swap3A_1310] {strides = array<i32>} : memref<512x128xf32, #tpu.memory_space<vmem>>, vector<1x16xf32>,
        %swap3A_1312 = vector.shape_cast %swap3A_1311 : vector<1x16xf32> to vector<16xf32>
        %swap3A_1313 = vector.shape_cast %add3A_1308 : vector<16xf32> to vector<1x16xf32>
        tpu.vector_store %arg9[%swap3A_1309, %swap3A_1310], %swap3A_1313 {strides = array<i32>} : memref<512x128xf32, #tpu.memory_space<vmem>>, vector<1x16xf32>,
        %get3A_1314 = arith.index_cast %add3A_1233 : i32 to index
        %get3A_1315 = arith.constant 96 : index
        %get3A_1316 = tpu.vector_load %arg9[%get3A_1314, %get3A_1315] {strides = array<i32>} : memref<512x128xf32, #tpu.memory_space<vmem>>, vector<1x16xf32>,
        %get3A_1317 = vector.shape_cast %get3A_1316 : vector<1x16xf32> to vector<16xf32>
        %add3A_1318 = arith.addf %get3A_1317, %get3A_109 : vector<16xf32>
        %mul3A_1319 = vector.broadcast %squeeze3A_1235 : f32 to vector<16xf32>
        %mul3A_1320 = arith.mulf %mul3A_1319, %sub3A_156 : vector<16xf32>
        %add3A_1321 = arith.addf %add3A_1318, %mul3A_1320 : vector<16xf32>
        %swap3A_1322 = arith.index_cast %add3A_1233 : i32 to index
        %swap3A_1323 = arith.constant 96 : index
        %swap3A_1324 = tpu.vector_load %arg9[%swap3A_1322, %swap3A_1323] {strides = array<i32>} : memref<512x128xf32, #tpu.memory_space<vmem>>, vector<1x16xf32>,
        %swap3A_1325 = vector.shape_cast %swap3A_1324 : vector<1x16xf32> to vector<16xf32>
        %swap3A_1326 = vector.shape_cast %add3A_1321 : vector<16xf32> to vector<1x16xf32>
        tpu.vector_store %arg9[%swap3A_1322, %swap3A_1323], %swap3A_1326 {strides = array<i32>} : memref<512x128xf32, #tpu.memory_space<vmem>>, vector<1x16xf32>,
        %get3A_1327 = arith.index_cast %add3A_1233 : i32 to index
        %get3A_1328 = arith.constant 112 : index
        %get3A_1329 = tpu.vector_load %arg9[%get3A_1327, %get3A_1328] {strides = array<i32>} : memref<512x128xf32, #tpu.memory_space<vmem>>, vector<1x16xf32>,
        %get3A_1330 = vector.shape_cast %get3A_1329 : vector<1x16xf32> to vector<16xf32>
        %add3A_1331 = arith.addf %get3A_1330, %get3A_114 : vector<16xf32>
        %mul3A_1332 = vector.broadcast %squeeze3A_1235 : f32 to vector<16xf32>
        %mul3A_1333 = arith.mulf %mul3A_1332, %sub3A_162 : vector<16xf32>
        %add3A_1334 = arith.addf %add3A_1331, %mul3A_1333 : vector<16xf32>
        %swap3A_1335 = arith.index_cast %add3A_1233 : i32 to index
        %swap3A_1336 = arith.constant 112 : index
        %swap3A_1337 = tpu.vector_load %arg9[%swap3A_1335, %swap3A_1336] {strides = array<i32>} : memref<512x128xf32, #tpu.memory_space<vmem>>, vector<1x16xf32>,
        %swap3A_1338 = vector.shape_cast %swap3A_1337 : vector<1x16xf32> to vector<16xf32>
        %swap3A_1339 = vector.shape_cast %add3A_1334 : vector<16xf32> to vector<1x16xf32>
        tpu.vector_store %arg9[%swap3A_1335, %swap3A_1336], %swap3A_1339 {strides = array<i32>} : memref<512x128xf32, #tpu.memory_space<vmem>>, vector<1x16xf32>,
        %add3A_1340 = arith.constant 10 : i32
        %add3A_1341 = arith.addi %add3A_259, %add3A_1340 : i32
        %slice3A_1342 = vector.extract_strided_slice %convert_element_type3A {offsets = [10], sizes = [1], strides = [1]} : vector<16xf32> to vector<1xf32>
        %squeeze3A_1343 = vector.extract %slice3A_1342[0] : f32 from vector<1xf32>
        %get3A_1344 = arith.index_cast %add3A_1341 : i32 to index
        %get3A_1345 = arith.constant 0 : index
        %get3A_1346 = tpu.vector_load %arg9[%get3A_1344, %get3A_1345] {strides = array<i32>} : memref<512x128xf32, #tpu.memory_space<vmem>>, vector<1x16xf32>,
        %get3A_1347 = vector.shape_cast %get3A_1346 : vector<1x16xf32> to vector<16xf32>
        %add3A_1348 = arith.addf %get3A_1347, %get3A_79 : vector<16xf32>
        %mul3A_1349 = vector.broadcast %squeeze3A_1343 : f32 to vector<16xf32>
        %mul3A_1350 = arith.mulf %mul3A_1349, %sub3A_120 : vector<16xf32>
        %add3A_1351 = arith.addf %add3A_1348, %mul3A_1350 : vector<16xf32>
        %swap3A_1352 = arith.index_cast %add3A_1341 : i32 to index
        %swap3A_1353 = arith.constant 0 : index
        %swap3A_1354 = tpu.vector_load %arg9[%swap3A_1352, %swap3A_1353] {strides = array<i32>} : memref<512x128xf32, #tpu.memory_space<vmem>>, vector<1x16xf32>,
        %swap3A_1355 = vector.shape_cast %swap3A_1354 : vector<1x16xf32> to vector<16xf32>
        %swap3A_1356 = vector.shape_cast %add3A_1351 : vector<16xf32> to vector<1x16xf32>
        tpu.vector_store %arg9[%swap3A_1352, %swap3A_1353], %swap3A_1356 {strides = array<i32>} : memref<512x128xf32, #tpu.memory_space<vmem>>, vector<1x16xf32>,
        %get3A_1357 = arith.index_cast %add3A_1341 : i32 to index
        %get3A_1358 = arith.constant 16 : index
        %get3A_1359 = tpu.vector_load %arg9[%get3A_1357, %get3A_1358] {strides = array<i32>} : memref<512x128xf32, #tpu.memory_space<vmem>>, vector<1x16xf32>,
        %get3A_1360 = vector.shape_cast %get3A_1359 : vector<1x16xf32> to vector<16xf32>
        %add3A_1361 = arith.addf %get3A_1360, %get3A_84 : vector<16xf32>
        %mul3A_1362 = vector.broadcast %squeeze3A_1343 : f32 to vector<16xf32>
        %mul3A_1363 = arith.mulf %mul3A_1362, %sub3A_126 : vector<16xf32>
        %add3A_1364 = arith.addf %add3A_1361, %mul3A_1363 : vector<16xf32>
        %swap3A_1365 = arith.index_cast %add3A_1341 : i32 to index
        %swap3A_1366 = arith.constant 16 : index
        %swap3A_1367 = tpu.vector_load %arg9[%swap3A_1365, %swap3A_1366] {strides = array<i32>} : memref<512x128xf32, #tpu.memory_space<vmem>>, vector<1x16xf32>,
        %swap3A_1368 = vector.shape_cast %swap3A_1367 : vector<1x16xf32> to vector<16xf32>
        %swap3A_1369 = vector.shape_cast %add3A_1364 : vector<16xf32> to vector<1x16xf32>
        tpu.vector_store %arg9[%swap3A_1365, %swap3A_1366], %swap3A_1369 {strides = array<i32>} : memref<512x128xf32, #tpu.memory_space<vmem>>, vector<1x16xf32>,
        %get3A_1370 = arith.index_cast %add3A_1341 : i32 to index
        %get3A_1371 = arith.constant 32 : index
        %get3A_1372 = tpu.vector_load %arg9[%get3A_1370, %get3A_1371] {strides = array<i32>} : memref<512x128xf32, #tpu.memory_space<vmem>>, vector<1x16xf32>,
        %get3A_1373 = vector.shape_cast %get3A_1372 : vector<1x16xf32> to vector<16xf32>
        %add3A_1374 = arith.addf %get3A_1373, %get3A_89 : vector<16xf32>
        %mul3A_1375 = vector.broadcast %squeeze3A_1343 : f32 to vector<16xf32>
        %mul3A_1376 = arith.mulf %mul3A_1375, %sub3A_132 : vector<16xf32>
        %add3A_1377 = arith.addf %add3A_1374, %mul3A_1376 : vector<16xf32>
        %swap3A_1378 = arith.index_cast %add3A_1341 : i32 to index
        %swap3A_1379 = arith.constant 32 : index
        %swap3A_1380 = tpu.vector_load %arg9[%swap3A_1378, %swap3A_1379] {strides = array<i32>} : memref<512x128xf32, #tpu.memory_space<vmem>>, vector<1x16xf32>,
        %swap3A_1381 = vector.shape_cast %swap3A_1380 : vector<1x16xf32> to vector<16xf32>
        %swap3A_1382 = vector.shape_cast %add3A_1377 : vector<16xf32> to vector<1x16xf32>
        tpu.vector_store %arg9[%swap3A_1378, %swap3A_1379], %swap3A_1382 {strides = array<i32>} : memref<512x128xf32, #tpu.memory_space<vmem>>, vector<1x16xf32>,
        %get3A_1383 = arith.index_cast %add3A_1341 : i32 to index
        %get3A_1384 = arith.constant 48 : index
        %get3A_1385 = tpu.vector_load %arg9[%get3A_1383, %get3A_1384] {strides = array<i32>} : memref<512x128xf32, #tpu.memory_space<vmem>>, vector<1x16xf32>,
        %get3A_1386 = vector.shape_cast %get3A_1385 : vector<1x16xf32> to vector<16xf32>
        %add3A_1387 = arith.addf %get3A_1386, %get3A_94 : vector<16xf32>
        %mul3A_1388 = vector.broadcast %squeeze3A_1343 : f32 to vector<16xf32>
        %mul3A_1389 = arith.mulf %mul3A_1388, %sub3A_138 : vector<16xf32>
        %add3A_1390 = arith.addf %add3A_1387, %mul3A_1389 : vector<16xf32>
        %swap3A_1391 = arith.index_cast %add3A_1341 : i32 to index
        %swap3A_1392 = arith.constant 48 : index
        %swap3A_1393 = tpu.vector_load %arg9[%swap3A_1391, %swap3A_1392] {strides = array<i32>} : memref<512x128xf32, #tpu.memory_space<vmem>>, vector<1x16xf32>,
        %swap3A_1394 = vector.shape_cast %swap3A_1393 : vector<1x16xf32> to vector<16xf32>
        %swap3A_1395 = vector.shape_cast %add3A_1390 : vector<16xf32> to vector<1x16xf32>
        tpu.vector_store %arg9[%swap3A_1391, %swap3A_1392], %swap3A_1395 {strides = array<i32>} : memref<512x128xf32, #tpu.memory_space<vmem>>, vector<1x16xf32>,
        %get3A_1396 = arith.index_cast %add3A_1341 : i32 to index
        %get3A_1397 = arith.constant 64 : index
        %get3A_1398 = tpu.vector_load %arg9[%get3A_1396, %get3A_1397] {strides = array<i32>} : memref<512x128xf32, #tpu.memory_space<vmem>>, vector<1x16xf32>,
        %get3A_1399 = vector.shape_cast %get3A_1398 : vector<1x16xf32> to vector<16xf32>
        %add3A_1400 = arith.addf %get3A_1399, %get3A_99 : vector<16xf32>
        %mul3A_1401 = vector.broadcast %squeeze3A_1343 : f32 to vector<16xf32>
        %mul3A_1402 = arith.mulf %mul3A_1401, %sub3A_144 : vector<16xf32>
        %add3A_1403 = arith.addf %add3A_1400, %mul3A_1402 : vector<16xf32>
        %swap3A_1404 = arith.index_cast %add3A_1341 : i32 to index
        %swap3A_1405 = arith.constant 64 : index
        %swap3A_1406 = tpu.vector_load %arg9[%swap3A_1404, %swap3A_1405] {strides = array<i32>} : memref<512x128xf32, #tpu.memory_space<vmem>>, vector<1x16xf32>,
        %swap3A_1407 = vector.shape_cast %swap3A_1406 : vector<1x16xf32> to vector<16xf32>
        %swap3A_1408 = vector.shape_cast %add3A_1403 : vector<16xf32> to vector<1x16xf32>
        tpu.vector_store %arg9[%swap3A_1404, %swap3A_1405], %swap3A_1408 {strides = array<i32>} : memref<512x128xf32, #tpu.memory_space<vmem>>, vector<1x16xf32>,
        %get3A_1409 = arith.index_cast %add3A_1341 : i32 to index
        %get3A_1410 = arith.constant 80 : index
        %get3A_1411 = tpu.vector_load %arg9[%get3A_1409, %get3A_1410] {strides = array<i32>} : memref<512x128xf32, #tpu.memory_space<vmem>>, vector<1x16xf32>,
        %get3A_1412 = vector.shape_cast %get3A_1411 : vector<1x16xf32> to vector<16xf32>
        %add3A_1413 = arith.addf %get3A_1412, %get3A_104 : vector<16xf32>
        %mul3A_1414 = vector.broadcast %squeeze3A_1343 : f32 to vector<16xf32>
        %mul3A_1415 = arith.mulf %mul3A_1414, %sub3A_150 : vector<16xf32>
        %add3A_1416 = arith.addf %add3A_1413, %mul3A_1415 : vector<16xf32>
        %swap3A_1417 = arith.index_cast %add3A_1341 : i32 to index
        %swap3A_1418 = arith.constant 80 : index
        %swap3A_1419 = tpu.vector_load %arg9[%swap3A_1417, %swap3A_1418] {strides = array<i32>} : memref<512x128xf32, #tpu.memory_space<vmem>>, vector<1x16xf32>,
        %swap3A_1420 = vector.shape_cast %swap3A_1419 : vector<1x16xf32> to vector<16xf32>
        %swap3A_1421 = vector.shape_cast %add3A_1416 : vector<16xf32> to vector<1x16xf32>
        tpu.vector_store %arg9[%swap3A_1417, %swap3A_1418], %swap3A_1421 {strides = array<i32>} : memref<512x128xf32, #tpu.memory_space<vmem>>, vector<1x16xf32>,
        %get3A_1422 = arith.index_cast %add3A_1341 : i32 to index
        %get3A_1423 = arith.constant 96 : index
        %get3A_1424 = tpu.vector_load %arg9[%get3A_1422, %get3A_1423] {strides = array<i32>} : memref<512x128xf32, #tpu.memory_space<vmem>>, vector<1x16xf32>,
        %get3A_1425 = vector.shape_cast %get3A_1424 : vector<1x16xf32> to vector<16xf32>
        %add3A_1426 = arith.addf %get3A_1425, %get3A_109 : vector<16xf32>
        %mul3A_1427 = vector.broadcast %squeeze3A_1343 : f32 to vector<16xf32>
        %mul3A_1428 = arith.mulf %mul3A_1427, %sub3A_156 : vector<16xf32>
        %add3A_1429 = arith.addf %add3A_1426, %mul3A_1428 : vector<16xf32>
        %swap3A_1430 = arith.index_cast %add3A_1341 : i32 to index
        %swap3A_1431 = arith.constant 96 : index
        %swap3A_1432 = tpu.vector_load %arg9[%swap3A_1430, %swap3A_1431] {strides = array<i32>} : memref<512x128xf32, #tpu.memory_space<vmem>>, vector<1x16xf32>,
        %swap3A_1433 = vector.shape_cast %swap3A_1432 : vector<1x16xf32> to vector<16xf32>
        %swap3A_1434 = vector.shape_cast %add3A_1429 : vector<16xf32> to vector<1x16xf32>
        tpu.vector_store %arg9[%swap3A_1430, %swap3A_1431], %swap3A_1434 {strides = array<i32>} : memref<512x128xf32, #tpu.memory_space<vmem>>, vector<1x16xf32>,
        %get3A_1435 = arith.index_cast %add3A_1341 : i32 to index
        %get3A_1436 = arith.constant 112 : index
        %get3A_1437 = tpu.vector_load %arg9[%get3A_1435, %get3A_1436] {strides = array<i32>} : memref<512x128xf32, #tpu.memory_space<vmem>>, vector<1x16xf32>,
        %get3A_1438 = vector.shape_cast %get3A_1437 : vector<1x16xf32> to vector<16xf32>
        %add3A_1439 = arith.addf %get3A_1438, %get3A_114 : vector<16xf32>
        %mul3A_1440 = vector.broadcast %squeeze3A_1343 : f32 to vector<16xf32>
        %mul3A_1441 = arith.mulf %mul3A_1440, %sub3A_162 : vector<16xf32>
        %add3A_1442 = arith.addf %add3A_1439, %mul3A_1441 : vector<16xf32>
        %swap3A_1443 = arith.index_cast %add3A_1341 : i32 to index
        %swap3A_1444 = arith.constant 112 : index
        %swap3A_1445 = tpu.vector_load %arg9[%swap3A_1443, %swap3A_1444] {strides = array<i32>} : memref<512x128xf32, #tpu.memory_space<vmem>>, vector<1x16xf32>,
        %swap3A_1446 = vector.shape_cast %swap3A_1445 : vector<1x16xf32> to vector<16xf32>
        %swap3A_1447 = vector.shape_cast %add3A_1442 : vector<16xf32> to vector<1x16xf32>
        tpu.vector_store %arg9[%swap3A_1443, %swap3A_1444], %swap3A_1447 {strides = array<i32>} : memref<512x128xf32, #tpu.memory_space<vmem>>, vector<1x16xf32>,
        %add3A_1448 = arith.constant 11 : i32
        %add3A_1449 = arith.addi %add3A_259, %add3A_1448 : i32
        %slice3A_1450 = vector.extract_strided_slice %convert_element_type3A {offsets = [11], sizes = [1], strides = [1]} : vector<16xf32> to vector<1xf32>
        %squeeze3A_1451 = vector.extract %slice3A_1450[0] : f32 from vector<1xf32>
        %get3A_1452 = arith.index_cast %add3A_1449 : i32 to index
        %get3A_1453 = arith.constant 0 : index
        %get3A_1454 = tpu.vector_load %arg9[%get3A_1452, %get3A_1453] {strides = array<i32>} : memref<512x128xf32, #tpu.memory_space<vmem>>, vector<1x16xf32>,
        %get3A_1455 = vector.shape_cast %get3A_1454 : vector<1x16xf32> to vector<16xf32>
        %add3A_1456 = arith.addf %get3A_1455, %get3A_79 : vector<16xf32>
        %mul3A_1457 = vector.broadcast %squeeze3A_1451 : f32 to vector<16xf32>
        %mul3A_1458 = arith.mulf %mul3A_1457, %sub3A_120 : vector<16xf32>
        %add3A_1459 = arith.addf %add3A_1456, %mul3A_1458 : vector<16xf32>
        %swap3A_1460 = arith.index_cast %add3A_1449 : i32 to index
        %swap3A_1461 = arith.constant 0 : index
        %swap3A_1462 = tpu.vector_load %arg9[%swap3A_1460, %swap3A_1461] {strides = array<i32>} : memref<512x128xf32, #tpu.memory_space<vmem>>, vector<1x16xf32>,
        %swap3A_1463 = vector.shape_cast %swap3A_1462 : vector<1x16xf32> to vector<16xf32>
        %swap3A_1464 = vector.shape_cast %add3A_1459 : vector<16xf32> to vector<1x16xf32>
        tpu.vector_store %arg9[%swap3A_1460, %swap3A_1461], %swap3A_1464 {strides = array<i32>} : memref<512x128xf32, #tpu.memory_space<vmem>>, vector<1x16xf32>,
        %get3A_1465 = arith.index_cast %add3A_1449 : i32 to index
        %get3A_1466 = arith.constant 16 : index
        %get3A_1467 = tpu.vector_load %arg9[%get3A_1465, %get3A_1466] {strides = array<i32>} : memref<512x128xf32, #tpu.memory_space<vmem>>, vector<1x16xf32>,
        %get3A_1468 = vector.shape_cast %get3A_1467 : vector<1x16xf32> to vector<16xf32>
        %add3A_1469 = arith.addf %get3A_1468, %get3A_84 : vector<16xf32>
        %mul3A_1470 = vector.broadcast %squeeze3A_1451 : f32 to vector<16xf32>
        %mul3A_1471 = arith.mulf %mul3A_1470, %sub3A_126 : vector<16xf32>
        %add3A_1472 = arith.addf %add3A_1469, %mul3A_1471 : vector<16xf32>
        %swap3A_1473 = arith.index_cast %add3A_1449 : i32 to index
        %swap3A_1474 = arith.constant 16 : index
        %swap3A_1475 = tpu.vector_load %arg9[%swap3A_1473, %swap3A_1474] {strides = array<i32>} : memref<512x128xf32, #tpu.memory_space<vmem>>, vector<1x16xf32>,
        %swap3A_1476 = vector.shape_cast %swap3A_1475 : vector<1x16xf32> to vector<16xf32>
        %swap3A_1477 = vector.shape_cast %add3A_1472 : vector<16xf32> to vector<1x16xf32>
        tpu.vector_store %arg9[%swap3A_1473, %swap3A_1474], %swap3A_1477 {strides = array<i32>} : memref<512x128xf32, #tpu.memory_space<vmem>>, vector<1x16xf32>,
        %get3A_1478 = arith.index_cast %add3A_1449 : i32 to index
        %get3A_1479 = arith.constant 32 : index
        %get3A_1480 = tpu.vector_load %arg9[%get3A_1478, %get3A_1479] {strides = array<i32>} : memref<512x128xf32, #tpu.memory_space<vmem>>, vector<1x16xf32>,
        %get3A_1481 = vector.shape_cast %get3A_1480 : vector<1x16xf32> to vector<16xf32>
        %add3A_1482 = arith.addf %get3A_1481, %get3A_89 : vector<16xf32>
        %mul3A_1483 = vector.broadcast %squeeze3A_1451 : f32 to vector<16xf32>
        %mul3A_1484 = arith.mulf %mul3A_1483, %sub3A_132 : vector<16xf32>
        %add3A_1485 = arith.addf %add3A_1482, %mul3A_1484 : vector<16xf32>
        %swap3A_1486 = arith.index_cast %add3A_1449 : i32 to index
        %swap3A_1487 = arith.constant 32 : index
        %swap3A_1488 = tpu.vector_load %arg9[%swap3A_1486, %swap3A_1487] {strides = array<i32>} : memref<512x128xf32, #tpu.memory_space<vmem>>, vector<1x16xf32>,
        %swap3A_1489 = vector.shape_cast %swap3A_1488 : vector<1x16xf32> to vector<16xf32>
        %swap3A_1490 = vector.shape_cast %add3A_1485 : vector<16xf32> to vector<1x16xf32>
        tpu.vector_store %arg9[%swap3A_1486, %swap3A_1487], %swap3A_1490 {strides = array<i32>} : memref<512x128xf32, #tpu.memory_space<vmem>>, vector<1x16xf32>,
        %get3A_1491 = arith.index_cast %add3A_1449 : i32 to index
        %get3A_1492 = arith.constant 48 : index
        %get3A_1493 = tpu.vector_load %arg9[%get3A_1491, %get3A_1492] {strides = array<i32>} : memref<512x128xf32, #tpu.memory_space<vmem>>, vector<1x16xf32>,
        %get3A_1494 = vector.shape_cast %get3A_1493 : vector<1x16xf32> to vector<16xf32>
        %add3A_1495 = arith.addf %get3A_1494, %get3A_94 : vector<16xf32>
        %mul3A_1496 = vector.broadcast %squeeze3A_1451 : f32 to vector<16xf32>
        %mul3A_1497 = arith.mulf %mul3A_1496, %sub3A_138 : vector<16xf32>
        %add3A_1498 = arith.addf %add3A_1495, %mul3A_1497 : vector<16xf32>
        %swap3A_1499 = arith.index_cast %add3A_1449 : i32 to index
        %swap3A_1500 = arith.constant 48 : index
        %swap3A_1501 = tpu.vector_load %arg9[%swap3A_1499, %swap3A_1500] {strides = array<i32>} : memref<512x128xf32, #tpu.memory_space<vmem>>, vector<1x16xf32>,
        %swap3A_1502 = vector.shape_cast %swap3A_1501 : vector<1x16xf32> to vector<16xf32>
        %swap3A_1503 = vector.shape_cast %add3A_1498 : vector<16xf32> to vector<1x16xf32>
        tpu.vector_store %arg9[%swap3A_1499, %swap3A_1500], %swap3A_1503 {strides = array<i32>} : memref<512x128xf32, #tpu.memory_space<vmem>>, vector<1x16xf32>,
        %get3A_1504 = arith.index_cast %add3A_1449 : i32 to index
        %get3A_1505 = arith.constant 64 : index
        %get3A_1506 = tpu.vector_load %arg9[%get3A_1504, %get3A_1505] {strides = array<i32>} : memref<512x128xf32, #tpu.memory_space<vmem>>, vector<1x16xf32>,
        %get3A_1507 = vector.shape_cast %get3A_1506 : vector<1x16xf32> to vector<16xf32>
        %add3A_1508 = arith.addf %get3A_1507, %get3A_99 : vector<16xf32>
        %mul3A_1509 = vector.broadcast %squeeze3A_1451 : f32 to vector<16xf32>
        %mul3A_1510 = arith.mulf %mul3A_1509, %sub3A_144 : vector<16xf32>
        %add3A_1511 = arith.addf %add3A_1508, %mul3A_1510 : vector<16xf32>
        %swap3A_1512 = arith.index_cast %add3A_1449 : i32 to index
        %swap3A_1513 = arith.constant 64 : index
        %swap3A_1514 = tpu.vector_load %arg9[%swap3A_1512, %swap3A_1513] {strides = array<i32>} : memref<512x128xf32, #tpu.memory_space<vmem>>, vector<1x16xf32>,
        %swap3A_1515 = vector.shape_cast %swap3A_1514 : vector<1x16xf32> to vector<16xf32>
        %swap3A_1516 = vector.shape_cast %add3A_1511 : vector<16xf32> to vector<1x16xf32>
        tpu.vector_store %arg9[%swap3A_1512, %swap3A_1513], %swap3A_1516 {strides = array<i32>} : memref<512x128xf32, #tpu.memory_space<vmem>>, vector<1x16xf32>,
        %get3A_1517 = arith.index_cast %add3A_1449 : i32 to index
        %get3A_1518 = arith.constant 80 : index
        %get3A_1519 = tpu.vector_load %arg9[%get3A_1517, %get3A_1518] {strides = array<i32>} : memref<512x128xf32, #tpu.memory_space<vmem>>, vector<1x16xf32>,
        %get3A_1520 = vector.shape_cast %get3A_1519 : vector<1x16xf32> to vector<16xf32>
        %add3A_1521 = arith.addf %get3A_1520, %get3A_104 : vector<16xf32>
        %mul3A_1522 = vector.broadcast %squeeze3A_1451 : f32 to vector<16xf32>
        %mul3A_1523 = arith.mulf %mul3A_1522, %sub3A_150 : vector<16xf32>
        %add3A_1524 = arith.addf %add3A_1521, %mul3A_1523 : vector<16xf32>
        %swap3A_1525 = arith.index_cast %add3A_1449 : i32 to index
        %swap3A_1526 = arith.constant 80 : index
        %swap3A_1527 = tpu.vector_load %arg9[%swap3A_1525, %swap3A_1526] {strides = array<i32>} : memref<512x128xf32, #tpu.memory_space<vmem>>, vector<1x16xf32>,
        %swap3A_1528 = vector.shape_cast %swap3A_1527 : vector<1x16xf32> to vector<16xf32>
        %swap3A_1529 = vector.shape_cast %add3A_1524 : vector<16xf32> to vector<1x16xf32>
        tpu.vector_store %arg9[%swap3A_1525, %swap3A_1526], %swap3A_1529 {strides = array<i32>} : memref<512x128xf32, #tpu.memory_space<vmem>>, vector<1x16xf32>,
        %get3A_1530 = arith.index_cast %add3A_1449 : i32 to index
        %get3A_1531 = arith.constant 96 : index
        %get3A_1532 = tpu.vector_load %arg9[%get3A_1530, %get3A_1531] {strides = array<i32>} : memref<512x128xf32, #tpu.memory_space<vmem>>, vector<1x16xf32>,
        %get3A_1533 = vector.shape_cast %get3A_1532 : vector<1x16xf32> to vector<16xf32>
        %add3A_1534 = arith.addf %get3A_1533, %get3A_109 : vector<16xf32>
        %mul3A_1535 = vector.broadcast %squeeze3A_1451 : f32 to vector<16xf32>
        %mul3A_1536 = arith.mulf %mul3A_1535, %sub3A_156 : vector<16xf32>
        %add3A_1537 = arith.addf %add3A_1534, %mul3A_1536 : vector<16xf32>
        %swap3A_1538 = arith.index_cast %add3A_1449 : i32 to index
        %swap3A_1539 = arith.constant 96 : index
        %swap3A_1540 = tpu.vector_load %arg9[%swap3A_1538, %swap3A_1539] {strides = array<i32>} : memref<512x128xf32, #tpu.memory_space<vmem>>, vector<1x16xf32>,
        %swap3A_1541 = vector.shape_cast %swap3A_1540 : vector<1x16xf32> to vector<16xf32>
        %swap3A_1542 = vector.shape_cast %add3A_1537 : vector<16xf32> to vector<1x16xf32>
        tpu.vector_store %arg9[%swap3A_1538, %swap3A_1539], %swap3A_1542 {strides = array<i32>} : memref<512x128xf32, #tpu.memory_space<vmem>>, vector<1x16xf32>,
        %get3A_1543 = arith.index_cast %add3A_1449 : i32 to index
        %get3A_1544 = arith.constant 112 : index
        %get3A_1545 = tpu.vector_load %arg9[%get3A_1543, %get3A_1544] {strides = array<i32>} : memref<512x128xf32, #tpu.memory_space<vmem>>, vector<1x16xf32>,
        %get3A_1546 = vector.shape_cast %get3A_1545 : vector<1x16xf32> to vector<16xf32>
        %add3A_1547 = arith.addf %get3A_1546, %get3A_114 : vector<16xf32>
        %mul3A_1548 = vector.broadcast %squeeze3A_1451 : f32 to vector<16xf32>
        %mul3A_1549 = arith.mulf %mul3A_1548, %sub3A_162 : vector<16xf32>
        %add3A_1550 = arith.addf %add3A_1547, %mul3A_1549 : vector<16xf32>
        %swap3A_1551 = arith.index_cast %add3A_1449 : i32 to index
        %swap3A_1552 = arith.constant 112 : index
        %swap3A_1553 = tpu.vector_load %arg9[%swap3A_1551, %swap3A_1552] {strides = array<i32>} : memref<512x128xf32, #tpu.memory_space<vmem>>, vector<1x16xf32>,
        %swap3A_1554 = vector.shape_cast %swap3A_1553 : vector<1x16xf32> to vector<16xf32>
        %swap3A_1555 = vector.shape_cast %add3A_1550 : vector<16xf32> to vector<1x16xf32>
        tpu.vector_store %arg9[%swap3A_1551, %swap3A_1552], %swap3A_1555 {strides = array<i32>} : memref<512x128xf32, #tpu.memory_space<vmem>>, vector<1x16xf32>,
        %add3A_1556 = arith.constant 12 : i32
        %add3A_1557 = arith.addi %add3A_259, %add3A_1556 : i32
        %slice3A_1558 = vector.extract_strided_slice %convert_element_type3A {offsets = [12], sizes = [1], strides = [1]} : vector<16xf32> to vector<1xf32>
        %squeeze3A_1559 = vector.extract %slice3A_1558[0] : f32 from vector<1xf32>
        %get3A_1560 = arith.index_cast %add3A_1557 : i32 to index
        %get3A_1561 = arith.constant 0 : index
        %get3A_1562 = tpu.vector_load %arg9[%get3A_1560, %get3A_1561] {strides = array<i32>} : memref<512x128xf32, #tpu.memory_space<vmem>>, vector<1x16xf32>,
        %get3A_1563 = vector.shape_cast %get3A_1562 : vector<1x16xf32> to vector<16xf32>
        %add3A_1564 = arith.addf %get3A_1563, %get3A_79 : vector<16xf32>
        %mul3A_1565 = vector.broadcast %squeeze3A_1559 : f32 to vector<16xf32>
        %mul3A_1566 = arith.mulf %mul3A_1565, %sub3A_120 : vector<16xf32>
        %add3A_1567 = arith.addf %add3A_1564, %mul3A_1566 : vector<16xf32>
        %swap3A_1568 = arith.index_cast %add3A_1557 : i32 to index
        %swap3A_1569 = arith.constant 0 : index
        %swap3A_1570 = tpu.vector_load %arg9[%swap3A_1568, %swap3A_1569] {strides = array<i32>} : memref<512x128xf32, #tpu.memory_space<vmem>>, vector<1x16xf32>,
        %swap3A_1571 = vector.shape_cast %swap3A_1570 : vector<1x16xf32> to vector<16xf32>
        %swap3A_1572 = vector.shape_cast %add3A_1567 : vector<16xf32> to vector<1x16xf32>
        tpu.vector_store %arg9[%swap3A_1568, %swap3A_1569], %swap3A_1572 {strides = array<i32>} : memref<512x128xf32, #tpu.memory_space<vmem>>, vector<1x16xf32>,
        %get3A_1573 = arith.index_cast %add3A_1557 : i32 to index
        %get3A_1574 = arith.constant 16 : index
        %get3A_1575 = tpu.vector_load %arg9[%get3A_1573, %get3A_1574] {strides = array<i32>} : memref<512x128xf32, #tpu.memory_space<vmem>>, vector<1x16xf32>,
        %get3A_1576 = vector.shape_cast %get3A_1575 : vector<1x16xf32> to vector<16xf32>
        %add3A_1577 = arith.addf %get3A_1576, %get3A_84 : vector<16xf32>
        %mul3A_1578 = vector.broadcast %squeeze3A_1559 : f32 to vector<16xf32>
        %mul3A_1579 = arith.mulf %mul3A_1578, %sub3A_126 : vector<16xf32>
        %add3A_1580 = arith.addf %add3A_1577, %mul3A_1579 : vector<16xf32>
        %swap3A_1581 = arith.index_cast %add3A_1557 : i32 to index
        %swap3A_1582 = arith.constant 16 : index
        %swap3A_1583 = tpu.vector_load %arg9[%swap3A_1581, %swap3A_1582] {strides = array<i32>} : memref<512x128xf32, #tpu.memory_space<vmem>>, vector<1x16xf32>,
        %swap3A_1584 = vector.shape_cast %swap3A_1583 : vector<1x16xf32> to vector<16xf32>
        %swap3A_1585 = vector.shape_cast %add3A_1580 : vector<16xf32> to vector<1x16xf32>
        tpu.vector_store %arg9[%swap3A_1581, %swap3A_1582], %swap3A_1585 {strides = array<i32>} : memref<512x128xf32, #tpu.memory_space<vmem>>, vector<1x16xf32>,
        %get3A_1586 = arith.index_cast %add3A_1557 : i32 to index
        %get3A_1587 = arith.constant 32 : index
        %get3A_1588 = tpu.vector_load %arg9[%get3A_1586, %get3A_1587] {strides = array<i32>} : memref<512x128xf32, #tpu.memory_space<vmem>>, vector<1x16xf32>,
        %get3A_1589 = vector.shape_cast %get3A_1588 : vector<1x16xf32> to vector<16xf32>
        %add3A_1590 = arith.addf %get3A_1589, %get3A_89 : vector<16xf32>
        %mul3A_1591 = vector.broadcast %squeeze3A_1559 : f32 to vector<16xf32>
        %mul3A_1592 = arith.mulf %mul3A_1591, %sub3A_132 : vector<16xf32>
        %add3A_1593 = arith.addf %add3A_1590, %mul3A_1592 : vector<16xf32>
        %swap3A_1594 = arith.index_cast %add3A_1557 : i32 to index
        %swap3A_1595 = arith.constant 32 : index
        %swap3A_1596 = tpu.vector_load %arg9[%swap3A_1594, %swap3A_1595] {strides = array<i32>} : memref<512x128xf32, #tpu.memory_space<vmem>>, vector<1x16xf32>,
        %swap3A_1597 = vector.shape_cast %swap3A_1596 : vector<1x16xf32> to vector<16xf32>
        %swap3A_1598 = vector.shape_cast %add3A_1593 : vector<16xf32> to vector<1x16xf32>
        tpu.vector_store %arg9[%swap3A_1594, %swap3A_1595], %swap3A_1598 {strides = array<i32>} : memref<512x128xf32, #tpu.memory_space<vmem>>, vector<1x16xf32>,
        %get3A_1599 = arith.index_cast %add3A_1557 : i32 to index
        %get3A_1600 = arith.constant 48 : index
        %get3A_1601 = tpu.vector_load %arg9[%get3A_1599, %get3A_1600] {strides = array<i32>} : memref<512x128xf32, #tpu.memory_space<vmem>>, vector<1x16xf32>,
        %get3A_1602 = vector.shape_cast %get3A_1601 : vector<1x16xf32> to vector<16xf32>
        %add3A_1603 = arith.addf %get3A_1602, %get3A_94 : vector<16xf32>
        %mul3A_1604 = vector.broadcast %squeeze3A_1559 : f32 to vector<16xf32>
        %mul3A_1605 = arith.mulf %mul3A_1604, %sub3A_138 : vector<16xf32>
        %add3A_1606 = arith.addf %add3A_1603, %mul3A_1605 : vector<16xf32>
        %swap3A_1607 = arith.index_cast %add3A_1557 : i32 to index
        %swap3A_1608 = arith.constant 48 : index
        %swap3A_1609 = tpu.vector_load %arg9[%swap3A_1607, %swap3A_1608] {strides = array<i32>} : memref<512x128xf32, #tpu.memory_space<vmem>>, vector<1x16xf32>,
        %swap3A_1610 = vector.shape_cast %swap3A_1609 : vector<1x16xf32> to vector<16xf32>
        %swap3A_1611 = vector.shape_cast %add3A_1606 : vector<16xf32> to vector<1x16xf32>
        tpu.vector_store %arg9[%swap3A_1607, %swap3A_1608], %swap3A_1611 {strides = array<i32>} : memref<512x128xf32, #tpu.memory_space<vmem>>, vector<1x16xf32>,
        %get3A_1612 = arith.index_cast %add3A_1557 : i32 to index
        %get3A_1613 = arith.constant 64 : index
        %get3A_1614 = tpu.vector_load %arg9[%get3A_1612, %get3A_1613] {strides = array<i32>} : memref<512x128xf32, #tpu.memory_space<vmem>>, vector<1x16xf32>,
        %get3A_1615 = vector.shape_cast %get3A_1614 : vector<1x16xf32> to vector<16xf32>
        %add3A_1616 = arith.addf %get3A_1615, %get3A_99 : vector<16xf32>
        %mul3A_1617 = vector.broadcast %squeeze3A_1559 : f32 to vector<16xf32>
        %mul3A_1618 = arith.mulf %mul3A_1617, %sub3A_144 : vector<16xf32>
        %add3A_1619 = arith.addf %add3A_1616, %mul3A_1618 : vector<16xf32>
        %swap3A_1620 = arith.index_cast %add3A_1557 : i32 to index
        %swap3A_1621 = arith.constant 64 : index
        %swap3A_1622 = tpu.vector_load %arg9[%swap3A_1620, %swap3A_1621] {strides = array<i32>} : memref<512x128xf32, #tpu.memory_space<vmem>>, vector<1x16xf32>,
        %swap3A_1623 = vector.shape_cast %swap3A_1622 : vector<1x16xf32> to vector<16xf32>
        %swap3A_1624 = vector.shape_cast %add3A_1619 : vector<16xf32> to vector<1x16xf32>
        tpu.vector_store %arg9[%swap3A_1620, %swap3A_1621], %swap3A_1624 {strides = array<i32>} : memref<512x128xf32, #tpu.memory_space<vmem>>, vector<1x16xf32>,
        %get3A_1625 = arith.index_cast %add3A_1557 : i32 to index
        %get3A_1626 = arith.constant 80 : index
        %get3A_1627 = tpu.vector_load %arg9[%get3A_1625, %get3A_1626] {strides = array<i32>} : memref<512x128xf32, #tpu.memory_space<vmem>>, vector<1x16xf32>,
        %get3A_1628 = vector.shape_cast %get3A_1627 : vector<1x16xf32> to vector<16xf32>
        %add3A_1629 = arith.addf %get3A_1628, %get3A_104 : vector<16xf32>
        %mul3A_1630 = vector.broadcast %squeeze3A_1559 : f32 to vector<16xf32>
        %mul3A_1631 = arith.mulf %mul3A_1630, %sub3A_150 : vector<16xf32>
        %add3A_1632 = arith.addf %add3A_1629, %mul3A_1631 : vector<16xf32>
        %swap3A_1633 = arith.index_cast %add3A_1557 : i32 to index
        %swap3A_1634 = arith.constant 80 : index
        %swap3A_1635 = tpu.vector_load %arg9[%swap3A_1633, %swap3A_1634] {strides = array<i32>} : memref<512x128xf32, #tpu.memory_space<vmem>>, vector<1x16xf32>,
        %swap3A_1636 = vector.shape_cast %swap3A_1635 : vector<1x16xf32> to vector<16xf32>
        %swap3A_1637 = vector.shape_cast %add3A_1632 : vector<16xf32> to vector<1x16xf32>
        tpu.vector_store %arg9[%swap3A_1633, %swap3A_1634], %swap3A_1637 {strides = array<i32>} : memref<512x128xf32, #tpu.memory_space<vmem>>, vector<1x16xf32>,
        %get3A_1638 = arith.index_cast %add3A_1557 : i32 to index
        %get3A_1639 = arith.constant 96 : index
        %get3A_1640 = tpu.vector_load %arg9[%get3A_1638, %get3A_1639] {strides = array<i32>} : memref<512x128xf32, #tpu.memory_space<vmem>>, vector<1x16xf32>,
        %get3A_1641 = vector.shape_cast %get3A_1640 : vector<1x16xf32> to vector<16xf32>
        %add3A_1642 = arith.addf %get3A_1641, %get3A_109 : vector<16xf32>
        %mul3A_1643 = vector.broadcast %squeeze3A_1559 : f32 to vector<16xf32>
        %mul3A_1644 = arith.mulf %mul3A_1643, %sub3A_156 : vector<16xf32>
        %add3A_1645 = arith.addf %add3A_1642, %mul3A_1644 : vector<16xf32>
        %swap3A_1646 = arith.index_cast %add3A_1557 : i32 to index
        %swap3A_1647 = arith.constant 96 : index
        %swap3A_1648 = tpu.vector_load %arg9[%swap3A_1646, %swap3A_1647] {strides = array<i32>} : memref<512x128xf32, #tpu.memory_space<vmem>>, vector<1x16xf32>,
        %swap3A_1649 = vector.shape_cast %swap3A_1648 : vector<1x16xf32> to vector<16xf32>
        %swap3A_1650 = vector.shape_cast %add3A_1645 : vector<16xf32> to vector<1x16xf32>
        tpu.vector_store %arg9[%swap3A_1646, %swap3A_1647], %swap3A_1650 {strides = array<i32>} : memref<512x128xf32, #tpu.memory_space<vmem>>, vector<1x16xf32>,
        %get3A_1651 = arith.index_cast %add3A_1557 : i32 to index
        %get3A_1652 = arith.constant 112 : index
        %get3A_1653 = tpu.vector_load %arg9[%get3A_1651, %get3A_1652] {strides = array<i32>} : memref<512x128xf32, #tpu.memory_space<vmem>>, vector<1x16xf32>,
        %get3A_1654 = vector.shape_cast %get3A_1653 : vector<1x16xf32> to vector<16xf32>
        %add3A_1655 = arith.addf %get3A_1654, %get3A_114 : vector<16xf32>
        %mul3A_1656 = vector.broadcast %squeeze3A_1559 : f32 to vector<16xf32>
        %mul3A_1657 = arith.mulf %mul3A_1656, %sub3A_162 : vector<16xf32>
        %add3A_1658 = arith.addf %add3A_1655, %mul3A_1657 : vector<16xf32>
        %swap3A_1659 = arith.index_cast %add3A_1557 : i32 to index
        %swap3A_1660 = arith.constant 112 : index
        %swap3A_1661 = tpu.vector_load %arg9[%swap3A_1659, %swap3A_1660] {strides = array<i32>} : memref<512x128xf32, #tpu.memory_space<vmem>>, vector<1x16xf32>,
        %swap3A_1662 = vector.shape_cast %swap3A_1661 : vector<1x16xf32> to vector<16xf32>
        %swap3A_1663 = vector.shape_cast %add3A_1658 : vector<16xf32> to vector<1x16xf32>
        tpu.vector_store %arg9[%swap3A_1659, %swap3A_1660], %swap3A_1663 {strides = array<i32>} : memref<512x128xf32, #tpu.memory_space<vmem>>, vector<1x16xf32>,
        %add3A_1664 = arith.constant 13 : i32
        %add3A_1665 = arith.addi %add3A_259, %add3A_1664 : i32
        %slice3A_1666 = vector.extract_strided_slice %convert_element_type3A {offsets = [13], sizes = [1], strides = [1]} : vector<16xf32> to vector<1xf32>
        %squeeze3A_1667 = vector.extract %slice3A_1666[0] : f32 from vector<1xf32>
        %get3A_1668 = arith.index_cast %add3A_1665 : i32 to index
        %get3A_1669 = arith.constant 0 : index
        %get3A_1670 = tpu.vector_load %arg9[%get3A_1668, %get3A_1669] {strides = array<i32>} : memref<512x128xf32, #tpu.memory_space<vmem>>, vector<1x16xf32>,
        %get3A_1671 = vector.shape_cast %get3A_1670 : vector<1x16xf32> to vector<16xf32>
        %add3A_1672 = arith.addf %get3A_1671, %get3A_79 : vector<16xf32>
        %mul3A_1673 = vector.broadcast %squeeze3A_1667 : f32 to vector<16xf32>
        %mul3A_1674 = arith.mulf %mul3A_1673, %sub3A_120 : vector<16xf32>
        %add3A_1675 = arith.addf %add3A_1672, %mul3A_1674 : vector<16xf32>
        %swap3A_1676 = arith.index_cast %add3A_1665 : i32 to index
        %swap3A_1677 = arith.constant 0 : index
        %swap3A_1678 = tpu.vector_load %arg9[%swap3A_1676, %swap3A_1677] {strides = array<i32>} : memref<512x128xf32, #tpu.memory_space<vmem>>, vector<1x16xf32>,
        %swap3A_1679 = vector.shape_cast %swap3A_1678 : vector<1x16xf32> to vector<16xf32>
        %swap3A_1680 = vector.shape_cast %add3A_1675 : vector<16xf32> to vector<1x16xf32>
        tpu.vector_store %arg9[%swap3A_1676, %swap3A_1677], %swap3A_1680 {strides = array<i32>} : memref<512x128xf32, #tpu.memory_space<vmem>>, vector<1x16xf32>,
        %get3A_1681 = arith.index_cast %add3A_1665 : i32 to index
        %get3A_1682 = arith.constant 16 : index
        %get3A_1683 = tpu.vector_load %arg9[%get3A_1681, %get3A_1682] {strides = array<i32>} : memref<512x128xf32, #tpu.memory_space<vmem>>, vector<1x16xf32>,
        %get3A_1684 = vector.shape_cast %get3A_1683 : vector<1x16xf32> to vector<16xf32>
        %add3A_1685 = arith.addf %get3A_1684, %get3A_84 : vector<16xf32>
        %mul3A_1686 = vector.broadcast %squeeze3A_1667 : f32 to vector<16xf32>
        %mul3A_1687 = arith.mulf %mul3A_1686, %sub3A_126 : vector<16xf32>
        %add3A_1688 = arith.addf %add3A_1685, %mul3A_1687 : vector<16xf32>
        %swap3A_1689 = arith.index_cast %add3A_1665 : i32 to index
        %swap3A_1690 = arith.constant 16 : index
        %swap3A_1691 = tpu.vector_load %arg9[%swap3A_1689, %swap3A_1690] {strides = array<i32>} : memref<512x128xf32, #tpu.memory_space<vmem>>, vector<1x16xf32>,
        %swap3A_1692 = vector.shape_cast %swap3A_1691 : vector<1x16xf32> to vector<16xf32>
        %swap3A_1693 = vector.shape_cast %add3A_1688 : vector<16xf32> to vector<1x16xf32>
        tpu.vector_store %arg9[%swap3A_1689, %swap3A_1690], %swap3A_1693 {strides = array<i32>} : memref<512x128xf32, #tpu.memory_space<vmem>>, vector<1x16xf32>,
        %get3A_1694 = arith.index_cast %add3A_1665 : i32 to index
        %get3A_1695 = arith.constant 32 : index
        %get3A_1696 = tpu.vector_load %arg9[%get3A_1694, %get3A_1695] {strides = array<i32>} : memref<512x128xf32, #tpu.memory_space<vmem>>, vector<1x16xf32>,
        %get3A_1697 = vector.shape_cast %get3A_1696 : vector<1x16xf32> to vector<16xf32>
        %add3A_1698 = arith.addf %get3A_1697, %get3A_89 : vector<16xf32>
        %mul3A_1699 = vector.broadcast %squeeze3A_1667 : f32 to vector<16xf32>
        %mul3A_1700 = arith.mulf %mul3A_1699, %sub3A_132 : vector<16xf32>
        %add3A_1701 = arith.addf %add3A_1698, %mul3A_1700 : vector<16xf32>
        %swap3A_1702 = arith.index_cast %add3A_1665 : i32 to index
        %swap3A_1703 = arith.constant 32 : index
        %swap3A_1704 = tpu.vector_load %arg9[%swap3A_1702, %swap3A_1703] {strides = array<i32>} : memref<512x128xf32, #tpu.memory_space<vmem>>, vector<1x16xf32>,
        %swap3A_1705 = vector.shape_cast %swap3A_1704 : vector<1x16xf32> to vector<16xf32>
        %swap3A_1706 = vector.shape_cast %add3A_1701 : vector<16xf32> to vector<1x16xf32>
        tpu.vector_store %arg9[%swap3A_1702, %swap3A_1703], %swap3A_1706 {strides = array<i32>} : memref<512x128xf32, #tpu.memory_space<vmem>>, vector<1x16xf32>,
        %get3A_1707 = arith.index_cast %add3A_1665 : i32 to index
        %get3A_1708 = arith.constant 48 : index
        %get3A_1709 = tpu.vector_load %arg9[%get3A_1707, %get3A_1708] {strides = array<i32>} : memref<512x128xf32, #tpu.memory_space<vmem>>, vector<1x16xf32>,
        %get3A_1710 = vector.shape_cast %get3A_1709 : vector<1x16xf32> to vector<16xf32>
        %add3A_1711 = arith.addf %get3A_1710, %get3A_94 : vector<16xf32>
        %mul3A_1712 = vector.broadcast %squeeze3A_1667 : f32 to vector<16xf32>
        %mul3A_1713 = arith.mulf %mul3A_1712, %sub3A_138 : vector<16xf32>
        %add3A_1714 = arith.addf %add3A_1711, %mul3A_1713 : vector<16xf32>
        %swap3A_1715 = arith.index_cast %add3A_1665 : i32 to index
        %swap3A_1716 = arith.constant 48 : index
        %swap3A_1717 = tpu.vector_load %arg9[%swap3A_1715, %swap3A_1716] {strides = array<i32>} : memref<512x128xf32, #tpu.memory_space<vmem>>, vector<1x16xf32>,
        %swap3A_1718 = vector.shape_cast %swap3A_1717 : vector<1x16xf32> to vector<16xf32>
        %swap3A_1719 = vector.shape_cast %add3A_1714 : vector<16xf32> to vector<1x16xf32>
        tpu.vector_store %arg9[%swap3A_1715, %swap3A_1716], %swap3A_1719 {strides = array<i32>} : memref<512x128xf32, #tpu.memory_space<vmem>>, vector<1x16xf32>,
        %get3A_1720 = arith.index_cast %add3A_1665 : i32 to index
        %get3A_1721 = arith.constant 64 : index
        %get3A_1722 = tpu.vector_load %arg9[%get3A_1720, %get3A_1721] {strides = array<i32>} : memref<512x128xf32, #tpu.memory_space<vmem>>, vector<1x16xf32>,
        %get3A_1723 = vector.shape_cast %get3A_1722 : vector<1x16xf32> to vector<16xf32>
        %add3A_1724 = arith.addf %get3A_1723, %get3A_99 : vector<16xf32>
        %mul3A_1725 = vector.broadcast %squeeze3A_1667 : f32 to vector<16xf32>
        %mul3A_1726 = arith.mulf %mul3A_1725, %sub3A_144 : vector<16xf32>
        %add3A_1727 = arith.addf %add3A_1724, %mul3A_1726 : vector<16xf32>
        %swap3A_1728 = arith.index_cast %add3A_1665 : i32 to index
        %swap3A_1729 = arith.constant 64 : index
        %swap3A_1730 = tpu.vector_load %arg9[%swap3A_1728, %swap3A_1729] {strides = array<i32>} : memref<512x128xf32, #tpu.memory_space<vmem>>, vector<1x16xf32>,
        %swap3A_1731 = vector.shape_cast %swap3A_1730 : vector<1x16xf32> to vector<16xf32>
        %swap3A_1732 = vector.shape_cast %add3A_1727 : vector<16xf32> to vector<1x16xf32>
        tpu.vector_store %arg9[%swap3A_1728, %swap3A_1729], %swap3A_1732 {strides = array<i32>} : memref<512x128xf32, #tpu.memory_space<vmem>>, vector<1x16xf32>,
        %get3A_1733 = arith.index_cast %add3A_1665 : i32 to index
        %get3A_1734 = arith.constant 80 : index
        %get3A_1735 = tpu.vector_load %arg9[%get3A_1733, %get3A_1734] {strides = array<i32>} : memref<512x128xf32, #tpu.memory_space<vmem>>, vector<1x16xf32>,
        %get3A_1736 = vector.shape_cast %get3A_1735 : vector<1x16xf32> to vector<16xf32>
        %add3A_1737 = arith.addf %get3A_1736, %get3A_104 : vector<16xf32>
        %mul3A_1738 = vector.broadcast %squeeze3A_1667 : f32 to vector<16xf32>
        %mul3A_1739 = arith.mulf %mul3A_1738, %sub3A_150 : vector<16xf32>
        %add3A_1740 = arith.addf %add3A_1737, %mul3A_1739 : vector<16xf32>
        %swap3A_1741 = arith.index_cast %add3A_1665 : i32 to index
        %swap3A_1742 = arith.constant 80 : index
        %swap3A_1743 = tpu.vector_load %arg9[%swap3A_1741, %swap3A_1742] {strides = array<i32>} : memref<512x128xf32, #tpu.memory_space<vmem>>, vector<1x16xf32>,
        %swap3A_1744 = vector.shape_cast %swap3A_1743 : vector<1x16xf32> to vector<16xf32>
        %swap3A_1745 = vector.shape_cast %add3A_1740 : vector<16xf32> to vector<1x16xf32>
        tpu.vector_store %arg9[%swap3A_1741, %swap3A_1742], %swap3A_1745 {strides = array<i32>} : memref<512x128xf32, #tpu.memory_space<vmem>>, vector<1x16xf32>,
        %get3A_1746 = arith.index_cast %add3A_1665 : i32 to index
        %get3A_1747 = arith.constant 96 : index
        %get3A_1748 = tpu.vector_load %arg9[%get3A_1746, %get3A_1747] {strides = array<i32>} : memref<512x128xf32, #tpu.memory_space<vmem>>, vector<1x16xf32>,
        %get3A_1749 = vector.shape_cast %get3A_1748 : vector<1x16xf32> to vector<16xf32>
        %add3A_1750 = arith.addf %get3A_1749, %get3A_109 : vector<16xf32>
        %mul3A_1751 = vector.broadcast %squeeze3A_1667 : f32 to vector<16xf32>
        %mul3A_1752 = arith.mulf %mul3A_1751, %sub3A_156 : vector<16xf32>
        %add3A_1753 = arith.addf %add3A_1750, %mul3A_1752 : vector<16xf32>
        %swap3A_1754 = arith.index_cast %add3A_1665 : i32 to index
        %swap3A_1755 = arith.constant 96 : index
        %swap3A_1756 = tpu.vector_load %arg9[%swap3A_1754, %swap3A_1755] {strides = array<i32>} : memref<512x128xf32, #tpu.memory_space<vmem>>, vector<1x16xf32>,
        %swap3A_1757 = vector.shape_cast %swap3A_1756 : vector<1x16xf32> to vector<16xf32>
        %swap3A_1758 = vector.shape_cast %add3A_1753 : vector<16xf32> to vector<1x16xf32>
        tpu.vector_store %arg9[%swap3A_1754, %swap3A_1755], %swap3A_1758 {strides = array<i32>} : memref<512x128xf32, #tpu.memory_space<vmem>>, vector<1x16xf32>,
        %get3A_1759 = arith.index_cast %add3A_1665 : i32 to index
        %get3A_1760 = arith.constant 112 : index
        %get3A_1761 = tpu.vector_load %arg9[%get3A_1759, %get3A_1760] {strides = array<i32>} : memref<512x128xf32, #tpu.memory_space<vmem>>, vector<1x16xf32>,
        %get3A_1762 = vector.shape_cast %get3A_1761 : vector<1x16xf32> to vector<16xf32>
        %add3A_1763 = arith.addf %get3A_1762, %get3A_114 : vector<16xf32>
        %mul3A_1764 = vector.broadcast %squeeze3A_1667 : f32 to vector<16xf32>
        %mul3A_1765 = arith.mulf %mul3A_1764, %sub3A_162 : vector<16xf32>
        %add3A_1766 = arith.addf %add3A_1763, %mul3A_1765 : vector<16xf32>
        %swap3A_1767 = arith.index_cast %add3A_1665 : i32 to index
        %swap3A_1768 = arith.constant 112 : index
        %swap3A_1769 = tpu.vector_load %arg9[%swap3A_1767, %swap3A_1768] {strides = array<i32>} : memref<512x128xf32, #tpu.memory_space<vmem>>, vector<1x16xf32>,
        %swap3A_1770 = vector.shape_cast %swap3A_1769 : vector<1x16xf32> to vector<16xf32>
        %swap3A_1771 = vector.shape_cast %add3A_1766 : vector<16xf32> to vector<1x16xf32>
        tpu.vector_store %arg9[%swap3A_1767, %swap3A_1768], %swap3A_1771 {strides = array<i32>} : memref<512x128xf32, #tpu.memory_space<vmem>>, vector<1x16xf32>,
        %add3A_1772 = arith.constant 14 : i32
        %add3A_1773 = arith.addi %add3A_259, %add3A_1772 : i32
        %slice3A_1774 = vector.extract_strided_slice %convert_element_type3A {offsets = [14], sizes = [1], strides = [1]} : vector<16xf32> to vector<1xf32>
        %squeeze3A_1775 = vector.extract %slice3A_1774[0] : f32 from vector<1xf32>
        %get3A_1776 = arith.index_cast %add3A_1773 : i32 to index
        %get3A_1777 = arith.constant 0 : index
        %get3A_1778 = tpu.vector_load %arg9[%get3A_1776, %get3A_1777] {strides = array<i32>} : memref<512x128xf32, #tpu.memory_space<vmem>>, vector<1x16xf32>,
        %get3A_1779 = vector.shape_cast %get3A_1778 : vector<1x16xf32> to vector<16xf32>
        %add3A_1780 = arith.addf %get3A_1779, %get3A_79 : vector<16xf32>
        %mul3A_1781 = vector.broadcast %squeeze3A_1775 : f32 to vector<16xf32>
        %mul3A_1782 = arith.mulf %mul3A_1781, %sub3A_120 : vector<16xf32>
        %add3A_1783 = arith.addf %add3A_1780, %mul3A_1782 : vector<16xf32>
        %swap3A_1784 = arith.index_cast %add3A_1773 : i32 to index
        %swap3A_1785 = arith.constant 0 : index
        %swap3A_1786 = tpu.vector_load %arg9[%swap3A_1784, %swap3A_1785] {strides = array<i32>} : memref<512x128xf32, #tpu.memory_space<vmem>>, vector<1x16xf32>,
        %swap3A_1787 = vector.shape_cast %swap3A_1786 : vector<1x16xf32> to vector<16xf32>
        %swap3A_1788 = vector.shape_cast %add3A_1783 : vector<16xf32> to vector<1x16xf32>
        tpu.vector_store %arg9[%swap3A_1784, %swap3A_1785], %swap3A_1788 {strides = array<i32>} : memref<512x128xf32, #tpu.memory_space<vmem>>, vector<1x16xf32>,
        %get3A_1789 = arith.index_cast %add3A_1773 : i32 to index
        %get3A_1790 = arith.constant 16 : index
        %get3A_1791 = tpu.vector_load %arg9[%get3A_1789, %get3A_1790] {strides = array<i32>} : memref<512x128xf32, #tpu.memory_space<vmem>>, vector<1x16xf32>,
        %get3A_1792 = vector.shape_cast %get3A_1791 : vector<1x16xf32> to vector<16xf32>
        %add3A_1793 = arith.addf %get3A_1792, %get3A_84 : vector<16xf32>
        %mul3A_1794 = vector.broadcast %squeeze3A_1775 : f32 to vector<16xf32>
        %mul3A_1795 = arith.mulf %mul3A_1794, %sub3A_126 : vector<16xf32>
        %add3A_1796 = arith.addf %add3A_1793, %mul3A_1795 : vector<16xf32>
        %swap3A_1797 = arith.index_cast %add3A_1773 : i32 to index
        %swap3A_1798 = arith.constant 16 : index
        %swap3A_1799 = tpu.vector_load %arg9[%swap3A_1797, %swap3A_1798] {strides = array<i32>} : memref<512x128xf32, #tpu.memory_space<vmem>>, vector<1x16xf32>,
        %swap3A_1800 = vector.shape_cast %swap3A_1799 : vector<1x16xf32> to vector<16xf32>
        %swap3A_1801 = vector.shape_cast %add3A_1796 : vector<16xf32> to vector<1x16xf32>
        tpu.vector_store %arg9[%swap3A_1797, %swap3A_1798], %swap3A_1801 {strides = array<i32>} : memref<512x128xf32, #tpu.memory_space<vmem>>, vector<1x16xf32>,
        %get3A_1802 = arith.index_cast %add3A_1773 : i32 to index
        %get3A_1803 = arith.constant 32 : index
        %get3A_1804 = tpu.vector_load %arg9[%get3A_1802, %get3A_1803] {strides = array<i32>} : memref<512x128xf32, #tpu.memory_space<vmem>>, vector<1x16xf32>,
        %get3A_1805 = vector.shape_cast %get3A_1804 : vector<1x16xf32> to vector<16xf32>
        %add3A_1806 = arith.addf %get3A_1805, %get3A_89 : vector<16xf32>
        %mul3A_1807 = vector.broadcast %squeeze3A_1775 : f32 to vector<16xf32>
        %mul3A_1808 = arith.mulf %mul3A_1807, %sub3A_132 : vector<16xf32>
        %add3A_1809 = arith.addf %add3A_1806, %mul3A_1808 : vector<16xf32>
        %swap3A_1810 = arith.index_cast %add3A_1773 : i32 to index
        %swap3A_1811 = arith.constant 32 : index
        %swap3A_1812 = tpu.vector_load %arg9[%swap3A_1810, %swap3A_1811] {strides = array<i32>} : memref<512x128xf32, #tpu.memory_space<vmem>>, vector<1x16xf32>,
        %swap3A_1813 = vector.shape_cast %swap3A_1812 : vector<1x16xf32> to vector<16xf32>
        %swap3A_1814 = vector.shape_cast %add3A_1809 : vector<16xf32> to vector<1x16xf32>
        tpu.vector_store %arg9[%swap3A_1810, %swap3A_1811], %swap3A_1814 {strides = array<i32>} : memref<512x128xf32, #tpu.memory_space<vmem>>, vector<1x16xf32>,
        %get3A_1815 = arith.index_cast %add3A_1773 : i32 to index
        %get3A_1816 = arith.constant 48 : index
        %get3A_1817 = tpu.vector_load %arg9[%get3A_1815, %get3A_1816] {strides = array<i32>} : memref<512x128xf32, #tpu.memory_space<vmem>>, vector<1x16xf32>,
        %get3A_1818 = vector.shape_cast %get3A_1817 : vector<1x16xf32> to vector<16xf32>
        %add3A_1819 = arith.addf %get3A_1818, %get3A_94 : vector<16xf32>
        %mul3A_1820 = vector.broadcast %squeeze3A_1775 : f32 to vector<16xf32>
        %mul3A_1821 = arith.mulf %mul3A_1820, %sub3A_138 : vector<16xf32>
        %add3A_1822 = arith.addf %add3A_1819, %mul3A_1821 : vector<16xf32>
        %swap3A_1823 = arith.index_cast %add3A_1773 : i32 to index
        %swap3A_1824 = arith.constant 48 : index
        %swap3A_1825 = tpu.vector_load %arg9[%swap3A_1823, %swap3A_1824] {strides = array<i32>} : memref<512x128xf32, #tpu.memory_space<vmem>>, vector<1x16xf32>,
        %swap3A_1826 = vector.shape_cast %swap3A_1825 : vector<1x16xf32> to vector<16xf32>
        %swap3A_1827 = vector.shape_cast %add3A_1822 : vector<16xf32> to vector<1x16xf32>
        tpu.vector_store %arg9[%swap3A_1823, %swap3A_1824], %swap3A_1827 {strides = array<i32>} : memref<512x128xf32, #tpu.memory_space<vmem>>, vector<1x16xf32>,
        %get3A_1828 = arith.index_cast %add3A_1773 : i32 to index
        %get3A_1829 = arith.constant 64 : index
        %get3A_1830 = tpu.vector_load %arg9[%get3A_1828, %get3A_1829] {strides = array<i32>} : memref<512x128xf32, #tpu.memory_space<vmem>>, vector<1x16xf32>,
        %get3A_1831 = vector.shape_cast %get3A_1830 : vector<1x16xf32> to vector<16xf32>
        %add3A_1832 = arith.addf %get3A_1831, %get3A_99 : vector<16xf32>
        %mul3A_1833 = vector.broadcast %squeeze3A_1775 : f32 to vector<16xf32>
        %mul3A_1834 = arith.mulf %mul3A_1833, %sub3A_144 : vector<16xf32>
        %add3A_1835 = arith.addf %add3A_1832, %mul3A_1834 : vector<16xf32>
        %swap3A_1836 = arith.index_cast %add3A_1773 : i32 to index
        %swap3A_1837 = arith.constant 64 : index
        %swap3A_1838 = tpu.vector_load %arg9[%swap3A_1836, %swap3A_1837] {strides = array<i32>} : memref<512x128xf32, #tpu.memory_space<vmem>>, vector<1x16xf32>,
        %swap3A_1839 = vector.shape_cast %swap3A_1838 : vector<1x16xf32> to vector<16xf32>
        %swap3A_1840 = vector.shape_cast %add3A_1835 : vector<16xf32> to vector<1x16xf32>
        tpu.vector_store %arg9[%swap3A_1836, %swap3A_1837], %swap3A_1840 {strides = array<i32>} : memref<512x128xf32, #tpu.memory_space<vmem>>, vector<1x16xf32>,
        %get3A_1841 = arith.index_cast %add3A_1773 : i32 to index
        %get3A_1842 = arith.constant 80 : index
        %get3A_1843 = tpu.vector_load %arg9[%get3A_1841, %get3A_1842] {strides = array<i32>} : memref<512x128xf32, #tpu.memory_space<vmem>>, vector<1x16xf32>,
        %get3A_1844 = vector.shape_cast %get3A_1843 : vector<1x16xf32> to vector<16xf32>
        %add3A_1845 = arith.addf %get3A_1844, %get3A_104 : vector<16xf32>
        %mul3A_1846 = vector.broadcast %squeeze3A_1775 : f32 to vector<16xf32>
        %mul3A_1847 = arith.mulf %mul3A_1846, %sub3A_150 : vector<16xf32>
        %add3A_1848 = arith.addf %add3A_1845, %mul3A_1847 : vector<16xf32>
        %swap3A_1849 = arith.index_cast %add3A_1773 : i32 to index
        %swap3A_1850 = arith.constant 80 : index
        %swap3A_1851 = tpu.vector_load %arg9[%swap3A_1849, %swap3A_1850] {strides = array<i32>} : memref<512x128xf32, #tpu.memory_space<vmem>>, vector<1x16xf32>,
        %swap3A_1852 = vector.shape_cast %swap3A_1851 : vector<1x16xf32> to vector<16xf32>
        %swap3A_1853 = vector.shape_cast %add3A_1848 : vector<16xf32> to vector<1x16xf32>
        tpu.vector_store %arg9[%swap3A_1849, %swap3A_1850], %swap3A_1853 {strides = array<i32>} : memref<512x128xf32, #tpu.memory_space<vmem>>, vector<1x16xf32>,
        %get3A_1854 = arith.index_cast %add3A_1773 : i32 to index
        %get3A_1855 = arith.constant 96 : index
        %get3A_1856 = tpu.vector_load %arg9[%get3A_1854, %get3A_1855] {strides = array<i32>} : memref<512x128xf32, #tpu.memory_space<vmem>>, vector<1x16xf32>,
        %get3A_1857 = vector.shape_cast %get3A_1856 : vector<1x16xf32> to vector<16xf32>
        %add3A_1858 = arith.addf %get3A_1857, %get3A_109 : vector<16xf32>
        %mul3A_1859 = vector.broadcast %squeeze3A_1775 : f32 to vector<16xf32>
        %mul3A_1860 = arith.mulf %mul3A_1859, %sub3A_156 : vector<16xf32>
        %add3A_1861 = arith.addf %add3A_1858, %mul3A_1860 : vector<16xf32>
        %swap3A_1862 = arith.index_cast %add3A_1773 : i32 to index
        %swap3A_1863 = arith.constant 96 : index
        %swap3A_1864 = tpu.vector_load %arg9[%swap3A_1862, %swap3A_1863] {strides = array<i32>} : memref<512x128xf32, #tpu.memory_space<vmem>>, vector<1x16xf32>,
        %swap3A_1865 = vector.shape_cast %swap3A_1864 : vector<1x16xf32> to vector<16xf32>
        %swap3A_1866 = vector.shape_cast %add3A_1861 : vector<16xf32> to vector<1x16xf32>
        tpu.vector_store %arg9[%swap3A_1862, %swap3A_1863], %swap3A_1866 {strides = array<i32>} : memref<512x128xf32, #tpu.memory_space<vmem>>, vector<1x16xf32>,
        %get3A_1867 = arith.index_cast %add3A_1773 : i32 to index
        %get3A_1868 = arith.constant 112 : index
        %get3A_1869 = tpu.vector_load %arg9[%get3A_1867, %get3A_1868] {strides = array<i32>} : memref<512x128xf32, #tpu.memory_space<vmem>>, vector<1x16xf32>,
        %get3A_1870 = vector.shape_cast %get3A_1869 : vector<1x16xf32> to vector<16xf32>
        %add3A_1871 = arith.addf %get3A_1870, %get3A_114 : vector<16xf32>
        %mul3A_1872 = vector.broadcast %squeeze3A_1775 : f32 to vector<16xf32>
        %mul3A_1873 = arith.mulf %mul3A_1872, %sub3A_162 : vector<16xf32>
        %add3A_1874 = arith.addf %add3A_1871, %mul3A_1873 : vector<16xf32>
        %swap3A_1875 = arith.index_cast %add3A_1773 : i32 to index
        %swap3A_1876 = arith.constant 112 : index
        %swap3A_1877 = tpu.vector_load %arg9[%swap3A_1875, %swap3A_1876] {strides = array<i32>} : memref<512x128xf32, #tpu.memory_space<vmem>>, vector<1x16xf32>,
        %swap3A_1878 = vector.shape_cast %swap3A_1877 : vector<1x16xf32> to vector<16xf32>
        %swap3A_1879 = vector.shape_cast %add3A_1874 : vector<16xf32> to vector<1x16xf32>
        tpu.vector_store %arg9[%swap3A_1875, %swap3A_1876], %swap3A_1879 {strides = array<i32>} : memref<512x128xf32, #tpu.memory_space<vmem>>, vector<1x16xf32>,
        %add3A_1880 = arith.constant 15 : i32
        %add3A_1881 = arith.addi %add3A_259, %add3A_1880 : i32
        %slice3A_1882 = vector.extract_strided_slice %convert_element_type3A {offsets = [15], sizes = [1], strides = [1]} : vector<16xf32> to vector<1xf32>
        %squeeze3A_1883 = vector.extract %slice3A_1882[0] : f32 from vector<1xf32>
        %get3A_1884 = arith.index_cast %add3A_1881 : i32 to index
        %get3A_1885 = arith.constant 0 : index
        %get3A_1886 = tpu.vector_load %arg9[%get3A_1884, %get3A_1885] {strides = array<i32>} : memref<512x128xf32, #tpu.memory_space<vmem>>, vector<1x16xf32>,
        %get3A_1887 = vector.shape_cast %get3A_1886 : vector<1x16xf32> to vector<16xf32>
        %add3A_1888 = arith.addf %get3A_1887, %get3A_79 : vector<16xf32>
        %mul3A_1889 = vector.broadcast %squeeze3A_1883 : f32 to vector<16xf32>
        %mul3A_1890 = arith.mulf %mul3A_1889, %sub3A_120 : vector<16xf32>
        %add3A_1891 = arith.addf %add3A_1888, %mul3A_1890 : vector<16xf32>
        %swap3A_1892 = arith.index_cast %add3A_1881 : i32 to index
        %swap3A_1893 = arith.constant 0 : index
        %swap3A_1894 = tpu.vector_load %arg9[%swap3A_1892, %swap3A_1893] {strides = array<i32>} : memref<512x128xf32, #tpu.memory_space<vmem>>, vector<1x16xf32>,
        %swap3A_1895 = vector.shape_cast %swap3A_1894 : vector<1x16xf32> to vector<16xf32>
        %swap3A_1896 = vector.shape_cast %add3A_1891 : vector<16xf32> to vector<1x16xf32>
        tpu.vector_store %arg9[%swap3A_1892, %swap3A_1893], %swap3A_1896 {strides = array<i32>} : memref<512x128xf32, #tpu.memory_space<vmem>>, vector<1x16xf32>,
        %get3A_1897 = arith.index_cast %add3A_1881 : i32 to index
        %get3A_1898 = arith.constant 16 : index
        %get3A_1899 = tpu.vector_load %arg9[%get3A_1897, %get3A_1898] {strides = array<i32>} : memref<512x128xf32, #tpu.memory_space<vmem>>, vector<1x16xf32>,
        %get3A_1900 = vector.shape_cast %get3A_1899 : vector<1x16xf32> to vector<16xf32>
        %add3A_1901 = arith.addf %get3A_1900, %get3A_84 : vector<16xf32>
        %mul3A_1902 = vector.broadcast %squeeze3A_1883 : f32 to vector<16xf32>
        %mul3A_1903 = arith.mulf %mul3A_1902, %sub3A_126 : vector<16xf32>
        %add3A_1904 = arith.addf %add3A_1901, %mul3A_1903 : vector<16xf32>
        %swap3A_1905 = arith.index_cast %add3A_1881 : i32 to index
        %swap3A_1906 = arith.constant 16 : index
        %swap3A_1907 = tpu.vector_load %arg9[%swap3A_1905, %swap3A_1906] {strides = array<i32>} : memref<512x128xf32, #tpu.memory_space<vmem>>, vector<1x16xf32>,
        %swap3A_1908 = vector.shape_cast %swap3A_1907 : vector<1x16xf32> to vector<16xf32>
        %swap3A_1909 = vector.shape_cast %add3A_1904 : vector<16xf32> to vector<1x16xf32>
        tpu.vector_store %arg9[%swap3A_1905, %swap3A_1906], %swap3A_1909 {strides = array<i32>} : memref<512x128xf32, #tpu.memory_space<vmem>>, vector<1x16xf32>,
        %get3A_1910 = arith.index_cast %add3A_1881 : i32 to index
        %get3A_1911 = arith.constant 32 : index
        %get3A_1912 = tpu.vector_load %arg9[%get3A_1910, %get3A_1911] {strides = array<i32>} : memref<512x128xf32, #tpu.memory_space<vmem>>, vector<1x16xf32>,
        %get3A_1913 = vector.shape_cast %get3A_1912 : vector<1x16xf32> to vector<16xf32>
        %add3A_1914 = arith.addf %get3A_1913, %get3A_89 : vector<16xf32>
        %mul3A_1915 = vector.broadcast %squeeze3A_1883 : f32 to vector<16xf32>
        %mul3A_1916 = arith.mulf %mul3A_1915, %sub3A_132 : vector<16xf32>
        %add3A_1917 = arith.addf %add3A_1914, %mul3A_1916 : vector<16xf32>
        %swap3A_1918 = arith.index_cast %add3A_1881 : i32 to index
        %swap3A_1919 = arith.constant 32 : index
        %swap3A_1920 = tpu.vector_load %arg9[%swap3A_1918, %swap3A_1919] {strides = array<i32>} : memref<512x128xf32, #tpu.memory_space<vmem>>, vector<1x16xf32>,
        %swap3A_1921 = vector.shape_cast %swap3A_1920 : vector<1x16xf32> to vector<16xf32>
        %swap3A_1922 = vector.shape_cast %add3A_1917 : vector<16xf32> to vector<1x16xf32>
        tpu.vector_store %arg9[%swap3A_1918, %swap3A_1919], %swap3A_1922 {strides = array<i32>} : memref<512x128xf32, #tpu.memory_space<vmem>>, vector<1x16xf32>,
        %get3A_1923 = arith.index_cast %add3A_1881 : i32 to index
        %get3A_1924 = arith.constant 48 : index
        %get3A_1925 = tpu.vector_load %arg9[%get3A_1923, %get3A_1924] {strides = array<i32>} : memref<512x128xf32, #tpu.memory_space<vmem>>, vector<1x16xf32>,
        %get3A_1926 = vector.shape_cast %get3A_1925 : vector<1x16xf32> to vector<16xf32>
        %add3A_1927 = arith.addf %get3A_1926, %get3A_94 : vector<16xf32>
        %mul3A_1928 = vector.broadcast %squeeze3A_1883 : f32 to vector<16xf32>
        %mul3A_1929 = arith.mulf %mul3A_1928, %sub3A_138 : vector<16xf32>
        %add3A_1930 = arith.addf %add3A_1927, %mul3A_1929 : vector<16xf32>
        %swap3A_1931 = arith.index_cast %add3A_1881 : i32 to index
        %swap3A_1932 = arith.constant 48 : index
        %swap3A_1933 = tpu.vector_load %arg9[%swap3A_1931, %swap3A_1932] {strides = array<i32>} : memref<512x128xf32, #tpu.memory_space<vmem>>, vector<1x16xf32>,
        %swap3A_1934 = vector.shape_cast %swap3A_1933 : vector<1x16xf32> to vector<16xf32>
        %swap3A_1935 = vector.shape_cast %add3A_1930 : vector<16xf32> to vector<1x16xf32>
        tpu.vector_store %arg9[%swap3A_1931, %swap3A_1932], %swap3A_1935 {strides = array<i32>} : memref<512x128xf32, #tpu.memory_space<vmem>>, vector<1x16xf32>,
        %get3A_1936 = arith.index_cast %add3A_1881 : i32 to index
        %get3A_1937 = arith.constant 64 : index
        %get3A_1938 = tpu.vector_load %arg9[%get3A_1936, %get3A_1937] {strides = array<i32>} : memref<512x128xf32, #tpu.memory_space<vmem>>, vector<1x16xf32>,
        %get3A_1939 = vector.shape_cast %get3A_1938 : vector<1x16xf32> to vector<16xf32>
        %add3A_1940 = arith.addf %get3A_1939, %get3A_99 : vector<16xf32>
        %mul3A_1941 = vector.broadcast %squeeze3A_1883 : f32 to vector<16xf32>
        %mul3A_1942 = arith.mulf %mul3A_1941, %sub3A_144 : vector<16xf32>
        %add3A_1943 = arith.addf %add3A_1940, %mul3A_1942 : vector<16xf32>
        %swap3A_1944 = arith.index_cast %add3A_1881 : i32 to index
        %swap3A_1945 = arith.constant 64 : index
        %swap3A_1946 = tpu.vector_load %arg9[%swap3A_1944, %swap3A_1945] {strides = array<i32>} : memref<512x128xf32, #tpu.memory_space<vmem>>, vector<1x16xf32>,
        %swap3A_1947 = vector.shape_cast %swap3A_1946 : vector<1x16xf32> to vector<16xf32>
        %swap3A_1948 = vector.shape_cast %add3A_1943 : vector<16xf32> to vector<1x16xf32>
        tpu.vector_store %arg9[%swap3A_1944, %swap3A_1945], %swap3A_1948 {strides = array<i32>} : memref<512x128xf32, #tpu.memory_space<vmem>>, vector<1x16xf32>,
        %get3A_1949 = arith.index_cast %add3A_1881 : i32 to index
        %get3A_1950 = arith.constant 80 : index
        %get3A_1951 = tpu.vector_load %arg9[%get3A_1949, %get3A_1950] {strides = array<i32>} : memref<512x128xf32, #tpu.memory_space<vmem>>, vector<1x16xf32>,
        %get3A_1952 = vector.shape_cast %get3A_1951 : vector<1x16xf32> to vector<16xf32>
        %add3A_1953 = arith.addf %get3A_1952, %get3A_104 : vector<16xf32>
        %mul3A_1954 = vector.broadcast %squeeze3A_1883 : f32 to vector<16xf32>
        %mul3A_1955 = arith.mulf %mul3A_1954, %sub3A_150 : vector<16xf32>
        %add3A_1956 = arith.addf %add3A_1953, %mul3A_1955 : vector<16xf32>
        %swap3A_1957 = arith.index_cast %add3A_1881 : i32 to index
        %swap3A_1958 = arith.constant 80 : index
        %swap3A_1959 = tpu.vector_load %arg9[%swap3A_1957, %swap3A_1958] {strides = array<i32>} : memref<512x128xf32, #tpu.memory_space<vmem>>, vector<1x16xf32>,
        %swap3A_1960 = vector.shape_cast %swap3A_1959 : vector<1x16xf32> to vector<16xf32>
        %swap3A_1961 = vector.shape_cast %add3A_1956 : vector<16xf32> to vector<1x16xf32>
        tpu.vector_store %arg9[%swap3A_1957, %swap3A_1958], %swap3A_1961 {strides = array<i32>} : memref<512x128xf32, #tpu.memory_space<vmem>>, vector<1x16xf32>,
        %get3A_1962 = arith.index_cast %add3A_1881 : i32 to index
        %get3A_1963 = arith.constant 96 : index
        %get3A_1964 = tpu.vector_load %arg9[%get3A_1962, %get3A_1963] {strides = array<i32>} : memref<512x128xf32, #tpu.memory_space<vmem>>, vector<1x16xf32>,
        %get3A_1965 = vector.shape_cast %get3A_1964 : vector<1x16xf32> to vector<16xf32>
        %add3A_1966 = arith.addf %get3A_1965, %get3A_109 : vector<16xf32>
        %mul3A_1967 = vector.broadcast %squeeze3A_1883 : f32 to vector<16xf32>
        %mul3A_1968 = arith.mulf %mul3A_1967, %sub3A_156 : vector<16xf32>
        %add3A_1969 = arith.addf %add3A_1966, %mul3A_1968 : vector<16xf32>
        %swap3A_1970 = arith.index_cast %add3A_1881 : i32 to index
        %swap3A_1971 = arith.constant 96 : index
        %swap3A_1972 = tpu.vector_load %arg9[%swap3A_1970, %swap3A_1971] {strides = array<i32>} : memref<512x128xf32, #tpu.memory_space<vmem>>, vector<1x16xf32>,
        %swap3A_1973 = vector.shape_cast %swap3A_1972 : vector<1x16xf32> to vector<16xf32>
        %swap3A_1974 = vector.shape_cast %add3A_1969 : vector<16xf32> to vector<1x16xf32>
        tpu.vector_store %arg9[%swap3A_1970, %swap3A_1971], %swap3A_1974 {strides = array<i32>} : memref<512x128xf32, #tpu.memory_space<vmem>>, vector<1x16xf32>,
        %get3A_1975 = arith.index_cast %add3A_1881 : i32 to index
        %get3A_1976 = arith.constant 112 : index
        %get3A_1977 = tpu.vector_load %arg9[%get3A_1975, %get3A_1976] {strides = array<i32>} : memref<512x128xf32, #tpu.memory_space<vmem>>, vector<1x16xf32>,
        %get3A_1978 = vector.shape_cast %get3A_1977 : vector<1x16xf32> to vector<16xf32>
        %add3A_1979 = arith.addf %get3A_1978, %get3A_114 : vector<16xf32>
        %mul3A_1980 = vector.broadcast %squeeze3A_1883 : f32 to vector<16xf32>
        %mul3A_1981 = arith.mulf %mul3A_1980, %sub3A_162 : vector<16xf32>
        %add3A_1982 = arith.addf %add3A_1979, %mul3A_1981 : vector<16xf32>
        %swap3A_1983 = arith.index_cast %add3A_1881 : i32 to index
        %swap3A_1984 = arith.constant 112 : index
        %swap3A_1985 = tpu.vector_load %arg9[%swap3A_1983, %swap3A_1984] {strides = array<i32>} : memref<512x128xf32, #tpu.memory_space<vmem>>, vector<1x16xf32>,
        %swap3A_1986 = vector.shape_cast %swap3A_1985 : vector<1x16xf32> to vector<16xf32>
        %swap3A_1987 = vector.shape_cast %add3A_1982 : vector<16xf32> to vector<1x16xf32>
        tpu.vector_store %arg9[%swap3A_1983, %swap3A_1984], %swap3A_1987 {strides = array<i32>} : memref<512x128xf32, #tpu.memory_space<vmem>>, vector<1x16xf32>,
        %scan3A_1988 = arith.constant 0 : i32
        scf.yield %scan3A_1988 : i32
      }
      %scan3A_242 = arith.constant 8 : i32
      %add3A_243 = arith.addi %mul3A_32, %mul3A_227 : i32
      %dma_start3A_244 = arith.constant 0 : i32
      %dma_start3A_245 = tpu.memref_slice %arg9[%mul3A_227, %dma_start3A_244] : memref<512x128xf32, #tpu.memory_space<vmem>> -> memref<128x128xf32, #tpu.memory_space<vmem>>
      %dma_start3A_246 = arith.constant 0 : i32
      %dma_start3A_247 = tpu.memref_slice %arg6[%select_n3A, %add3A_243, %dma_start3A_246] : memref<4x4096x128xf32, #tpu.memory_space<hbm>> -> memref<1x128x128xf32, #tpu.memory_space<hbm>>
      %dma_start3A_248 = tpu.memref_squeeze %dma_start3A_247 : memref<1x128x128xf32, #tpu.memory_space<hbm>> -> memref<128x128xf32, #tpu.memory_space<hbm>>
      %dma_start3A_249 = arith.constant 0 : i32
      %dma_start3A_250 = tpu.memref_slice %arg6[%select_n3A, %add3A_243, %dma_start3A_249] : memref<4x4096x128xf32, #tpu.memory_space<hbm>> -> memref<1x128x128xf32, #tpu.memory_space<hbm>>
      %dma_start3A_251 = tpu.memref_squeeze %dma_start3A_250 : memref<1x128x128xf32, #tpu.memory_space<hbm>> -> memref<128x128xf32, #tpu.memory_space<hbm>>
      %dma_start3A_252 = arith.constant 0 : i32
      %dma_start3A_253 = tpu.memref_slice %arg9[%mul3A_227, %dma_start3A_252] : memref<512x128xf32, #tpu.memory_space<vmem>> -> memref<128x128xf32, #tpu.memory_space<vmem>>
      tpu.enqueue_dma source(%dma_start3A_253 : memref<128x128xf32, #tpu.memory_space<vmem>>) target(%dma_start3A_251 : memref<128x128xf32, #tpu.memory_space<hbm>>) target_semaphore(%arg12 : memref<!tpu.dma_semaphore, #tpu.memory_space<semaphore_mem>>)
      %scan3A_254 = arith.constant 0 : i32
      scf.yield %scan3A_254 : i32
    }
    %scan3A_168 = arith.constant 4 : i32
    %add3A_169 = arith.constant 0 : i32
    %add3A_170 = arith.addi %mul3A_32, %add3A_169 : i32
    %dma_wait3A = arith.constant 0 : i32
    %dma_wait3A_171 = arith.constant 0 : i32
    %dma_wait3A_172 = tpu.memref_slice %arg9[%dma_wait3A, %dma_wait3A_171] : memref<512x128xf32, #tpu.memory_space<vmem>> -> memref<128x128xf32, #tpu.memory_space<vmem>>
    %dma_wait3A_173 = arith.constant 0 : i32
    %dma_wait3A_174 = tpu.memref_slice %arg6[%select_n3A, %add3A_170, %dma_wait3A_173] : memref<4x4096x128xf32, #tpu.memory_space<hbm>> -> memref<1x128x128xf32, #tpu.memory_space<hbm>>
    %dma_wait3A_175 = tpu.memref_squeeze %dma_wait3A_174 : memref<1x128x128xf32, #tpu.memory_space<hbm>> -> memref<128x128xf32, #tpu.memory_space<hbm>>
    %dma_wait3A_176 = arith.constant 0 : i32
    %dma_wait3A_177 = tpu.memref_slice %arg6[%select_n3A, %add3A_170, %dma_wait3A_176] : memref<4x4096x128xf32, #tpu.memory_space<hbm>> -> memref<1x128x128xf32, #tpu.memory_space<hbm>>
    %dma_wait3A_178 = tpu.memref_squeeze %dma_wait3A_177 : memref<1x128x128xf32, #tpu.memory_space<hbm>> -> memref<128x128xf32, #tpu.memory_space<hbm>>
    %dma_wait3A_179 = arith.constant 0 : i32
    %dma_wait3A_180 = arith.constant 0 : i32
    %dma_wait3A_181 = tpu.memref_slice %arg9[%dma_wait3A_179, %dma_wait3A_180] : memref<512x128xf32, #tpu.memory_space<vmem>> -> memref<128x128xf32, #tpu.memory_space<vmem>>
    tpu.wait_dma2 semaphore(%arg12 : memref<!tpu.dma_semaphore, #tpu.memory_space<semaphore_mem>>) src(%dma_wait3A_181 : memref<128x128xf32, #tpu.memory_space<vmem>>) dst(%dma_wait3A_178 : memref<128x128xf32, #tpu.memory_space<hbm>>)
    %add3A_182 = arith.constant 128 : i32
    %add3A_183 = arith.addi %mul3A_32, %add3A_182 : i32
    %dma_wait3A_184 = arith.constant 128 : i32
    %dma_wait3A_185 = arith.constant 0 : i32
    %dma_wait3A_186 = tpu.memref_slice %arg9[%dma_wait3A_184, %dma_wait3A_185] : memref<512x128xf32, #tpu.memory_space<vmem>> -> memref<128x128xf32, #tpu.memory_space<vmem>>
    %dma_wait3A_187 = arith.constant 0 : i32
    %dma_wait3A_188 = tpu.memref_slice %arg6[%select_n3A, %add3A_183, %dma_wait3A_187] : memref<4x4096x128xf32, #tpu.memory_space<hbm>> -> memref<1x128x128xf32, #tpu.memory_space<hbm>>
    %dma_wait3A_189 = tpu.memref_squeeze %dma_wait3A_188 : memref<1x128x128xf32, #tpu.memory_space<hbm>> -> memref<128x128xf32, #tpu.memory_space<hbm>>
    %dma_wait3A_190 = arith.constant 0 : i32
    %dma_wait3A_191 = tpu.memref_slice %arg6[%select_n3A, %add3A_183, %dma_wait3A_190] : memref<4x4096x128xf32, #tpu.memory_space<hbm>> -> memref<1x128x128xf32, #tpu.memory_space<hbm>>
    %dma_wait3A_192 = tpu.memref_squeeze %dma_wait3A_191 : memref<1x128x128xf32, #tpu.memory_space<hbm>> -> memref<128x128xf32, #tpu.memory_space<hbm>>
    %dma_wait3A_193 = arith.constant 128 : i32
    %dma_wait3A_194 = arith.constant 0 : i32
    %dma_wait3A_195 = tpu.memref_slice %arg9[%dma_wait3A_193, %dma_wait3A_194] : memref<512x128xf32, #tpu.memory_space<vmem>> -> memref<128x128xf32, #tpu.memory_space<vmem>>
    tpu.wait_dma2 semaphore(%arg12 : memref<!tpu.dma_semaphore, #tpu.memory_space<semaphore_mem>>) src(%dma_wait3A_195 : memref<128x128xf32, #tpu.memory_space<vmem>>) dst(%dma_wait3A_192 : memref<128x128xf32, #tpu.memory_space<hbm>>)
    %add3A_196 = arith.constant 256 : i32
    %add3A_197 = arith.addi %mul3A_32, %add3A_196 : i32
    %dma_wait3A_198 = arith.constant 256 : i32
    %dma_wait3A_199 = arith.constant 0 : i32
    %dma_wait3A_200 = tpu.memref_slice %arg9[%dma_wait3A_198, %dma_wait3A_199] : memref<512x128xf32, #tpu.memory_space<vmem>> -> memref<128x128xf32, #tpu.memory_space<vmem>>
    %dma_wait3A_201 = arith.constant 0 : i32
    %dma_wait3A_202 = tpu.memref_slice %arg6[%select_n3A, %add3A_197, %dma_wait3A_201] : memref<4x4096x128xf32, #tpu.memory_space<hbm>> -> memref<1x128x128xf32, #tpu.memory_space<hbm>>
    %dma_wait3A_203 = tpu.memref_squeeze %dma_wait3A_202 : memref<1x128x128xf32, #tpu.memory_space<hbm>> -> memref<128x128xf32, #tpu.memory_space<hbm>>
    %dma_wait3A_204 = arith.constant 0 : i32
    %dma_wait3A_205 = tpu.memref_slice %arg6[%select_n3A, %add3A_197, %dma_wait3A_204] : memref<4x4096x128xf32, #tpu.memory_space<hbm>> -> memref<1x128x128xf32, #tpu.memory_space<hbm>>
    %dma_wait3A_206 = tpu.memref_squeeze %dma_wait3A_205 : memref<1x128x128xf32, #tpu.memory_space<hbm>> -> memref<128x128xf32, #tpu.memory_space<hbm>>
    %dma_wait3A_207 = arith.constant 256 : i32
    %dma_wait3A_208 = arith.constant 0 : i32
    %dma_wait3A_209 = tpu.memref_slice %arg9[%dma_wait3A_207, %dma_wait3A_208] : memref<512x128xf32, #tpu.memory_space<vmem>> -> memref<128x128xf32, #tpu.memory_space<vmem>>
    tpu.wait_dma2 semaphore(%arg12 : memref<!tpu.dma_semaphore, #tpu.memory_space<semaphore_mem>>) src(%dma_wait3A_209 : memref<128x128xf32, #tpu.memory_space<vmem>>) dst(%dma_wait3A_206 : memref<128x128xf32, #tpu.memory_space<hbm>>)
    %add3A_210 = arith.constant 384 : i32
    %add3A_211 = arith.addi %mul3A_32, %add3A_210 : i32
    %dma_wait3A_212 = arith.constant 384 : i32
    %dma_wait3A_213 = arith.constant 0 : i32
    %dma_wait3A_214 = tpu.memref_slice %arg9[%dma_wait3A_212, %dma_wait3A_213] : memref<512x128xf32, #tpu.memory_space<vmem>> -> memref<128x128xf32, #tpu.memory_space<vmem>>
    %dma_wait3A_215 = arith.constant 0 : i32
    %dma_wait3A_216 = tpu.memref_slice %arg6[%select_n3A, %add3A_211, %dma_wait3A_215] : memref<4x4096x128xf32, #tpu.memory_space<hbm>> -> memref<1x128x128xf32, #tpu.memory_space<hbm>>
    %dma_wait3A_217 = tpu.memref_squeeze %dma_wait3A_216 : memref<1x128x128xf32, #tpu.memory_space<hbm>> -> memref<128x128xf32, #tpu.memory_space<hbm>>
    %dma_wait3A_218 = arith.constant 0 : i32
    %dma_wait3A_219 = tpu.memref_slice %arg6[%select_n3A, %add3A_211, %dma_wait3A_218] : memref<4x4096x128xf32, #tpu.memory_space<hbm>> -> memref<1x128x128xf32, #tpu.memory_space<hbm>>
    %dma_wait3A_220 = tpu.memref_squeeze %dma_wait3A_219 : memref<1x128x128xf32, #tpu.memory_space<hbm>> -> memref<128x128xf32, #tpu.memory_space<hbm>>
    %dma_wait3A_221 = arith.constant 384 : i32
    %dma_wait3A_222 = arith.constant 0 : i32
    %dma_wait3A_223 = tpu.memref_slice %arg9[%dma_wait3A_221, %dma_wait3A_222] : memref<512x128xf32, #tpu.memory_space<vmem>> -> memref<128x128xf32, #tpu.memory_space<vmem>>
    tpu.wait_dma2 semaphore(%arg12 : memref<!tpu.dma_semaphore, #tpu.memory_space<semaphore_mem>>) src(%dma_wait3A_223 : memref<128x128xf32, #tpu.memory_space<vmem>>) dst(%dma_wait3A_220 : memref<128x128xf32, #tpu.memory_space<hbm>>)
    return
  }
}

</mosaic_0001>

<sc_bundles>
// kernel: _emb.3.cloned.1.call-start
scs
__scs_entry_jumppad:
0x0: {  	(pc) =	sbr.rel $0x88, $3  }
0x1: {  	(tag) =	ssettag $0x0;
	lr =	simm.s32 $0x1  }
0x2: {  	[smem:$0x3F9D] =	sst lr;
	_ =	strace $0xD0000000  }
0x3: {  	_ = 	snop  }
0x4: {  	_ = 	snop  }
0x5: {  	_ = 	snop  }
0x6: {  	_ = 	snop  }
0x7: {  	_ = 	snop  }
__scs_overlays_trampoline_lowered:
0x8: {  	[smem:$0x3FAC] =	sst s0  }
0x9: {  	[smem:$0x3FAD] =	sst s1  }
0xa: {  	[smem:$0x3FAE] =	sst s2  }
0xb: {  	[smem:$0x3FAF] =	sst s3  }
0xc: {  	[smem:$0x3FB0] =	sst s4  }
0xd: {  	[smem:$0x3FB1] =	sst s5  }
0xe: {  	[smem:$0x3FB2] =	sst s6  }
0xf: {  	[smem:$0x3FB3] =	sst s7  }
0x10: {  	[smem:$0x3FB4] =	sst s8  }
0x11: {  	[smem:$0x3FB5] =	sst s9;
	s0 =	simm.s32 @!p0 $0x0  }
0x12: {  	s1 =	sld [smem:$0x3F9B];
	s0 =	simm.s32 @p0 $0x1  }
0x13: {  	[smem:$0x3FB6] =	sst s0;
	s0 =	simm.s32 @!p1 $0x0  }
0x14: {  	s2 =	sld [smem:$0x3F9A];
	s0 =	simm.s32 @p1 $0x1  }
0x15: {  	[smem:$0x3FB7] =	sst s0;
	s0 =	simm.s32 @!p2 $0x0  }
0x16: {  	s3 =	sld [smem:$0x3FDB];
	s0 =	simm.s32 @p2 $0x1  }
0x17: {  	s4 =	simm.s32 $0x1BF5;
	[smem:$0x3FB9] =	sst s0  }
0x18: {  	s0 =	sld [smem:$0x3F9C];
	_ =	swait.ge [sflag:s4], $0x0  }
0x19: {  	s7 =	sld [smem:$0x3F9D]  }
0x1a: {  	s8 =	sadd.s32 $0xFFFFE003, lr  }
0x1b: {  	s9 =	sadd.s32 $0xFFFFFEF7, lr;
	s5 =	simm.s32 $0xFFFFFFFF;
	p2 =	slt.u32 s8, $0xFFFFF086  }
0x1c: {  	p1 =	slt.u32 s9, $0xF7A;
	s5 =	simm.s32 @!p2 $0x0  }
0x1d: {  	s5 =	simm.s32 @p1 $0x1;
	p0 =	seq.s32 s7, s2  }
0x1e: {  	s7 =	smul.u32 @!p0 $0xF7A, s2;
	p2 =	seq.s32 @!p0 s5, $0x0  }
0x1f: {  	s9 =	smul.u32 $0xF7A, s1;
	s8 =	simm.s32 @!p0 $0x1BF5;
	p2 =	por !p2, p0  }
0x20: {  	[sflag:s8] =	ssyncset.s32 @!p0 $0xFFFFF086;
	s6 =	sadd.s32 @!p0 s3, s7;
	s7 =	simm.s32 @!p0 $0x108  }
0x21: {  	s3 =	sadd.s32 s3, s9;
	s6 =	sadd.s32 @!p0 $0x88, s6;
	s7 =	simm.s32 @p2 $0x1082  }
0x22: {  	[simem:s7], [sflag:s8] =	dma.local @!p0 [hbm:s6], $0xF7A  }
0x23: {  	s9 =	sor.u32 $0xD0000000, s2;
	s6 =	simm.s32 $0x108;
	_ =	swait.ge @!p0 [sflag:s8], $0x0  }
0x24: {  	s3 =	sadd.s32 $0x88, s3;
	s6 =	simm.s32 @!p1 $0x1082;
	[sflag:s4] =	ssyncset.s32 $0xFFFFF086  }
0x25: {  	[simem:s6], [sflag:s4] =	dma.local [hbm:s3], $0xF7A  }
0x26: {  	[smem:$0x3F9D] =	sst s1;
	(tag) =	ssettag s2;
	_ =	strace s9  }
0x27: {  	s1 =	sld [smem:$0x3FAD]  }
0x28: {  	s2 =	sld [smem:$0x3FAE]  }
0x29: {  	s4 =	sld [smem:$0x3FB0]  }
0x2a: {  	p0 =	seq.s32 s5, $0x0;
	s5 =	sld [smem:$0x3FB1]  }
0x2b: {  	s6 =	sld [smem:$0x3FB2]  }
0x2c: {  	s7 =	sld [smem:$0x3FB3]  }
0x2d: {  	s3 =	simm.s32 $0x108;
	s8 =	sld [smem:$0x3FB4]  }
0x2e: {  	s3 =	simm.s32 @!p0 $0x1082;
	s9 =	sld [smem:$0x3FB5]  }
0x2f: {  	lr =	sadd.s32 s0, s3;
	s0 =	sld [smem:$0x3FAC]  }
0x30: {  	s3 =	sld [smem:$0x3FAF]  }
0x31: {  	[smem:$0x3FB8] =	sst s10  }
0x32: {  	s10 =	sld [smem:$0x3FB6];
	_ =	sdelay $0x3  }
0x33: {  	p0 =	seq.s32 s10, $0x1;
	s10 =	sld [smem:$0x3FB8];
	_ =	sdelay $0x3  }
0x34: {  	[smem:$0x3FB8] =	sst s10  }
0x35: {  	s10 =	sld [smem:$0x3FB7];
	_ =	sdelay $0x3  }
0x36: {  	p1 =	seq.s32 s10, $0x1;
	s10 =	sld [smem:$0x3FB8];
	_ =	sdelay $0x3  }
0x37: {  	[smem:$0x3FB8] =	sst s10  }
0x38: {  	s10 =	sld [smem:$0x3FB9]  }
0x39: {  	_ = 	snop;
	(pc) =	sbr.ind lr, $3  }
0x3a: {  	_ = 	snop  }
0x3b: {  	_ = 	snop  }
0x3c: {  	p2 =	seq.s32 s10, $0x1;
	s10 =	sld [smem:$0x3FB8]  }
0x3d: {  	_ =	shalt  }
0x3e: {  	_ =	shalt  }
0x3f: {  	_ =	shalt  }
0x40: {  	_ =	shalt  }
0x41: {  	_ =	shalt  }
0x42: {  	_ =	shalt  }
0x43: {  	_ =	shalt  }
0x44: {  	_ =	shalt  }
0x45: {  	_ =	shalt  }
0x46: {  	_ =	shalt  }
0x47: {  	_ =	shalt  }
0x48: {  	_ =	shalt  }
0x49: {  	_ =	shalt  }
0x4a: {  	_ =	shalt  }
0x4b: {  	_ =	shalt  }
0x4c: {  	_ =	shalt  }
0x4d: {  	_ =	shalt  }
0x4e: {  	_ =	shalt  }
0x4f: {  	_ =	shalt  }
0x50: {  	_ =	shalt  }
0x51: {  	_ =	shalt  }
0x52: {  	_ =	shalt  }
0x53: {  	_ =	shalt  }
0x54: {  	_ =	shalt  }
0x55: {  	_ =	shalt  }
0x56: {  	_ =	shalt  }
0x57: {  	_ =	shalt  }
0x58: {  	_ =	shalt  }
0x59: {  	_ =	shalt  }
0x5a: {  	_ =	shalt  }
0x5b: {  	_ =	shalt  }
0x5c: {  	_ =	shalt  }
0x5d: {  	_ =	shalt  }
0x5e: {  	_ =	shalt  }
0x5f: {  	_ =	shalt  }
0x60: {  	_ =	shalt  }
0x61: {  	_ =	shalt  }
0x62: {  	_ =	shalt  }
0x63: {  	_ =	shalt  }
0x64: {  	_ =	shalt  }
0x65: {  	_ =	shalt  }
0x66: {  	_ =	shalt  }
0x67: {  	_ =	shalt  }
0x68: {  	_ =	shalt  }
0x69: {  	_ =	shalt  }
0x6a: {  	_ =	shalt  }
0x6b: {  	_ =	shalt  }
0x6c: {  	_ =	shalt  }
0x6d: {  	_ =	shalt  }
0x6e: {  	_ =	shalt  }
0x6f: {  	_ =	shalt  }
0x70: {  	_ =	shalt  }
0x71: {  	_ =	shalt  }
0x72: {  	_ =	shalt  }
0x73: {  	_ =	shalt  }
0x74: {  	_ =	shalt  }
0x75: {  	_ =	shalt  }
0x76: {  	_ =	shalt  }
0x77: {  	_ =	shalt  }
0x78: {  	_ =	shalt  }
0x79: {  	_ =	shalt  }
0x7a: {  	_ =	shalt  }
0x7b: {  	_ =	shalt  }
0x7c: {  	_ =	shalt  }
0x7d: {  	_ =	shalt  }
0x7e: {  	_ =	shalt  }
0x7f: {  	_ =	shalt  }
0x80: {  	_ =	shalt  }
0x81: {  	_ =	shalt  }
0x82: {  	_ =	shalt  }
0x83: {  	_ =	shalt  }
0x84: {  	_ =	shalt  }
0x85: {  	_ =	shalt  }
0x86: {  	_ =	shalt  }
0x87: {  	_ =	shalt  }
.Lfunc_end0:
.L_simem_size_0:
called_computation_lowered:
.L_overlay_start_0:
0x88: {  	s2 =	sld [smem:$0x3FD9]  }
0x89: {  	s3 =	sld [smem:$0x3FFE];
	_ =	sdelay $0x1  }
0x8a: {  	s1 =	srdreg.scid  }
0x8b: {  	s0 =	sand.u32 $0x1, s1  }
0x8c: {  	s18 =	sshll.u32 s0, $0xA;
	s2 =	sadd.s32 s3, s2  }
0x8d: {  	s2 =	sadd.s32 s2, s18  }
0x8e: {  	[smem:$0x3FC4] =	sst s2  }
0x8f: {  	_ = 	snop  }
0x90: {  	s2 =	sld [smem:$0x3FC9]  }
0x91: {  	s19 =	sld [smem:$0x3FC8]  }
0x92: {  	s4 =	sld [smem:$0x3FC7]  }
0x93: {  	s5 =	sld [smem:$0x3FC6]  }
0x94: {  	s6 =	sld [smem:$0x3FD0];
	(tm) =	ssettm $0x1  }
0x95: {  	s7 =	sld [smem:$0x3FFB];
	_ =	sdelay $0x3  }
0x96: {  	_ =	strace s7  }
0x97: {  	s7 =	sld [smem:$0x3FFC];
	_ =	sdelay $0x3  }
0x98: {  	_ =	strace s7  }
0x99: {  	s7 =	sld [smem:$0x3FFD];
	_ =	sdelay $0x3  }
0x9a: {  	_ =	strace s7  }
0x9b: {  	_ =	strace $0x8FFFFFFF  }
0x9c: {  	s20 =	sld [smem:$0x3FDB];
	_ =	sdelay $0x1  }
0x9d: {  	s8 =	simm.s32 $_scs_section_size  }
0x9e: {  	s9 =	simm.s32 $_size__tile_overlayer_lowered;
	s10 =	simm.s32 $_tile_overlayer_lowered  }
0x9f: {  	s23 =	simm.s32 $0x1BFF;
	s22 =	sshll.u32 s10, $0x1;
	s7 =	sadd.s32 s8, s20  }
0xa0: {  	s11 =	simm.s32 $0x0;
	s21 =	sshll.u32 s9, $0x1;
	s9 =	sadd.s32 s22, s7  }
0xa1: {  	[timem:s11], [sflag:s23] =	dma.local [hbm:s9], s21  }
0xa2: {  	_ =	swait.ge [sflag:s23], s21  }
0xa3: {  	s8 =	ssub.s32 $0x0, s21;
	[sflag:s23] =	ssyncset.done $0x0  }
0xa4: {  	[sflag:s23] =	ssyncadd.s32 s8;
	_ =	sdelay $0x1  }
0xa5: {  	s24 =	simm.s32 $0x1B8B  }
0xa6: {  	_ =	swait.ge [sflag:s24], $0x1  }
0xa7: {  	[sflag:s24] =	ssyncset.done $0x0  }
0xa8: {  	s25 =	simm.s32 $0x1B8E;
	[sflag:s24] =	ssyncadd.s32 $0xFFFFFFFF  }
0xa9: {  	s26 =	simm.s32 $execute0_lowered;
	[smem:$0x3FD2] =	sst s25  }
0xaa: {  	s8 =	sshll.u32 s26, $0x1;
	_ =	strace $0x80000046;
	[dreg:$0x1] =	wrdreg $0xFFFFFFFF  }
0xab: {  	s28 =	simm.s32 $_size_execute0_lowered;
	s7 =	sadd.s32 s7, s8;
	[dreg:$0x0] =	wrdreg $0x0  }
0xac: {  	s8 =	sshll.u32 s28, $0x1;
	[dreg:$0x2] =	wrdreg s7  }
0xad: {  	[dreg:$0x3] =	wrdreg s8  }
0xae: {  	[dreg:$0x4] =	wrdreg $0xC0  }
0xaf: {  	_ =	task [dreg:s11], $0x5FFFF  }
0xb0: {  	[dreg:$0x1] =	wrdreg $0xFFFFFFFF  }
0xb1: {  	[dreg:$0x0] =	wrdreg $0x60  }
0xb2: {  	[dreg:$0x2] =	wrdreg s2  }
0xb3: {  	[dreg:$0x3] =	wrdreg s19  }
0xb4: {  	[dreg:$0x4] =	wrdreg s4  }
0xb5: {  	[dreg:$0x5] =	wrdreg s5  }
0xb6: {  	[dreg:$0x6] =	wrdreg s6  }
0xb7: {  	[dreg:$0x7] =	wrdreg $0x9  }
0xb8: {  	_ =	task.clear_ibuf [dreg:s11], $0x8FFFF;
	_ =	strace $0x90000046  }
0xb9: {  	s29 =	simm.s32 $0x9;
	_ =	strace $0x80000048  }
0xba: {  	_ =	swait.ge [sflag:s29], $0x1  }
0xbb: {  	[sflag:s29] =	ssyncadd.s32 $0xFFFFFFFF  }
0xbc: {  	_ =	strace $0x90000048  }
0xbd: {  	_ =	sfence  }
0xbe: {  	s30 =	sld [smem:$0x0];
	_ =	sdelay $0x2  }
0xbf: {  	s31 =	sshll.u32 s1, $0xD;
	s1 =	sshrl.u32 s1, $0x2  }
0xc0: {  	s3 =	sand.u32 $0x4000, s31;
	s1 =	sadd.s32 s1, s30  }
0xc1: {  	s0 =	sor.u32 s3, s0;
	s1 =	sshll.u32 s1, $0x11  }
0xc2: {  	s0 =	sor.u32 s1, s0  }
0xc3: {  	s0 =	sadd.s32 $0x8F2B, s0  }
0xc4: {  	[sflag:s0] =	ssyncadd.remote.s32 $0x1  }
0xc5: {  	_ =	sfence.sel $0xFFFF  }
0xc6: {  	[dreg:$0x0] =	wrdreg $0xFFFFFFFF;
	(pc) =	sbr.abs _section_cstart, $3  }
0xc7: {  	[dreg:$0x1] =	wrdreg $0xFFFFFFFF  }
0xc8: {  	_ =	task.clear_ibuf [dreg:s11], $0x2FFFF;
	_ =	strace $0x9FFFFFFF  }
0xc9: {  	(tm) =	ssettm $0x7FFFFFFF  }
tec
execute0_lowered:
.L_overlay_start_1:
0x0: {  	(tag) =	ssettag $0x1  }
0x1: {  	s5 =	rddreg [dreg:$0x0]  }
0x2: {  	s6 =	rddreg [dreg:$0x1]  }
0x3: {  	s1 =	rddreg [dreg:$0x2]  }
0x4: {  	s3 =	rddreg [dreg:$0x3]  }
0x5: {  	s7 =	rddreg [dreg:$0x4]  }
0x6: {  	s0 =	rddreg [dreg:$0x5];
	s4 =	simm.s32 $0x0;
	s2 =	stileid.u32  }
0x7: {  	s8 =	srdreg.scid;
	s14 =	simm.s32 $0x100;
	s15 =	simm.s32 $0x8480  }
0x8: {  	s16 =	simm.s32 $0x180;
	s17 =	simm.s32 $0xC480;
	s18 =	simm.s32 $0x10480  }
0x9: {  	s19 =	simm.s32 $0x5;
	s20 =	simm.s32 $0x0;
	[smem:$0x7FF] =	sst s4  }
0xa: {  	s9 =	sshll.u32 s2, $0x1;
	s8 =	sand.u32 $0x1, s8;
	s11 =	sshrl.u32 s2, $0x2  }
0xb: {  	_ =	strace $0x80000047;
	s9 =	sand.u32 $0x6, s9;
	s10 =	ssub.s32 $0x2, s8  }
0xc: {  	s13 =	sshll.u32 s11, $0x4;
	s11 =	sshll.u32 s11, $0x10;
	s8 =	sor.u32 s8, s9  }
0xd: {  	s30 =	sshrl.u32 s10, $0x1;
	s7 =	sadd.s32 s7, s11;
	s11 =	simm.s32 $0x6  }
0xe: {  	s12 =	sshll.u32 s8, $0x8;
	s9 =	ssub.s32 s10, s30;
	s8 =	sshll.u32 s8, $0xD  }
0xf: {  	s10 =	simm.s32 $0x200;
	s31 =	sor.u32 s13, s12;
	s7 =	sadd.s32 s8, s7  }
0x10: {  	s8 =	smax.u32 s9, $0x1;
	s9 =	simm.s32 $0x80;
	s12 =	simm.s32 $0x480  }
0x11: {  	s13 =	simm.s32 $0x4480;
	s5 =	sadd.s32 s5, s31;
	s6 =	sadd.s32 s6, s31  }
.LBB2_1:
0x12: {  	[tilespmem:s4], [sflag:$0x6] =	stream.strided.gather [hbm4b:s5+s9], $0x200, s10, s9, $0x38;
	[tilespmem:$0x10580] =	vst v63  }
0x13: {  	_ =	swait.ge [sflag:s11], $0x200  }
0x14: {  	[sflag:s11] =	ssyncset.done $0x0  }
0x15: {  	[sflag:s11] =	ssyncadd.s32 $0xFFFFFE00  }
0x16: {  	[tilespmem:s12], [sflag:$0x1] =	stream.indirect.gather [hbm4b:s1+s9], $0x80, s4, s9, $0xb8;
	[tilespmem:$0x10580] =	vst v63  }
0x17: {  	_ = 	snop  }
0x18: {  	[tilespmem:s13], [sflag:$0x2] =	stream.indirect.gather [hbm4b:s1+s9], $0x80, s9, s9, $0xb8;
	[tilespmem:$0x10580] =	vst v63  }
0x19: {  	_ = 	snop  }
0x1a: {  	[tilespmem:s15], [sflag:$0x3] =	stream.indirect.gather [hbm4b:s1+s9], $0x80, s14, s9, $0xb8;
	[tilespmem:$0x10580] =	vst v63  }
0x1b: {  	_ = 	snop  }
0x1c: {  	[tilespmem:s17], [sflag:$0x4] =	stream.indirect.gather [hbm4b:s1+s9], $0x80, s16, s9, $0xb8;
	[tilespmem:$0x10580] =	vst v63  }
0x1d: {  	_ = 	snop  }
0x1e: {  	[tilespmem:s10], [sflag:$0x6] =	stream.strided.gather [hbm4b:s6+s9], $0x200, s10, s9, $0x38;
	[tilespmem:$0x10580] =	vst v63  }
0x1f: {  	_ =	swait.ge [sflag:s11], $0x200  }
0x20: {  	[sflag:s11] =	ssyncset.done $0x0  }
0x21: {  	[sflag:s11] =	ssyncadd.s32 $0xFFFFFE00  }
0x22: {  	[tilespmem:s18], [sflag:$0x6] =	stream.linear.gather [hbm4b:s3+s4], $0x100, $0x38;
	[tilespmem:$0x10580] =	vst v63  }
0x23: {  	_ =	swait.ge [sflag:s11], $0x100  }
0x24: {  	[sflag:s11] =	ssyncset.done $0x0  }
0x25: {  	[sflag:s11] =	ssyncadd.s32 $0xFFFFFF00  }
0x26: {  	v0 =	vld [tilespmem:$0x10480]  }
0x27: {  	v1 =	vld [tilespmem:$0x10490]  }
0x28: {  	v2 =	vld [tilespmem:$0x104A0]  }
0x29: {  	v3 =	vld [tilespmem:$0x104B0]  }
0x2a: {  	v4 =	vld [tilespmem:$0x104C0]  }
0x2b: {  	v5 =	vld [tilespmem:$0x104D0]  }
0x2c: {  	v6 =	vld [tilespmem:$0x104E0]  }
0x2d: {  	v7 =	vld [tilespmem:$0x104F0]  }
0x2e: {  	v8 =	vld [tilespmem:$0x10500]  }
0x2f: {  	v9 =	vld [tilespmem:$0x10510]  }
0x30: {  	v10 =	vld [tilespmem:$0x10520]  }
0x31: {  	v11 =	vld [tilespmem:$0x10530]  }
0x32: {  	v12 =	vld [tilespmem:$0x10540]  }
0x33: {  	v13 =	vld [tilespmem:$0x10550]  }
0x34: {  	v14 =	vld [tilespmem:$0x10560]  }
0x35: {  	v15 =	vld [tilespmem:$0x10570];
	_ =	sdelay $0x1  }
0x36: {  	v8 =	vsub.f32 v8, v0;
	v9 =	vsub.f32 v9, v1  }
0x37: {  	v10 =	vsub.f32 v10, v2;
	v11 =	vsub.f32 v11, v3  }
0x38: {  	v12 =	vsub.f32 v12, v4;
	v13 =	vsub.f32 v13, v5  }
0x39: {  	s22 =	simm.s32 $0x0;
	v14 =	vsub.f32 v14, v6;
	v15 =	vsub.f32 v15, v7  }
.LBB2_2:
0x3a: {  	s23 =	sshll.u32 s22, $0x7  }
0x3b: {  	s25 =	sadd.s32 $0x200, s23  }
0x3c: {  	s21 =	sadd.s32 $0x1, s22;
	v16 =	vmov s25  }
0x3d: {  	_ =	swait.ge [sflag:s21], $0x4000  }
0x3e: {  	[sflag:s21] =	ssyncset.done $0x0  }
0x3f: {  	s24 =	simm.s32 $0x0;
	[sflag:s21] =	ssyncadd.s32 $0xFFFFC000  }
.LBB2_3:
0x40: {  	s25 =	sshll.u32 s24, $0x4  }
0x41: {  	v17 =	vld.idx.msk [tilespmem:v16+s25+$0x0 ss:$0x1], $0xffff;
	s25 =	sadd.s32 s23, s25  }
0x42: {  	s25 =	sshll.u32 s25, $0x7  }
0x43: {  	s25 =	sand.u32 $0x3FFFFF80, s25  }
0x44: {  	v18 =	vld [tilespmem:s25+$0x480]  }
0x45: {  	v19 =	vld [tilespmem:s25+$0x490]  }
0x46: {  	v21 =	vld [tilespmem:s25+$0x4A0]  }
0x47: {  	v22 =	vld [tilespmem:s25+$0x4B0]  }
0x48: {  	v24 =	vld [tilespmem:s25+$0x4C0]  }
0x49: {  	v26 =	vld [tilespmem:s25+$0x4E0]  }
0x4a: {  	v29 =	vld [tilespmem:s25+$0x4F0]  }
0x4b: {  	v30 =	vld [tilespmem:s25+$0x500]  }
0x4c: {  	v32 =	vld [tilespmem:s25+$0x530]  }
0x4d: {  	v34 =	vld [tilespmem:s25+$0x540]  }
0x4e: {  	v56 =	vld [tilespmem:s25+$0x610];
	v17 =	vcvt.s32.f32 v17;
	v18 =	vadd.f32 v18, v0  }
0x4f: {  	v57 =	vld [tilespmem:s25+$0x620];
	v19 =	vadd.f32 v19, v1;
	v21 =	vadd.f32 v21, v2  }
0x50: {  	v60 =	vld [tilespmem:s25+$0x650];
	v20 =	vbroadcast v17, $0x0;
	v22 =	vadd.f32 v22, v3;
	v24 =	vadd.f32 v24, v4  }
0x51: {  	v31 =	vbroadcast v17, $0x1;
	v26 =	vadd.f32 v26, v6;
	v29 =	vadd.f32 v29, v7  }
0x52: {  	v48 =	vbroadcast v17, $0x2;
	v41 =	vadd.f32 v30, v0;
	v32 =	vadd.f32 v32, v3  }
0x53: {  	v34 =	vadd.f32 v34, v4;
	v61 =	vadd.f32 v56, v1;
	v23 =	vmul.f32 v20, v8  }
0x54: {  	v36 =	vld [tilespmem:s25+$0x4D0];
	v63 =	vadd.f32 v57, v2;
	v25 =	vmul.f32 v20, v9;
	v27 =	vmul.f32 v20, v10  }
0x55: {  	v38 =	vld [tilespmem:s25+$0x510];
	v60 =	vadd.f32 v60, v5;
	v28 =	vmul.f32 v20, v11;
	v37 =	vmul.f32 v20, v12  }
0x56: {  	v39 =	vld [tilespmem:s25+$0x520];
	v40 =	vmul.f32 v20, v13;
	v33 =	vmul.f32 v20, v14;
	v18 =	vadd.f32 v23, v18  }
0x57: {  	v43 =	vld [tilespmem:s25+$0x550];
	v20 =	vmul.f32 v20, v15;
	v42 =	vmul.f32 v31, v8;
	v19 =	vadd.f32 v19, v25  }
0x58: {  	v45 =	vld [tilespmem:s25+$0x560];
	v44 =	vmul.f32 v31, v9;
	v21 =	vadd.f32 v21, v27;
	v22 =	vadd.f32 v22, v28;
	[tilespmem:s25+$0x480] =	vst v18  }
0x59: {  	v46 =	vld [tilespmem:s25+$0x590];
	v35 =	vmul.f32 v31, v10;
	v24 =	vadd.f32 v24, v37;
	v23 =	vadd.f32 v36, v5;
	[tilespmem:s25+$0x490] =	vst v19  }
0x5a: {  	v49 =	vld [tilespmem:s25+$0x5A0];
	v47 =	vmul.f32 v31, v13;
	v26 =	vadd.f32 v26, v33;
	v20 =	vadd.f32 v29, v20;
	[tilespmem:s25+$0x4A0] =	vst v21  }
0x5b: {  	v52 =	vld [tilespmem:s25+$0x5E0];
	v51 =	vmul.f32 v48, v9;
	v28 =	vadd.f32 v41, v42;
	v27 =	vadd.f32 v38, v1;
	[tilespmem:s25+$0x4B0] =	vst v22  }
0x5c: {  	v25 =	vadd.f32 v39, v2;
	v36 =	vld [tilespmem:s25+$0x570];
	v37 =	vmul.f32 v31, v11;
	v29 =	vadd.f32 v43, v5;
	[tilespmem:s25+$0x4C0] =	vst v24  }
0x5d: {  	v38 =	vmul.f32 v31, v12;
	v39 =	vld [tilespmem:s25+$0x580];
	v33 =	vadd.f32 v45, v6;
	v23 =	vadd.f32 v23, v40;
	[tilespmem:s25+$0x4E0] =	vst v26  }
0x5e: {  	v53 =	vmul.f32 v48, v10;
	v41 =	vld [tilespmem:s25+$0x5B0];
	v27 =	vadd.f32 v27, v44;
	v25 =	vadd.f32 v25, v35;
	[tilespmem:s25+$0x4F0] =	vst v20  }
0x5f: {  	v43 =	vld [tilespmem:s25+$0x5C0];
	v30 =	vadd.f32 v32, v37;
	v32 =	vadd.f32 v34, v38;
	v40 =	vmul.f32 v31, v14;
	[tilespmem:s25+$0x500] =	vst v28  }
0x60: {  	v55 =	vmul.f32 v48, v12;
	v45 =	vld [tilespmem:s25+$0x5F0];
	v34 =	vadd.f32 v46, v1;
	v38 =	vadd.f32 v49, v2;
	[tilespmem:s25+$0x4D0] =	vst v23  }
0x61: {  	v42 =	vmul.f32 v48, v8;
	v29 =	vadd.f32 v29, v47;
	v33 =	vadd.f32 v33, v40;
	[tilespmem:s25+$0x510] =	vst v27  }
0x62: {  	v31 =	vmul.f32 v31, v15;
	v34 =	vadd.f32 v34, v51;
	v38 =	vadd.f32 v38, v53;
	[tilespmem:s25+$0x520] =	vst v25  }
0x63: {  	v50 =	vld [tilespmem:s25+$0x5D0];
	v44 =	vmul.f32 v48, v11;
	v40 =	vadd.f32 v52, v6;
	[tilespmem:s25+$0x530] =	vst v30;
	v36 =	vadd.f32 v36, v7  }
0x64: {  	v46 =	vld [tilespmem:s25+$0x600];
	v19 =	vmul.f32 v48, v14;
	[tilespmem:s25+$0x540] =	vst v32;
	v39 =	vadd.f32 v39, v0;
	v41 =	vadd.f32 v41, v3  }
0x65: {  	v18 =	vmul.f32 v48, v13;
	v47 =	vld [tilespmem:s25+$0x630];
	[tilespmem:s25+$0x550] =	vst v29;
	v54 =	vadd.f32 v43, v4;
	v45 =	vadd.f32 v45, v7  }
0x66: {  	v37 =	vmul.f32 v48, v15;
	v48 =	vld [tilespmem:s25+$0x640];
	v19 =	vadd.f32 v40, v19;
	[tilespmem:s25+$0x560] =	vst v33;
	v31 =	vadd.f32 v36, v31  }
0x67: {  	[tilespmem:s25+$0x5A0] =	vst v38;
	v38 =	vbroadcast v17, $0x7;
	v35 =	vadd.f32 v39, v42;
	v41 =	vadd.f32 v41, v44  }
0x68: {  	[tilespmem:s25+$0x590] =	vst v34;
	v39 =	vadd.f32 v54, v55;
	v36 =	vadd.f32 v50, v5;
	v44 =	vbroadcast v17, $0x3  }
0x69: {  	v51 =	vld [tilespmem:s25+$0x6B0];
	v58 =	vadd.f32 v46, v0;
	v22 =	vadd.f32 v45, v37;
	v37 =	vbroadcast v17, $0x4;
	[tilespmem:s25+$0x5E0] =	vst v19  }
0x6a: {  	v40 =	vld [tilespmem:s25+$0x660];
	v53 =	vadd.f32 v47, v3;
	v59 =	vmul.f32 v44, v8;
	v62 =	vmul.f32 v44, v9;
	[tilespmem:s25+$0x570] =	vst v31  }
0x6b: {  	v54 =	vld [tilespmem:s25+$0x670];
	v56 =	vadd.f32 v48, v4;
	v52 =	vmul.f32 v44, v10;
	v55 =	vmul.f32 v44, v11;
	[tilespmem:s25+$0x580] =	vst v35  }
0x6c: {  	v57 =	vmul.f32 v44, v12;
	v49 =	vmul.f32 v44, v14;
	[tilespmem:s25+$0x5B0] =	vst v41;
	v21 =	vadd.f32 v58, v59;
	v58 =	vld [tilespmem:s25+$0x680]  }
0x6d: {  	v18 =	vadd.f32 v36, v18;
	v41 =	vbroadcast v17, $0x5;
	[tilespmem:s25+$0x5C0] =	vst v39;
	v36 =	vbroadcast v17, $0x6;
	v59 =	vld [tilespmem:s25+$0x690]  }
0x6e: {  	[tilespmem:s25+$0x5F0] =	vst v22;
	v35 =	vbroadcast v17, $0x9;
	v20 =	vadd.f32 v61, v62;
	v23 =	vadd.f32 v63, v52;
	v62 =	vld [tilespmem:s25+$0x6A0]  }
0x6f: {  	v24 =	vadd.f32 v53, v55;
	v61 =	vmul.f32 v44, v13;
	v63 =	vadd.f32 v40, v6;
	v55 =	vld [tilespmem:s25+$0x6C0];
	[tilespmem:s25+$0x5D0] =	vst v18  }
0x70: {  	v26 =	vadd.f32 v56, v57;
	v52 =	vmul.f32 v44, v15;
	v56 =	vld [tilespmem:s25+$0x6D0];
	v50 =	vadd.f32 v54, v7;
	[tilespmem:s25+$0x600] =	vst v21  }
0x71: {  	v45 =	vld [tilespmem:s25+$0x820];
	v57 =	vmul.f32 v37, v9;
	v27 =	vadd.f32 v60, v61;
	v25 =	vadd.f32 v63, v49;
	[tilespmem:s25+$0x610] =	vst v20  }
0x72: {  	v54 =	vmul.f32 v37, v8;
	v61 =	vadd.f32 v51, v3;
	v63 =	vld [tilespmem:s25+$0x6F0];
	[tilespmem:s25+$0x620] =	vst v23;
	v29 =	vadd.f32 v50, v52  }
0x73: {  	v60 =	vmul.f32 v37, v10;
	v51 =	vld [tilespmem:s25+$0x710];
	[tilespmem:s25+$0x630] =	vst v24;
	v53 =	vadd.f32 v58, v0;
	v28 =	vadd.f32 v59, v1  }
0x74: {  	v49 =	vmul.f32 v37, v12;
	[tilespmem:s25+$0x640] =	vst v26;
	v50 =	vld [tilespmem:s25+$0x700];
	v58 =	vadd.f32 v62, v2;
	v48 =	vadd.f32 v55, v4  }
0x75: {  	v52 =	vld [tilespmem:s25+$0x720];
	[tilespmem:s25+$0x650] =	vst v27;
	v62 =	vmul.f32 v37, v11;
	v32 =	vadd.f32 v56, v5;
	v30 =	vadd.f32 v53, v54  }
0x76: {  	[tilespmem:s25+$0x660] =	vst v25;
	v59 =	vld [tilespmem:s25+$0x6E0];
	v55 =	vmul.f32 v37, v14;
	v28 =	vadd.f32 v28, v57;
	v31 =	vadd.f32 v58, v60  }
0x77: {  	[tilespmem:s25+$0x670] =	vst v29;
	v34 =	vadd.f32 v61, v62;
	v33 =	vadd.f32 v48, v49;
	v53 =	vmul.f32 v37, v13;
	v54 =	vld [tilespmem:s25+$0x730]  }
0x78: {  	v56 =	vadd.f32 v63, v7;
	v37 =	vmul.f32 v37, v15;
	v57 =	vld [tilespmem:s25+$0x740];
	v61 =	vadd.f32 v51, v1;
	[tilespmem:s25+$0x680] =	vst v30  }
0x79: {  	v60 =	vld [tilespmem:s25+$0x750];
	v62 =	vmul.f32 v41, v9;
	v49 =	vmul.f32 v41, v10;
	v58 =	vadd.f32 v50, v0;
	[tilespmem:s25+$0x690] =	vst v28  }
0x7a: {  	v63 =	vld [tilespmem:s25+$0x760];
	v48 =	vadd.f32 v52, v2;
	v52 =	vmul.f32 v41, v11;
	v18 =	vadd.f32 v32, v53;
	[tilespmem:s25+$0x6A0] =	vst v31  }
0x7b: {  	v51 =	vld [tilespmem:s25+$0x770];
	v37 =	vadd.f32 v56, v37;
	[tilespmem:s25+$0x6B0] =	vst v34;
	v40 =	vadd.f32 v59, v6;
	v59 =	vmul.f32 v41, v8  }
0x7c: {  	v23 =	vadd.f32 v61, v62;
	v56 =	vld [tilespmem:s25+$0x790];
	v61 =	vmul.f32 v41, v14;
	[tilespmem:s25+$0x6C0] =	vst v33;
	v21 =	vadd.f32 v48, v49  }
0x7d: {  	v44 =	vld [tilespmem:s25+$0x810];
	v32 =	vbroadcast v17, $0x8;
	[tilespmem:s25+$0x6D0] =	vst v18;
	v19 =	vadd.f32 v40, v55;
	v22 =	vadd.f32 v58, v59  }
0x7e: {  	v48 =	vmul.f32 v41, v15;
	[tilespmem:s25+$0x6F0] =	vst v37;
	v50 =	vadd.f32 v54, v3;
	v53 =	vadd.f32 v57, v4;
	v55 =	vld [tilespmem:s25+$0x780]  }
0x7f: {  	[tilespmem:s25+$0x710] =	vst v23;
	v54 =	vmul.f32 v41, v12;
	v57 =	vadd.f32 v60, v5;
	v59 =	vld [tilespmem:s25+$0x7A0];
	v60 =	vadd.f32 v63, v6  }
0x80: {  	v58 =	vmul.f32 v41, v13;
	v62 =	vadd.f32 v51, v7;
	v63 =	vld [tilespmem:s25+$0x7B0];
	[tilespmem:s25+$0x720] =	vst v21;
	v20 =	vadd.f32 v50, v52  }
0x81: {  	v51 =	vld [tilespmem:s25+$0x7C0];
	v24 =	vadd.f32 v53, v54;
	v53 =	vadd.f32 v56, v1;
	v54 =	vmul.f32 v36, v9;
	[tilespmem:s25+$0x6E0] =	vst v19  }
0x82: {  	v50 =	vmul.f32 v36, v8;
	v26 =	vadd.f32 v57, v58;
	v27 =	vadd.f32 v60, v61;
	v52 =	vld [tilespmem:s25+$0x7D0];
	[tilespmem:s25+$0x700] =	vst v22  }
0x83: {  	v25 =	vadd.f32 v62, v48;
	v56 =	vld [tilespmem:s25+$0x7E0];
	v57 =	vmul.f32 v36, v10;
	v28 =	vadd.f32 v53, v54;
	[tilespmem:s25+$0x730] =	vst v20  }
0x84: {  	v60 =	vld [tilespmem:s25+$0x7F0];
	v62 =	vmul.f32 v36, v12;
	v54 =	vadd.f32 v44, v1;
	[tilespmem:s25+$0x740] =	vst v24;
	v49 =	vadd.f32 v55, v0  }
0x85: {  	v47 =	vld [tilespmem:s25+$0x830];
	[tilespmem:s25+$0x750] =	vst v26;
	v55 =	vadd.f32 v59, v2;
	v58 =	vadd.f32 v63, v3;
	v59 =	vmul.f32 v36, v11  }
0x86: {  	v19 =	vmul.f32 v36, v13;
	v53 =	vld [tilespmem:s25+$0x850];
	[tilespmem:s25+$0x760] =	vst v27;
	v61 =	vadd.f32 v51, v4;
	v29 =	vadd.f32 v49, v50  }
0x87: {  	v48 =	vmul.f32 v36, v14;
	[tilespmem:s25+$0x770] =	vst v25;
	v63 =	vld [tilespmem:s25+$0x800];
	v31 =	vadd.f32 v55, v57;
	v33 =	vadd.f32 v58, v59  }
0x88: {  	v36 =	vmul.f32 v36, v15;
	[tilespmem:s25+$0x790] =	vst v28;
	v18 =	vadd.f32 v61, v62;
	v30 =	vadd.f32 v52, v5;
	v50 =	vld [tilespmem:s25+$0x840]  }
0x89: {  	v46 =	vadd.f32 v56, v6;
	v49 =	vadd.f32 v60, v7;
	v52 =	vmul.f32 v38, v8;
	v56 =	vld [tilespmem:s25+$0x860];
	[tilespmem:s25+$0x780] =	vst v29  }
0x8a: {  	v55 =	vmul.f32 v38, v9;
	v57 =	vadd.f32 v45, v2;
	v59 =	vadd.f32 v47, v3;
	v60 =	vld [tilespmem:s25+$0x870];
	[tilespmem:s25+$0x7A0] =	vst v31  }
0x8b: {  	v58 =	vmul.f32 v38, v10;
	v45 =	vld [tilespmem:s25+$0x880];
	v19 =	vadd.f32 v30, v19;
	v23 =	vadd.f32 v46, v48;
	[tilespmem:s25+$0x7B0] =	vst v33  }
0x8c: {  	v61 =	vmul.f32 v38, v11;
	v34 =	vadd.f32 v49, v36;
	v22 =	vadd.f32 v54, v55;
	v46 =	vld [tilespmem:s25+$0x890];
	[tilespmem:s25+$0x7C0] =	vst v18  }
0x8d: {  	v47 =	vadd.f32 v53, v5;
	v48 =	vmul.f32 v38, v13;
	v49 =	vld [tilespmem:s25+$0x8A0];
	v51 =	vadd.f32 v63, v0;
	[tilespmem:s25+$0x7D0] =	vst v19  }
0x8e: {  	v20 =	vadd.f32 v57, v58;
	v24 =	vadd.f32 v59, v61;
	v53 =	vld [tilespmem:s25+$0x8B0];
	v54 =	vmul.f32 v38, v15;
	[tilespmem:s25+$0x7E0] =	vst v23  }
0x8f: {  	v57 =	vld [tilespmem:s25+$0x8C0];
	v63 =	vmul.f32 v38, v12;
	v25 =	vadd.f32 v47, v48;
	[tilespmem:s25+$0x7F0] =	vst v34;
	v21 =	vadd.f32 v51, v52  }
0x90: {  	v58 =	vld [tilespmem:s25+$0x8D0];
	[tilespmem:s25+$0x810] =	vst v22;
	v62 =	vadd.f32 v50, v4;
	v50 =	vadd.f32 v56, v6;
	v51 =	vmul.f32 v38, v14  }
0x91: {  	v61 =	vld [tilespmem:s25+$0x8E0];
	[tilespmem:s25+$0x820] =	vst v20;
	v52 =	vadd.f32 v60, v7;
	v55 =	vadd.f32 v45, v0;
	v56 =	vmul.f32 v32, v8  }
0x92: {  	v42 =	vld [tilespmem:s25+$0x8F0];
	v44 =	vmul.f32 v32, v12;
	[tilespmem:s25+$0x830] =	vst v24;
	v26 =	vadd.f32 v62, v63;
	v29 =	vadd.f32 v50, v51  }
0x93: {  	v59 =	vmul.f32 v32, v9;
	[tilespmem:s25+$0x850] =	vst v25;
	v28 =	vadd.f32 v52, v54;
	v30 =	vadd.f32 v55, v56  }
0x94: {  	v19 =	vmul.f32 v32, v10;
	v18 =	vadd.f32 v46, v1;
	v60 =	vadd.f32 v49, v2;
	[tilespmem:s25+$0x800] =	vst v21  }
0x95: {  	v48 =	vld [tilespmem:s25+$0x920];
	v62 =	vadd.f32 v53, v3;
	v63 =	vmul.f32 v32, v11;
	v43 =	vadd.f32 v57, v4;
	[tilespmem:s25+$0x840] =	vst v26  }
0x96: {  	v45 =	vld [tilespmem:s25+$0x900];
	v47 =	vadd.f32 v58, v5;
	v49 =	vmul.f32 v32, v13;
	v50 =	vadd.f32 v61, v6;
	[tilespmem:s25+$0x860] =	vst v29  }
0x97: {  	v46 =	vld [tilespmem:s25+$0x910];
	v52 =	vmul.f32 v32, v14;
	v53 =	vadd.f32 v42, v7;
	v18 =	vadd.f32 v18, v59;
	[tilespmem:s25+$0x870] =	vst v28  }
0x98: {  	v51 =	vld [tilespmem:s25+$0x930];
	v32 =	vmul.f32 v32, v15;
	v56 =	vmul.f32 v35, v8;
	v19 =	vadd.f32 v60, v19;
	[tilespmem:s25+$0x880] =	vst v30  }
0x99: {  	v54 =	vld [tilespmem:s25+$0x940];
	v61 =	vmul.f32 v35, v10;
	v33 =	vadd.f32 v62, v63;
	v21 =	vadd.f32 v43, v44;
	[tilespmem:s25+$0x890] =	vst v18  }
0x9a: {  	v57 =	vld [tilespmem:s25+$0x950];
	v42 =	vmul.f32 v35, v11;
	v22 =	vadd.f32 v47, v49;
	v20 =	vadd.f32 v50, v52;
	[tilespmem:s25+$0x8A0] =	vst v19  }
0x9b: {  	v59 =	vmul.f32 v35, v9;
	v27 =	vadd.f32 v48, v2;
	v55 =	vadd.f32 v45, v0;
	[tilespmem:s25+$0x8B0] =	vst v33  }
0x9c: {  	v26 =	vadd.f32 v53, v32;
	v60 =	vld [tilespmem:s25+$0x960];
	v44 =	vmul.f32 v35, v12;
	v47 =	vmul.f32 v35, v13;
	[tilespmem:s25+$0x8C0] =	vst v21  }
0x9d: {  	v63 =	vld [tilespmem:s25+$0x970];
	v30 =	vbroadcast v17, $0xA;
	v25 =	vadd.f32 v27, v61;
	[tilespmem:s25+$0x8D0] =	vst v22;
	v23 =	vadd.f32 v55, v56  }
0x9e: {  	v48 =	vld [tilespmem:s25+$0x9A0];
	v49 =	vmul.f32 v35, v14;
	[tilespmem:s25+$0x8E0] =	vst v20;
	v58 =	vadd.f32 v46, v1;
	v62 =	vadd.f32 v51, v3  }
0x9f: {  	v52 =	vmul.f32 v35, v15;
	v45 =	vld [tilespmem:s25+$0x980];
	[tilespmem:s25+$0x8F0] =	vst v26;
	v43 =	vadd.f32 v54, v4;
	v19 =	vadd.f32 v57, v5  }
0xa0: {  	v41 =	vld [tilespmem:s25+$0x9F0];
	v28 =	vbroadcast v17, $0xC;
	[tilespmem:s25+$0x920] =	vst v25;
	v24 =	vadd.f32 v58, v59;
	v18 =	vadd.f32 v62, v42  }
0xa1: {  	v61 =	vld [tilespmem:s25+$0x9E0];
	v40 =	vmul.f32 v30, v11;
	v27 =	vadd.f32 v43, v44;
	v32 =	vadd.f32 v60, v6;
	[tilespmem:s25+$0x900] =	vst v23  }
0xa2: {  	v46 =	vld [tilespmem:s25+$0x990];
	v54 =	vmul.f32 v30, v8;
	v50 =	vadd.f32 v63, v7;
	v19 =	vadd.f32 v19, v47;
	[tilespmem:s25+$0x910] =	vst v24  }
0xa3: {  	v51 =	vld [tilespmem:s25+$0x9B0];
	v60 =	vmul.f32 v30, v9;
	v31 =	vadd.f32 v48, v2;
	v62 =	vmul.f32 v30, v10;
	[tilespmem:s25+$0x930] =	vst v18  }
0xa4: {  	v55 =	vld [tilespmem:s25+$0x9C0];
	v44 =	vmul.f32 v30, v12;
	v53 =	vadd.f32 v45, v0;
	v56 =	vadd.f32 v32, v49;
	[tilespmem:s25+$0x940] =	vst v27  }
0xa5: {  	v58 =	vld [tilespmem:s25+$0x9D0];
	v57 =	vadd.f32 v50, v52;
	v23 =	vadd.f32 v31, v62;
	v49 =	vmul.f32 v30, v13;
	[tilespmem:s25+$0x950] =	vst v19  }
0xa6: {  	v48 =	vld [tilespmem:s25+$0xA20];
	v50 =	vadd.f32 v61, v6;
	v19 =	vmul.f32 v30, v14;
	v52 =	vadd.f32 v41, v7;
	[tilespmem:s25+$0x960] =	vst v56  }
0xa7: {  	v45 =	vld [tilespmem:s25+$0xA00];
	v30 =	vmul.f32 v30, v15;
	v21 =	vadd.f32 v53, v54;
	v59 =	vadd.f32 v46, v1;
	[tilespmem:s25+$0x970] =	vst v57  }
0xa8: {  	v29 =	vbroadcast v17, $0xD;
	v61 =	vld [tilespmem:s25+$0xA60];
	v63 =	vadd.f32 v51, v3;
	v19 =	vadd.f32 v50, v19;
	[tilespmem:s25+$0x9A0] =	vst v23  }
0xa9: {  	v32 =	vbroadcast v17, $0xB;
	v43 =	vadd.f32 v55, v4;
	v46 =	vld [tilespmem:s25+$0xA10];
	v57 =	vadd.f32 v52, v30;
	[tilespmem:s25+$0x980] =	vst v21  }
0xaa: {  	v39 =	vmul.f32 v28, v11;
	v51 =	vld [tilespmem:s25+$0xA30];
	v42 =	vadd.f32 v59, v60;
	v25 =	vadd.f32 v63, v40;
	[tilespmem:s25+$0x9E0] =	vst v19  }
0xab: {  	v53 =	vld [tilespmem:s25+$0xA40];
	v47 =	vadd.f32 v58, v5;
	v62 =	vadd.f32 v48, v2;
	v63 =	vmul.f32 v32, v10;
	[tilespmem:s25+$0x9F0] =	vst v57  }
0xac: {  	v41 =	vld [tilespmem:s25+$0xA70];
	v56 =	vmul.f32 v32, v8;
	v18 =	vadd.f32 v43, v44;
	v55 =	vadd.f32 v45, v0;
	[tilespmem:s25+$0x990] =	vst v42  }
0xad: {  	v52 =	vmul.f32 v32, v14;
	v58 =	vld [tilespmem:s25+$0xA50];
	v54 =	vadd.f32 v47, v49;
	[tilespmem:s25+$0x9B0] =	vst v25;
	v24 =	vadd.f32 v62, v63  }
0xae: {  	v60 =	vmul.f32 v32, v9;
	v48 =	vld [tilespmem:s25+$0xA90];
	[tilespmem:s25+$0x9C0] =	vst v18;
	v19 =	vadd.f32 v61, v6;
	v21 =	vadd.f32 v55, v56  }
0xaf: {  	v44 =	vmul.f32 v32, v12;
	v45 =	vld [tilespmem:s25+$0xA80];
	v59 =	vadd.f32 v46, v1;
	v40 =	vadd.f32 v51, v3;
	[tilespmem:s25+$0x9D0] =	vst v54  }
0xb0: {  	v37 =	vld [tilespmem:s25+$0xAE0];
	v42 =	vmul.f32 v32, v11;
	v43 =	vadd.f32 v53, v4;
	v19 =	vadd.f32 v19, v52;
	[tilespmem:s25+$0xA20] =	vst v24  }
0xb1: {  	v50 =	vmul.f32 v32, v13;
	v61 =	vld [tilespmem:s25+$0xAD0];
	v53 =	vadd.f32 v41, v7;
	v46 =	vadd.f32 v59, v60;
	[tilespmem:s25+$0xA00] =	vst v21  }
0xb2: {  	v51 =	vld [tilespmem:s25+$0xAA0];
	v55 =	vmul.f32 v32, v15;
	v18 =	vadd.f32 v40, v42;
	v47 =	vadd.f32 v43, v44;
	[tilespmem:s25+$0xA60] =	vst v19  }
0xb3: {  	v63 =	vmul.f32 v28, v9;
	v54 =	vld [tilespmem:s25+$0xAB0];
	v49 =	vadd.f32 v58, v5;
	v62 =	vadd.f32 v48, v1;
	[tilespmem:s25+$0xA10] =	vst v46  }
0xb4: {  	v57 =	vmul.f32 v28, v8;
	v58 =	vld [tilespmem:s25+$0xAC0];
	v20 =	vadd.f32 v53, v55;
	v56 =	vadd.f32 v45, v0;
	[tilespmem:s25+$0xA30] =	vst v18  }
0xb5: {  	v52 =	vmul.f32 v28, v14;
	v40 =	vld [tilespmem:s25+$0xAF0];
	v59 =	vadd.f32 v49, v50;
	[tilespmem:s25+$0xA40] =	vst v47;
	v41 =	vadd.f32 v62, v63  }
0xb6: {  	v44 =	vld [tilespmem:s25+$0xB00];
	v47 =	vadd.f32 v61, v5;
	[tilespmem:s25+$0xA70] =	vst v20;
	v49 =	vmul.f32 v28, v13;
	v50 =	vadd.f32 v37, v6  }
0xb7: {  	v18 =	vmul.f32 v28, v10;
	v46 =	vld [tilespmem:s25+$0xB10];
	v60 =	vadd.f32 v56, v57;
	v36 =	vadd.f32 v51, v2;
	[tilespmem:s25+$0xA50] =	vst v59  }
0xb8: {  	v43 =	vmul.f32 v28, v12;
	v37 =	vld [tilespmem:s25+$0xB70];
	v38 =	vadd.f32 v54, v3;
	[tilespmem:s25+$0xA90] =	vst v41;
	v20 =	vadd.f32 v47, v49  }
0xb9: {  	v28 =	vmul.f32 v28, v15;
	v51 =	vld [tilespmem:s25+$0xB30];
	v42 =	vadd.f32 v58, v4;
	v18 =	vadd.f32 v36, v18;
	[tilespmem:s25+$0xA80] =	vst v60  }
0xba: {  	v48 =	vld [tilespmem:s25+$0xB20];
	v61 =	vmul.f32 v29, v9;
	v53 =	vadd.f32 v40, v7;
	v45 =	vadd.f32 v38, v39;
	[tilespmem:s25+$0xAD0] =	vst v20  }
0xbb: {  	v56 =	vmul.f32 v29, v8;
	v54 =	vld [tilespmem:s25+$0xB40];
	v55 =	vadd.f32 v44, v0;
	v19 =	vadd.f32 v42, v43;
	[tilespmem:s25+$0xAA0] =	vst v18  }
0xbc: {  	v63 =	vmul.f32 v29, v10;
	v41 =	vld [tilespmem:s25+$0xB80];
	v18 =	vadd.f32 v50, v52;
	v57 =	vadd.f32 v53, v28;
	[tilespmem:s25+$0xAB0] =	vst v45  }
0xbd: {  	v58 =	vld [tilespmem:s25+$0xB50];
	v40 =	vmul.f32 v29, v12;
	v59 =	vadd.f32 v55, v56;
	v60 =	vadd.f32 v46, v1;
	[tilespmem:s25+$0xAC0] =	vst v19  }
0xbe: {  	v62 =	vld [tilespmem:s25+$0xB60];
	v38 =	vmul.f32 v29, v11;
	v49 =	vadd.f32 v37, v7;
	v36 =	vadd.f32 v51, v3;
	[tilespmem:s25+$0xAE0] =	vst v18  }
0xbf: {  	v47 =	vld [tilespmem:s25+$0xBA0];
	v46 =	vbroadcast v17, $0xE;
	v19 =	vadd.f32 v48, v2;
	v18 =	vadd.f32 v60, v61;
	[tilespmem:s25+$0xAF0] =	vst v57  }
0xc0: {  	v50 =	vld [tilespmem:s25+$0xBB0];
	v17 =	vbroadcast v17, $0xF;
	v39 =	vadd.f32 v54, v4;
	[tilespmem:s25+$0xB00] =	vst v59;
	v20 =	vadd.f32 v36, v38  }
0xc1: {  	v43 =	vld [tilespmem:s25+$0xB90];
	v51 =	vadd.f32 v41, v0;
	v52 =	vmul.f32 v46, v8;
	v19 =	vadd.f32 v19, v63;
	[tilespmem:s25+$0xB10] =	vst v18  }
0xc2: {  	v45 =	vmul.f32 v29, v13;
	v44 =	vadd.f32 v58, v5;
	v42 =	vadd.f32 v39, v40;
	[tilespmem:s25+$0xB30] =	vst v20  }
0xc3: {  	v56 =	vld [tilespmem:s25+$0xBD0];
	v48 =	vmul.f32 v29, v14;
	v18 =	vadd.f32 v62, v6;
	v55 =	vadd.f32 v51, v52;
	[tilespmem:s25+$0xB20] =	vst v19  }
0xc4: {  	v53 =	vld [tilespmem:s25+$0xBC0];
	v59 =	vadd.f32 v47, v2;
	v54 =	vadd.f32 v44, v45;
	v19 =	vmul.f32 v29, v15;
	[tilespmem:s25+$0xB40] =	vst v42  }
0xc5: {  	v37 =	vld [tilespmem:s25+$0xC10];
	v62 =	vmul.f32 v46, v11;
	v61 =	vadd.f32 v50, v3;
	v18 =	vadd.f32 v18, v48;
	[tilespmem:s25+$0xB80] =	vst v55  }
0xc6: {  	v60 =	vld [tilespmem:s25+$0xBE0];
	v58 =	vmul.f32 v46, v9;
	v57 =	vadd.f32 v43, v1;
	[tilespmem:s25+$0xB50] =	vst v54;
	v19 =	vadd.f32 v49, v19  }
0xc7: {  	v34 =	vmul.f32 v46, v12;
	v63 =	vld [tilespmem:s25+$0xBF0];
	v36 =	vadd.f32 v61, v62;
	[tilespmem:s25+$0xB60] =	vst v18;
	v18 =	vmul.f32 v46, v10  }
0xc8: {  	v35 =	vld [tilespmem:s25+$0xC00];
	v39 =	vmul.f32 v46, v13;
	v38 =	vadd.f32 v56, v5;
	[tilespmem:s25+$0xB70] =	vst v19;
	v19 =	vadd.f32 v57, v58  }
0xc9: {  	v41 =	vmul.f32 v46, v14;
	v33 =	vadd.f32 v53, v4;
	v42 =	vld [tilespmem:s25+$0xC30];
	[tilespmem:s25+$0xBB0] =	vst v36;
	v18 =	vadd.f32 v59, v18  }
0xca: {  	v40 =	vld [tilespmem:s25+$0xC20];
	v50 =	vmul.f32 v17, v9;
	v20 =	vadd.f32 v38, v39;
	v49 =	vadd.f32 v37, v1;
	[tilespmem:s25+$0xB90] =	vst v19  }
0xcb: {  	v47 =	vld [tilespmem:s25+$0xC50];
	v52 =	vmul.f32 v17, v10;
	v19 =	vadd.f32 v33, v34;
	[tilespmem:s25+$0xBA0] =	vst v18;
	v18 =	vadd.f32 v60, v6  }
0xcc: {  	v44 =	vmul.f32 v46, v15;
	v45 =	vld [tilespmem:s25+$0xC40];
	v43 =	vadd.f32 v63, v7;
	[tilespmem:s25+$0xBD0] =	vst v20;
	v54 =	vadd.f32 v49, v50  }
0xcd: {  	v53 =	vld [tilespmem:s25+$0xC70];
	v46 =	vmul.f32 v17, v8;
	[tilespmem:s25+$0xBC0] =	vst v19;
	v18 =	vadd.f32 v18, v41;
	v19 =	vadd.f32 v35, v0  }
0xce: {  	v51 =	vld [tilespmem:s25+$0xC60];
	v56 =	vmul.f32 v17, v11;
	v48 =	vadd.f32 v43, v44;
	v55 =	vadd.f32 v42, v3;
	[tilespmem:s25+$0xC10] =	vst v54  }
0xcf: {  	v61 =	vmul.f32 v17, v14;
	[tilespmem:s25+$0xBE0] =	vst v18;
	v18 =	vadd.f32 v19, v46;
	v19 =	vadd.f32 v40, v2  }
0xd0: {  	v59 =	vadd.f32 v47, v5;
	v60 =	vmul.f32 v17, v13;
	[tilespmem:s25+$0xBF0] =	vst v48;
	v58 =	vadd.f32 v55, v56  }
0xd1: {  	v57 =	vmul.f32 v17, v12;
	[tilespmem:s25+$0xC00] =	vst v18;
	v18 =	vadd.f32 v19, v52;
	v19 =	vadd.f32 v45, v4  }
0xd2: {  	p0 =	sne.s32 s24, $0x7;
	v63 =	vadd.f32 v53, v7;
	v17 =	vmul.f32 v17, v15;
	v62 =	vadd.f32 v59, v60;
	[tilespmem:s25+$0xC30] =	vst v58  }
.Ltmp0:
0xd3: {  	[tilespmem:s25+$0xC20] =	vst v18;
	v18 =	vadd.f32 v19, v57;
	v19 =	vadd.f32 v51, v6;
	(pc) =	sbr.rel @p0 .LBB2_3-.Ltmp0, $4  }
0xd4: {  	v17 =	vadd.f32 v63, v17;
	[tilespmem:s25+$0xC50] =	vst v62  }
0xd5: {  	[tilespmem:s25+$0xC40] =	vst v18;
	v18 =	vadd.f32 v19, v61  }
0xd6: {  	[tilespmem:s25+$0xC70] =	vst v17  }
0xd7: {  	s24 =	sadd.s32 $0x1, s24;
	[tilespmem:s25+$0xC60] =	vst v18  }
0xd8: {  	p0 =	sne.s32 s21, $0x4  }
.Ltmp1:
0xd9: {  	s23 =	sshll.u32 s22, $0xE;
	(pc) =	sbr.rel @p0 .LBB2_2-.Ltmp1, $4  }
0xda: {  	s31 =	sshll.u32 s22, $0xB;
	s23 =	sand.u32 $0x3FFFC000, s23  }
0xdb: {  	s22 =	sadd.s32 s31, s7;
	s23 =	sor.u32 $0x480, s23  }
0xdc: {  	[hbm4b:s22+s4] =	stream.linear.scatter [tilespmem:s23], [sflag:$0x5], $0x4000, $0x38;
	[tilespmem:$0x10580] =	vst v63  }
0xdd: {  	s22 =	smov.u32 s21  }
0xde: {  	_ =	swait.ge [sflag:s19], $0x4000  }
0xdf: {  	[sflag:s19] =	ssyncset.done $0x0  }
0xe0: {  	[sflag:s19] =	ssyncadd.s32 $0xFFFFC000  }
0xe1: {  	_ =	swait.ge [sflag:s19], $0x4000  }
0xe2: {  	[sflag:s19] =	ssyncset.done $0x0  }
0xe3: {  	s20 =	sadd.s32 $0x1, s20;
	[sflag:s19] =	ssyncadd.s32 $0xFFFFC000  }
0xe4: {  	p0 =	sne.s32 s20, s8;
	_ =	swait.ge [sflag:s19], $0x4000  }
.Ltmp2:
0xe5: {  	[sflag:s19] =	ssyncset.done $0x0;
	(pc) =	sbr.rel @p0 .LBB2_1-.Ltmp2, $4  }
0xe6: {  	[sflag:s19] =	ssyncadd.s32 $0xFFFFC000  }
0xe7: {  	_ =	swait.ge [sflag:s19], $0x4000  }
0xe8: {  	[sflag:s19] =	ssyncset.done $0x0  }
0xe9: {  	[sflag:s19] =	ssyncadd.s32 $0xFFFFC000  }
0xea: {  	_ =	sfence.sel $0x180000  }
0xeb: {  	[bflag:$0x0] =	sbarrier.arrive $0xFFFF  }
0xec: {  	p0 =	sne.s32 s2, $0x0;
	_ =	strace $0x90000047  }
0xed: {  	s0 =	sadd.s32 @!p0 $0x100000, s0;
	[bflag:$0x2] =	sbarrier.arrive $0xFFFF  }
0xee: {  	[sflag:s0] =	ssyncadd.tile.s32 @!p0 $0x1;
	_ =	shalt  }
.Lfunc_end2:
_tile_overlayer_lowered:
.L_overlay_start_2:
0xef: {  	(tag) =	ssettag $0x2  }
0xf0: {  	s0 =	rddreg [dreg:$0x0];
	s2 =	stileid.u32  }
0xf1: {  	s1 =	rddreg [dreg:$0x1];
	p0 =	sne.s32 s2, $0x0  }
0xf2: {  	s3 =	rddreg [dreg:$0x2];
	[bflag:$0x3] =	sbarrier.arrive $0xFFFF;
	s2 =	simm.s32 @!p0 $0x1C06  }
0xf3: {  	[timem:s3], [sflag:s2] =	dma.local @!p0 [hbm:s0], s1  }
0xf4: {  	s0 =	simm.s32 @!p0 $0x6  }
0xf5: {  	_ =	swait.ge @!p0 [sflag:s0], s1  }
0xf6: {  	s1 =	ssub.s32 @!p0 $0x0, s1;
	[sflag:s0] =	ssyncset.done @!p0 $0x0  }
0xf7: {  	[sflag:s0] =	ssyncadd.s32 @!p0 s1  }
0xf8: {  	[bflag:$0x3] =	sbarrier.arrive $0xFFFF  }
0xf9: {  	_ =	shalt  }

</sc_bundles>
